<compile_context>
chip_gen: v7x
topology: tpu7x:2x2x1
jax: 0.10.2.dev20260603
libtpu: 0.0.44.dev20260713+nightly
codegen_flags: <defaults>
</compile_context>

<pallas_src>
import functools

import jax
import jax.numpy as jnp
from jax import lax
from jax.experimental import pallas as pl
from jax.experimental.pallas import tpu as pltpu
from jax.experimental.pallas import tpu_sc as plsc

_BATCH = 16384
_SEQ = 200
_D = 32
_NC = 2
_NS = 16
_NW = _NC * _NS
_BW = _BATCH // _NW
_LANE = 128
_SUB = 8
_DT = _D // _SUB
_BT_W = _BW // _LANE
_T_STRIDE = _D * _BATCH
_DT_STRIDE = _SUB * _BATCH
_W_TILE = _BW * _D


def _emb_body(table_hbm, xt_hbm, out_hbm, idx_v, rows_v, tr_v, si, sg, so):
    wid = lax.axis_index("s") * _NC + lax.axis_index("c")
    iota = lax.iota(jnp.int32, 16)
    row_ids = [iota + (btl * _LANE + g * 16)
               for btl in range(_BT_W) for g in range(_LANE // 16)]

    def start_idx(t, s):
        for c in range(_BT_W):
            off = (((t // _SUB) * (_BATCH // _LANE) + wid * _BT_W + c)
                   * (_SUB * _LANE) + (t % _SUB) * _LANE)
            pltpu.async_copy(xt_hbm.at[pl.ds(off, _LANE)],
                             idx_v[s].at[pl.ds(c * _LANE, _LANE)], si[s])

    def wait_idx(s):
        pltpu.make_async_copy(xt_hbm.at[pl.ds(0, _BW)], idx_v[s], si[s]).wait()

    def start_gather(s):
        pltpu.async_copy(table_hbm.at[idx_v[s]], rows_v[s], sg[s])

    def wait_gather(s):
        pltpu.make_async_copy(table_hbm.at[idx_v[s]], rows_v[s], sg[s]).wait()

    def start_out(t, s):
        for dt in range(_DT):
            off = t * _T_STRIDE + dt * _DT_STRIDE + wid * (_BT_W * _SUB * _LANE)
            pltpu.async_copy(
                tr_v[s].at[pl.ds(dt * (_BT_W * _SUB * _LANE), _BT_W * _SUB * _LANE)],
                out_hbm.at[pl.ds(off, _BT_W * _SUB * _LANE)], so[s])

    def wait_out(s):
        pltpu.make_async_copy(tr_v[s], out_hbm.at[pl.ds(0, _W_TILE)], so[s]).wait()

    def retile(s):
        @plsc.parallel_loop(0, _D, unroll=2)
        def col_fn(k):
            col = (iota + k) & (_D - 1)
            base_off = ((col >> 3) * (_BT_W * _SUB * _LANE)
                        + (col & (_SUB - 1)) * _LANE + iota)
            for i, rid in enumerate(row_ids):
                btl, g = divmod(i, _LANE // 16)
                vals = plsc.load_gather(rows_v[s], [rid, col])
                sidx = base_off + (btl * (_SUB * _LANE) + g * 16)
                plsc.store_scatter(tr_v[s], [sidx], vals)

    start_idx(0, 0)
    start_idx(1, 1)
    wait_idx(0)
    start_gather(0)

    def step_fn(gstep, carry):
        for s in (0, 1):
            t = 2 * gstep + s
            wait_gather(s)

            @pl.when(t + 1 < _SEQ)
            def _():
                wait_idx(s ^ 1)
                start_gather(s ^ 1)

            @pl.when(t >= 2)
            def _():
                wait_out(s)

            retile(s)
            start_out(t, s)

            @pl.when(t + 2 < _SEQ)
            def _():
                start_idx(t + 2, s)
        return carry

    lax.fori_loop(0, _SEQ // 2, step_fn, 0)
    wait_out(0)
    wait_out(1)


@jax.jit
def kernel(x, emb_tim):
    xt = (x.reshape(_BATCH // _LANE, _LANE, _SEQ // _SUB, _SUB)
          .transpose(2, 0, 3, 1)
          .reshape(-1).astype(jnp.int32))
    mesh = plsc.VectorSubcoreMesh(core_axis_name="c", subcore_axis_name="s")
    run = functools.partial(
        pl.kernel,
        mesh=mesh,
        out_type=jax.ShapeDtypeStruct((_SEQ * _D * _BATCH,), jnp.float32),
        scratch_types=[
            [pltpu.VMEM((_BW,), jnp.int32) for _ in range(2)],
            [pltpu.VMEM((_BW, _D), jnp.float32) for _ in range(2)],
            [pltpu.VMEM((_W_TILE,), jnp.float32) for _ in range(2)],
            [pltpu.SemaphoreType.DMA for _ in range(2)],
            [pltpu.SemaphoreType.DMA for _ in range(2)],
            [pltpu.SemaphoreType.DMA for _ in range(2)],
        ],
        compiler_params=pltpu.CompilerParams(
            use_tc_tiling_on_sc=False, needs_layout_passes=False),
    )(_emb_body)
    flat = run(emb_tim, xt)
    return (flat.reshape(_SEQ, _DT, _BATCH // _LANE, _SUB, _LANE)
            .transpose(2, 4, 0, 1, 3)
            .reshape(_BATCH, _SEQ, _D))

# --- scband reference (transcript-rebuilt; emitter-appended) ---
"""Pipeline reference for scband-tim-diff-emb-23476291240223 (READ-ONLY COPY).

The authoritative reference and input builder live on the scoring server;
editing this copy changes nothing except your own understanding.
"""

import jax, jax.numpy as jnp
import numpy as np

TIM_SIZE = 100000
TIM_EMB_SIZE = 32

def setup_inputs(seed: int = 0) -> dict:
    key = jax.random.key(seed)
    k_idx, k_tab = jax.random.split(key)
    x = jax.random.randint(k_idx, (16384, 200), 0, TIM_SIZE, dtype=jnp.int64)
    emb_tim = jax.random.normal(k_tab, (TIM_SIZE, TIM_EMB_SIZE), dtype=jnp.float32)
    return {"x": x, "emb_tim": emb_tim}

def reference(x, emb_tim):
    # nn.Embedding lookup: gather rows of the table by index
    return jnp.take(emb_tim, x, axis=0)

if __name__ == "__main__":
    import jax
    _d = setup_inputs()
    print(jax.jit(kernel)(*tuple(_d.values())))

</pallas_src>

<mosaic_0001>
#map = affine_map<(d0, d1) -> (0, 0)>
#map1 = affine_map<(d0, d1) -> (0)>
module attributes {stable_mosaic.version = 14 : i64} {
  func.func @_emb_body(%arg0: i32, %arg1: i32, %arg2: memref<100000x32xf32, #tpu.memory_space<hbm>>, %arg3: memref<3276800xi32, #tpu.memory_space<hbm>>, %arg4: memref<104857600xf32, #tpu.memory_space<hbm>>, %arg5: memref<512xi32, #tpu.memory_space<vmem>>, %arg6: memref<512xi32, #tpu.memory_space<vmem>>, %arg7: memref<512x32xf32, #tpu.memory_space<vmem>>, %arg8: memref<512x32xf32, #tpu.memory_space<vmem>>, %arg9: memref<16384xf32, #tpu.memory_space<vmem>>, %arg10: memref<16384xf32, #tpu.memory_space<vmem>>, %arg11: memref<!tpu.dma_semaphore, #tpu.memory_space<semaphore_mem>>, %arg12: memref<!tpu.dma_semaphore, #tpu.memory_space<semaphore_mem>>, %arg13: memref<!tpu.dma_semaphore, #tpu.memory_space<semaphore_mem>>, %arg14: memref<!tpu.dma_semaphore, #tpu.memory_space<semaphore_mem>>, %arg15: memref<!tpu.dma_semaphore, #tpu.memory_space<semaphore_mem>>, %arg16: memref<!tpu.dma_semaphore, #tpu.memory_space<semaphore_mem>>) attributes {dimension_semantics = [#tpu.dimension_semantics<core_parallel>, #tpu.dimension_semantics<subcore_parallel>], iteration_bounds = array<i64: 2, 16>, scalar_prefetch = 0 : i64, scratch_operands = 12 : i64, tpu.core_type = #tpu.core_type<sc_vector_subcore>, window_params = [{transform_indices = #map}, {transform_indices = #map1}, {transform_indices = #map1}]} {
    %mul3A = arith.constant 2 : i32
    %mul3A_0 = arith.muli %arg1, %mul3A : i32
    %add3A = arith.addi %mul3A_0, %arg0 : i32
    %iota3A = tpu.iota {dimensions = array<i32: 0>} : vector<16xi32>
    %add3A_1 = arith.constant 0 : i32
    %add3A_2 = vector.broadcast %add3A_1 : i32 to vector<16xi32>
    %add3A_3 = arith.addi %iota3A, %add3A_2 : vector<16xi32>
    %add3A_4 = arith.constant 16 : i32
    %add3A_5 = vector.broadcast %add3A_4 : i32 to vector<16xi32>
    %add3A_6 = arith.addi %iota3A, %add3A_5 : vector<16xi32>
    %add3A_7 = arith.constant 32 : i32
    %add3A_8 = vector.broadcast %add3A_7 : i32 to vector<16xi32>
    %add3A_9 = arith.addi %iota3A, %add3A_8 : vector<16xi32>
    %add3A_10 = arith.constant 48 : i32
    %add3A_11 = vector.broadcast %add3A_10 : i32 to vector<16xi32>
    %add3A_12 = arith.addi %iota3A, %add3A_11 : vector<16xi32>
    %add3A_13 = arith.constant 64 : i32
    %add3A_14 = vector.broadcast %add3A_13 : i32 to vector<16xi32>
    %add3A_15 = arith.addi %iota3A, %add3A_14 : vector<16xi32>
    %add3A_16 = arith.constant 80 : i32
    %add3A_17 = vector.broadcast %add3A_16 : i32 to vector<16xi32>
    %add3A_18 = arith.addi %iota3A, %add3A_17 : vector<16xi32>
    %add3A_19 = arith.constant 96 : i32
    %add3A_20 = vector.broadcast %add3A_19 : i32 to vector<16xi32>
    %add3A_21 = arith.addi %iota3A, %add3A_20 : vector<16xi32>
    %add3A_22 = arith.constant 112 : i32
    %add3A_23 = vector.broadcast %add3A_22 : i32 to vector<16xi32>
    %add3A_24 = arith.addi %iota3A, %add3A_23 : vector<16xi32>
    %add3A_25 = arith.constant 128 : i32
    %add3A_26 = vector.broadcast %add3A_25 : i32 to vector<16xi32>
    %add3A_27 = arith.addi %iota3A, %add3A_26 : vector<16xi32>
    %add3A_28 = arith.constant 144 : i32
    %add3A_29 = vector.broadcast %add3A_28 : i32 to vector<16xi32>
    %add3A_30 = arith.addi %iota3A, %add3A_29 : vector<16xi32>
    %add3A_31 = arith.constant 160 : i32
    %add3A_32 = vector.broadcast %add3A_31 : i32 to vector<16xi32>
    %add3A_33 = arith.addi %iota3A, %add3A_32 : vector<16xi32>
    %add3A_34 = arith.constant 176 : i32
    %add3A_35 = vector.broadcast %add3A_34 : i32 to vector<16xi32>
    %add3A_36 = arith.addi %iota3A, %add3A_35 : vector<16xi32>
    %add3A_37 = arith.constant 192 : i32
    %add3A_38 = vector.broadcast %add3A_37 : i32 to vector<16xi32>
    %add3A_39 = arith.addi %iota3A, %add3A_38 : vector<16xi32>
    %add3A_40 = arith.constant 208 : i32
    %add3A_41 = vector.broadcast %add3A_40 : i32 to vector<16xi32>
    %add3A_42 = arith.addi %iota3A, %add3A_41 : vector<16xi32>
    %add3A_43 = arith.constant 224 : i32
    %add3A_44 = vector.broadcast %add3A_43 : i32 to vector<16xi32>
    %add3A_45 = arith.addi %iota3A, %add3A_44 : vector<16xi32>
    %add3A_46 = arith.constant 240 : i32
    %add3A_47 = vector.broadcast %add3A_46 : i32 to vector<16xi32>
    %add3A_48 = arith.addi %iota3A, %add3A_47 : vector<16xi32>
    %add3A_49 = arith.constant 256 : i32
    %add3A_50 = vector.broadcast %add3A_49 : i32 to vector<16xi32>
    %add3A_51 = arith.addi %iota3A, %add3A_50 : vector<16xi32>
    %add3A_52 = arith.constant 272 : i32
    %add3A_53 = vector.broadcast %add3A_52 : i32 to vector<16xi32>
    %add3A_54 = arith.addi %iota3A, %add3A_53 : vector<16xi32>
    %add3A_55 = arith.constant 288 : i32
    %add3A_56 = vector.broadcast %add3A_55 : i32 to vector<16xi32>
    %add3A_57 = arith.addi %iota3A, %add3A_56 : vector<16xi32>
    %add3A_58 = arith.constant 304 : i32
    %add3A_59 = vector.broadcast %add3A_58 : i32 to vector<16xi32>
    %add3A_60 = arith.addi %iota3A, %add3A_59 : vector<16xi32>
    %add3A_61 = arith.constant 320 : i32
    %add3A_62 = vector.broadcast %add3A_61 : i32 to vector<16xi32>
    %add3A_63 = arith.addi %iota3A, %add3A_62 : vector<16xi32>
    %add3A_64 = arith.constant 336 : i32
    %add3A_65 = vector.broadcast %add3A_64 : i32 to vector<16xi32>
    %add3A_66 = arith.addi %iota3A, %add3A_65 : vector<16xi32>
    %add3A_67 = arith.constant 352 : i32
    %add3A_68 = vector.broadcast %add3A_67 : i32 to vector<16xi32>
    %add3A_69 = arith.addi %iota3A, %add3A_68 : vector<16xi32>
    %add3A_70 = arith.constant 368 : i32
    %add3A_71 = vector.broadcast %add3A_70 : i32 to vector<16xi32>
    %add3A_72 = arith.addi %iota3A, %add3A_71 : vector<16xi32>
    %add3A_73 = arith.constant 384 : i32
    %add3A_74 = vector.broadcast %add3A_73 : i32 to vector<16xi32>
    %add3A_75 = arith.addi %iota3A, %add3A_74 : vector<16xi32>
    %add3A_76 = arith.constant 400 : i32
    %add3A_77 = vector.broadcast %add3A_76 : i32 to vector<16xi32>
    %add3A_78 = arith.addi %iota3A, %add3A_77 : vector<16xi32>
    %add3A_79 = arith.constant 416 : i32
    %add3A_80 = vector.broadcast %add3A_79 : i32 to vector<16xi32>
    %add3A_81 = arith.addi %iota3A, %add3A_80 : vector<16xi32>
    %add3A_82 = arith.constant 432 : i32
    %add3A_83 = vector.broadcast %add3A_82 : i32 to vector<16xi32>
    %add3A_84 = arith.addi %iota3A, %add3A_83 : vector<16xi32>
    %add3A_85 = arith.constant 448 : i32
    %add3A_86 = vector.broadcast %add3A_85 : i32 to vector<16xi32>
    %add3A_87 = arith.addi %iota3A, %add3A_86 : vector<16xi32>
    %add3A_88 = arith.constant 464 : i32
    %add3A_89 = vector.broadcast %add3A_88 : i32 to vector<16xi32>
    %add3A_90 = arith.addi %iota3A, %add3A_89 : vector<16xi32>
    %add3A_91 = arith.constant 480 : i32
    %add3A_92 = vector.broadcast %add3A_91 : i32 to vector<16xi32>
    %add3A_93 = arith.addi %iota3A, %add3A_92 : vector<16xi32>
    %add3A_94 = arith.constant 496 : i32
    %add3A_95 = vector.broadcast %add3A_94 : i32 to vector<16xi32>
    %add3A_96 = arith.addi %iota3A, %add3A_95 : vector<16xi32>
    %mul3A_97 = arith.constant 4 : i32
    %mul3A_98 = arith.muli %add3A, %mul3A_97 : i32
    %add3A_99 = arith.constant 0 : i32
    %add3A_100 = arith.addi %add3A_99, %mul3A_98 : i32
    %add3A_101 = arith.constant 0 : i32
    %add3A_102 = arith.addi %add3A_100, %add3A_101 : i32
    %mul3A_103 = arith.constant 1024 : i32
    %mul3A_104 = arith.muli %add3A_102, %mul3A_103 : i32
    %add3A_105 = arith.constant 0 : i32
    %add3A_106 = arith.addi %mul3A_104, %add3A_105 : i32
    %dma_start3A = arith.constant 0 : i32
    %dma_start3A_107 = tpu.memref_slice %arg5[%dma_start3A] : memref<512xi32, #tpu.memory_space<vmem>> -> memref<128xi32, #tpu.memory_space<vmem>>
    %dma_start3A_108 = tpu.memref_slice %arg3[%add3A_106] : memref<3276800xi32, #tpu.memory_space<hbm>> -> memref<128xi32, #tpu.memory_space<hbm>>
    %dma_start3A_109 = arith.constant 0 : i32
    %dma_start3A_110 = tpu.memref_slice %arg5[%dma_start3A_109] : memref<512xi32, #tpu.memory_space<vmem>> -> memref<128xi32, #tpu.memory_space<vmem>>
    %dma_start3A_111 = tpu.memref_slice %arg3[%add3A_106] : memref<3276800xi32, #tpu.memory_space<hbm>> -> memref<128xi32, #tpu.memory_space<hbm>>
    tpu.enqueue_dma source(%dma_start3A_111 : memref<128xi32, #tpu.memory_space<hbm>>) target(%dma_start3A_110 : memref<128xi32, #tpu.memory_space<vmem>>) target_semaphore(%arg11 : memref<!tpu.dma_semaphore, #tpu.memory_space<semaphore_mem>>)
    %mul3A_112 = arith.constant 4 : i32
    %mul3A_113 = arith.muli %add3A, %mul3A_112 : i32
    %add3A_114 = arith.constant 0 : i32
    %add3A_115 = arith.addi %add3A_114, %mul3A_113 : i32
    %add3A_116 = arith.constant 1 : i32
    %add3A_117 = arith.addi %add3A_115, %add3A_116 : i32
    %mul3A_118 = arith.constant 1024 : i32
    %mul3A_119 = arith.muli %add3A_117, %mul3A_118 : i32
    %add3A_120 = arith.constant 0 : i32
    %add3A_121 = arith.addi %mul3A_119, %add3A_120 : i32
    %dma_start3A_122 = arith.constant 128 : i32
    %dma_start3A_123 = tpu.memref_slice %arg5[%dma_start3A_122] : memref<512xi32, #tpu.memory_space<vmem>> -> memref<128xi32, #tpu.memory_space<vmem>>
    %dma_start3A_124 = tpu.memref_slice %arg3[%add3A_121] : memref<3276800xi32, #tpu.memory_space<hbm>> -> memref<128xi32, #tpu.memory_space<hbm>>
    %dma_start3A_125 = arith.constant 128 : i32
    %dma_start3A_126 = tpu.memref_slice %arg5[%dma_start3A_125] : memref<512xi32, #tpu.memory_space<vmem>> -> memref<128xi32, #tpu.memory_space<vmem>>
    %dma_start3A_127 = tpu.memref_slice %arg3[%add3A_121] : memref<3276800xi32, #tpu.memory_space<hbm>> -> memref<128xi32, #tpu.memory_space<hbm>>
    tpu.enqueue_dma source(%dma_start3A_127 : memref<128xi32, #tpu.memory_space<hbm>>) target(%dma_start3A_126 : memref<128xi32, #tpu.memory_space<vmem>>) target_semaphore(%arg11 : memref<!tpu.dma_semaphore, #tpu.memory_space<semaphore_mem>>)
    %mul3A_128 = arith.constant 4 : i32
    %mul3A_129 = arith.muli %add3A, %mul3A_128 : i32
    %add3A_130 = arith.constant 0 : i32
    %add3A_131 = arith.addi %add3A_130, %mul3A_129 : i32
    %add3A_132 = arith.constant 2 : i32
    %add3A_133 = arith.addi %add3A_131, %add3A_132 : i32
    %mul3A_134 = arith.constant 1024 : i32
    %mul3A_135 = arith.muli %add3A_133, %mul3A_134 : i32
    %add3A_136 = arith.constant 0 : i32
    %add3A_137 = arith.addi %mul3A_135, %add3A_136 : i32
    %dma_start3A_138 = arith.constant 256 : i32
    %dma_start3A_139 = tpu.memref_slice %arg5[%dma_start3A_138] : memref<512xi32, #tpu.memory_space<vmem>> -> memref<128xi32, #tpu.memory_space<vmem>>
    %dma_start3A_140 = tpu.memref_slice %arg3[%add3A_137] : memref<3276800xi32, #tpu.memory_space<hbm>> -> memref<128xi32, #tpu.memory_space<hbm>>
    %dma_start3A_141 = arith.constant 256 : i32
    %dma_start3A_142 = tpu.memref_slice %arg5[%dma_start3A_141] : memref<512xi32, #tpu.memory_space<vmem>> -> memref<128xi32, #tpu.memory_space<vmem>>
    %dma_start3A_143 = tpu.memref_slice %arg3[%add3A_137] : memref<3276800xi32, #tpu.memory_space<hbm>> -> memref<128xi32, #tpu.memory_space<hbm>>
    tpu.enqueue_dma source(%dma_start3A_143 : memref<128xi32, #tpu.memory_space<hbm>>) target(%dma_start3A_142 : memref<128xi32, #tpu.memory_space<vmem>>) target_semaphore(%arg11 : memref<!tpu.dma_semaphore, #tpu.memory_space<semaphore_mem>>)
    %mul3A_144 = arith.constant 4 : i32
    %mul3A_145 = arith.muli %add3A, %mul3A_144 : i32
    %add3A_146 = arith.constant 0 : i32
    %add3A_147 = arith.addi %add3A_146, %mul3A_145 : i32
    %add3A_148 = arith.constant 3 : i32
    %add3A_149 = arith.addi %add3A_147, %add3A_148 : i32
    %mul3A_150 = arith.constant 1024 : i32
    %mul3A_151 = arith.muli %add3A_149, %mul3A_150 : i32
    %add3A_152 = arith.constant 0 : i32
    %add3A_153 = arith.addi %mul3A_151, %add3A_152 : i32
    %dma_start3A_154 = arith.constant 384 : i32
    %dma_start3A_155 = tpu.memref_slice %arg5[%dma_start3A_154] : memref<512xi32, #tpu.memory_space<vmem>> -> memref<128xi32, #tpu.memory_space<vmem>>
    %dma_start3A_156 = tpu.memref_slice %arg3[%add3A_153] : memref<3276800xi32, #tpu.memory_space<hbm>> -> memref<128xi32, #tpu.memory_space<hbm>>
    %dma_start3A_157 = arith.constant 384 : i32
    %dma_start3A_158 = tpu.memref_slice %arg5[%dma_start3A_157] : memref<512xi32, #tpu.memory_space<vmem>> -> memref<128xi32, #tpu.memory_space<vmem>>
    %dma_start3A_159 = tpu.memref_slice %arg3[%add3A_153] : memref<3276800xi32, #tpu.memory_space<hbm>> -> memref<128xi32, #tpu.memory_space<hbm>>
    tpu.enqueue_dma source(%dma_start3A_159 : memref<128xi32, #tpu.memory_space<hbm>>) target(%dma_start3A_158 : memref<128xi32, #tpu.memory_space<vmem>>) target_semaphore(%arg11 : memref<!tpu.dma_semaphore, #tpu.memory_space<semaphore_mem>>)
    %mul3A_160 = arith.constant 4 : i32
    %mul3A_161 = arith.muli %add3A, %mul3A_160 : i32
    %add3A_162 = arith.constant 0 : i32
    %add3A_163 = arith.addi %add3A_162, %mul3A_161 : i32
    %add3A_164 = arith.constant 0 : i32
    %add3A_165 = arith.addi %add3A_163, %add3A_164 : i32
    %mul3A_166 = arith.constant 1024 : i32
    %mul3A_167 = arith.muli %add3A_165, %mul3A_166 : i32
    %add3A_168 = arith.constant 128 : i32
    %add3A_169 = arith.addi %mul3A_167, %add3A_168 : i32
    %dma_start3A_170 = arith.constant 0 : i32
    %dma_start3A_171 = tpu.memref_slice %arg6[%dma_start3A_170] : memref<512xi32, #tpu.memory_space<vmem>> -> memref<128xi32, #tpu.memory_space<vmem>>
    %dma_start3A_172 = tpu.memref_slice %arg3[%add3A_169] : memref<3276800xi32, #tpu.memory_space<hbm>> -> memref<128xi32, #tpu.memory_space<hbm>>
    %dma_start3A_173 = arith.constant 0 : i32
    %dma_start3A_174 = tpu.memref_slice %arg6[%dma_start3A_173] : memref<512xi32, #tpu.memory_space<vmem>> -> memref<128xi32, #tpu.memory_space<vmem>>
    %dma_start3A_175 = tpu.memref_slice %arg3[%add3A_169] : memref<3276800xi32, #tpu.memory_space<hbm>> -> memref<128xi32, #tpu.memory_space<hbm>>
    tpu.enqueue_dma source(%dma_start3A_175 : memref<128xi32, #tpu.memory_space<hbm>>) target(%dma_start3A_174 : memref<128xi32, #tpu.memory_space<vmem>>) target_semaphore(%arg12 : memref<!tpu.dma_semaphore, #tpu.memory_space<semaphore_mem>>)
    %mul3A_176 = arith.constant 4 : i32
    %mul3A_177 = arith.muli %add3A, %mul3A_176 : i32
    %add3A_178 = arith.constant 0 : i32
    %add3A_179 = arith.addi %add3A_178, %mul3A_177 : i32
    %add3A_180 = arith.constant 1 : i32
    %add3A_181 = arith.addi %add3A_179, %add3A_180 : i32
    %mul3A_182 = arith.constant 1024 : i32
    %mul3A_183 = arith.muli %add3A_181, %mul3A_182 : i32
    %add3A_184 = arith.constant 128 : i32
    %add3A_185 = arith.addi %mul3A_183, %add3A_184 : i32
    %dma_start3A_186 = arith.constant 128 : i32
    %dma_start3A_187 = tpu.memref_slice %arg6[%dma_start3A_186] : memref<512xi32, #tpu.memory_space<vmem>> -> memref<128xi32, #tpu.memory_space<vmem>>
    %dma_start3A_188 = tpu.memref_slice %arg3[%add3A_185] : memref<3276800xi32, #tpu.memory_space<hbm>> -> memref<128xi32, #tpu.memory_space<hbm>>
    %dma_start3A_189 = arith.constant 128 : i32
    %dma_start3A_190 = tpu.memref_slice %arg6[%dma_start3A_189] : memref<512xi32, #tpu.memory_space<vmem>> -> memref<128xi32, #tpu.memory_space<vmem>>
    %dma_start3A_191 = tpu.memref_slice %arg3[%add3A_185] : memref<3276800xi32, #tpu.memory_space<hbm>> -> memref<128xi32, #tpu.memory_space<hbm>>
    tpu.enqueue_dma source(%dma_start3A_191 : memref<128xi32, #tpu.memory_space<hbm>>) target(%dma_start3A_190 : memref<128xi32, #tpu.memory_space<vmem>>) target_semaphore(%arg12 : memref<!tpu.dma_semaphore, #tpu.memory_space<semaphore_mem>>)
    %mul3A_192 = arith.constant 4 : i32
    %mul3A_193 = arith.muli %add3A, %mul3A_192 : i32
    %add3A_194 = arith.constant 0 : i32
    %add3A_195 = arith.addi %add3A_194, %mul3A_193 : i32
    %add3A_196 = arith.constant 2 : i32
    %add3A_197 = arith.addi %add3A_195, %add3A_196 : i32
    %mul3A_198 = arith.constant 1024 : i32
    %mul3A_199 = arith.muli %add3A_197, %mul3A_198 : i32
    %add3A_200 = arith.constant 128 : i32
    %add3A_201 = arith.addi %mul3A_199, %add3A_200 : i32
    %dma_start3A_202 = arith.constant 256 : i32
    %dma_start3A_203 = tpu.memref_slice %arg6[%dma_start3A_202] : memref<512xi32, #tpu.memory_space<vmem>> -> memref<128xi32, #tpu.memory_space<vmem>>
    %dma_start3A_204 = tpu.memref_slice %arg3[%add3A_201] : memref<3276800xi32, #tpu.memory_space<hbm>> -> memref<128xi32, #tpu.memory_space<hbm>>
    %dma_start3A_205 = arith.constant 256 : i32
    %dma_start3A_206 = tpu.memref_slice %arg6[%dma_start3A_205] : memref<512xi32, #tpu.memory_space<vmem>> -> memref<128xi32, #tpu.memory_space<vmem>>
    %dma_start3A_207 = tpu.memref_slice %arg3[%add3A_201] : memref<3276800xi32, #tpu.memory_space<hbm>> -> memref<128xi32, #tpu.memory_space<hbm>>
    tpu.enqueue_dma source(%dma_start3A_207 : memref<128xi32, #tpu.memory_space<hbm>>) target(%dma_start3A_206 : memref<128xi32, #tpu.memory_space<vmem>>) target_semaphore(%arg12 : memref<!tpu.dma_semaphore, #tpu.memory_space<semaphore_mem>>)
    %mul3A_208 = arith.constant 4 : i32
    %mul3A_209 = arith.muli %add3A, %mul3A_208 : i32
    %add3A_210 = arith.constant 0 : i32
    %add3A_211 = arith.addi %add3A_210, %mul3A_209 : i32
    %add3A_212 = arith.constant 3 : i32
    %add3A_213 = arith.addi %add3A_211, %add3A_212 : i32
    %mul3A_214 = arith.constant 1024 : i32
    %mul3A_215 = arith.muli %add3A_213, %mul3A_214 : i32
    %add3A_216 = arith.constant 128 : i32
    %add3A_217 = arith.addi %mul3A_215, %add3A_216 : i32
    %dma_start3A_218 = arith.constant 384 : i32
    %dma_start3A_219 = tpu.memref_slice %arg6[%dma_start3A_218] : memref<512xi32, #tpu.memory_space<vmem>> -> memref<128xi32, #tpu.memory_space<vmem>>
    %dma_start3A_220 = tpu.memref_slice %arg3[%add3A_217] : memref<3276800xi32, #tpu.memory_space<hbm>> -> memref<128xi32, #tpu.memory_space<hbm>>
    %dma_start3A_221 = arith.constant 384 : i32
    %dma_start3A_222 = tpu.memref_slice %arg6[%dma_start3A_221] : memref<512xi32, #tpu.memory_space<vmem>> -> memref<128xi32, #tpu.memory_space<vmem>>
    %dma_start3A_223 = tpu.memref_slice %arg3[%add3A_217] : memref<3276800xi32, #tpu.memory_space<hbm>> -> memref<128xi32, #tpu.memory_space<hbm>>
    tpu.enqueue_dma source(%dma_start3A_223 : memref<128xi32, #tpu.memory_space<hbm>>) target(%dma_start3A_222 : memref<128xi32, #tpu.memory_space<vmem>>) target_semaphore(%arg12 : memref<!tpu.dma_semaphore, #tpu.memory_space<semaphore_mem>>)
    %dma_wait3A = arith.constant 0 : i32
    %dma_wait3A_224 = tpu.memref_slice %arg3[%dma_wait3A] : memref<3276800xi32, #tpu.memory_space<hbm>> -> memref<512xi32, #tpu.memory_space<hbm>>
    %dma_wait3A_225 = arith.constant 0 : i32
    %dma_wait3A_226 = tpu.memref_slice %arg3[%dma_wait3A_225] : memref<3276800xi32, #tpu.memory_space<hbm>> -> memref<512xi32, #tpu.memory_space<hbm>>
    tpu.wait_dma2 semaphore(%arg11 : memref<!tpu.dma_semaphore, #tpu.memory_space<semaphore_mem>>) src(%dma_wait3A_226 : memref<512xi32, #tpu.memory_space<hbm>>) dst(%arg5 : memref<512xi32, #tpu.memory_space<vmem>>)
    %dma_start3A_227 = arith.constant 0 : i32
    %dma_start3A_228 = arith.constant 0 : i32
    %dma_start3A_229 = tpu.memref_slice %arg2[%dma_start3A_227, %dma_start3A_228] : memref<100000x32xf32, #tpu.memory_space<hbm>> -> memref<100000x32xf32, #tpu.memory_space<hbm>>
    tpu.enqueue_indirect_dma source(%dma_start3A_229 : memref<100000x32xf32, #tpu.memory_space<hbm>>) target(%arg7 : memref<512x32xf32, #tpu.memory_space<vmem>>) offsets(%arg5 : memref<512xi32, #tpu.memory_space<vmem>>) semaphore(%arg13 : memref<!tpu.dma_semaphore, #tpu.memory_space<semaphore_mem>>)
    %scan3A = arith.constant 0 : i32
    %scan3A_230 = arith.constant 0 : i32
    %scan3A_231 = arith.constant 100 : i32
    %scan3A_232 = arith.addi %scan3A_230, %scan3A_231 : i32
    %scan3A_233 = arith.constant 1 : i32
    scf.for %scan3A_243 = %scan3A_230 to %scan3A_232 step %scan3A_233  : i32 {
      %mul3A_244 = arith.constant 2 : i32
      %mul3A_245 = arith.muli %mul3A_244, %scan3A_243 : i32
      %add3A_246 = arith.constant 0 : i32
      %add3A_247 = arith.addi %mul3A_245, %add3A_246 : i32
      %dma_wait3A_248 = arith.constant 0 : i32
      %dma_wait3A_249 = arith.constant 0 : i32
      %dma_wait3A_250 = tpu.memref_slice %arg2[%dma_wait3A_248, %dma_wait3A_249] : memref<100000x32xf32, #tpu.memory_space<hbm>> -> memref<100000x32xf32, #tpu.memory_space<hbm>>
      tpu.wait_indirect_dma semaphore(%arg13 : memref<!tpu.dma_semaphore, #tpu.memory_space<semaphore_mem>>) src(%dma_wait3A_250 : memref<100000x32xf32, #tpu.memory_space<hbm>>) dst(%arg7 : memref<512x32xf32, #tpu.memory_space<vmem>>)
      %add3A_251 = arith.constant 1 : i32
      %add3A_252 = arith.addi %add3A_247, %add3A_251 : i32
      %lt3A = arith.constant 200 : i32
      %lt3A_253 = arith.cmpi slt, %add3A_252, %lt3A : i32
      %convert_element_type3A = arith.extui %lt3A_253 : i1 to i32
      %cond3A = arith.constant 0 : i32
      %cond3A_254 = arith.cmpi ne, %convert_element_type3A, %cond3A : i32
      scf.if %cond3A_254 {
        %dma_wait3A_401 = arith.constant 0 : i32
        %dma_wait3A_402 = tpu.memref_slice %arg3[%dma_wait3A_401] : memref<3276800xi32, #tpu.memory_space<hbm>> -> memref<512xi32, #tpu.memory_space<hbm>>
        %dma_wait3A_403 = arith.constant 0 : i32
        %dma_wait3A_404 = tpu.memref_slice %arg3[%dma_wait3A_403] : memref<3276800xi32, #tpu.memory_space<hbm>> -> memref<512xi32, #tpu.memory_space<hbm>>
        tpu.wait_dma2 semaphore(%arg12 : memref<!tpu.dma_semaphore, #tpu.memory_space<semaphore_mem>>) src(%dma_wait3A_404 : memref<512xi32, #tpu.memory_space<hbm>>) dst(%arg6 : memref<512xi32, #tpu.memory_space<vmem>>)
        %dma_start3A_405 = arith.constant 0 : i32
        %dma_start3A_406 = arith.constant 0 : i32
        %dma_start3A_407 = tpu.memref_slice %arg2[%dma_start3A_405, %dma_start3A_406] : memref<100000x32xf32, #tpu.memory_space<hbm>> -> memref<100000x32xf32, #tpu.memory_space<hbm>>
        tpu.enqueue_indirect_dma source(%dma_start3A_407 : memref<100000x32xf32, #tpu.memory_space<hbm>>) target(%arg8 : memref<512x32xf32, #tpu.memory_space<vmem>>) offsets(%arg6 : memref<512xi32, #tpu.memory_space<vmem>>) semaphore(%arg14 : memref<!tpu.dma_semaphore, #tpu.memory_space<semaphore_mem>>)
      } else {
      }
      %ge3A = arith.constant 2 : i32
      %ge3A_255 = arith.cmpi sge, %add3A_247, %ge3A : i32
      %convert_element_type3A_256 = arith.extui %ge3A_255 : i1 to i32
      %cond3A_257 = arith.constant 0 : i32
      %cond3A_258 = arith.cmpi ne, %convert_element_type3A_256, %cond3A_257 : i32
      scf.if %cond3A_258 {
        %dma_wait3A_401 = arith.constant 0 : i32
        %dma_wait3A_402 = tpu.memref_slice %arg4[%dma_wait3A_401] : memref<104857600xf32, #tpu.memory_space<hbm>> -> memref<16384xf32, #tpu.memory_space<hbm>>
        %dma_wait3A_403 = arith.constant 0 : i32
        %dma_wait3A_404 = tpu.memref_slice %arg4[%dma_wait3A_403] : memref<104857600xf32, #tpu.memory_space<hbm>> -> memref<16384xf32, #tpu.memory_space<hbm>>
        tpu.wait_dma2 semaphore(%arg15 : memref<!tpu.dma_semaphore, #tpu.memory_space<semaphore_mem>>) src(%arg9 : memref<16384xf32, #tpu.memory_space<vmem>>) dst(%dma_wait3A_404 : memref<16384xf32, #tpu.memory_space<hbm>>)
      } else {
      }
      %parallel_loop3A = arith.constant 0 : i32
      %parallel_loop3A_259 = arith.constant 32 : i32
      %parallel_loop3A_260 = arith.constant 1 : i32
      scf.for %parallel_loop3A_401 = %parallel_loop3A to %parallel_loop3A_259 step %parallel_loop3A_260  : i32 {
        %parallel_loop3A_402 = vector.broadcast %parallel_loop3A_401 : i32 to vector<16xi32>
        %parallel_loop3A_403 = arith.addi %iota3A, %parallel_loop3A_402 : vector<16xi32>
        %parallel_loop3A_404 = arith.constant 31 : i32
        %parallel_loop3A_405 = vector.broadcast %parallel_loop3A_404 : i32 to vector<16xi32>
        %parallel_loop3A_406 = arith.andi %parallel_loop3A_403, %parallel_loop3A_405 : vector<16xi32>
        %parallel_loop3A_407 = arith.constant 3 : i32
        %parallel_loop3A_408 = vector.broadcast %parallel_loop3A_407 : i32 to vector<16xi32>
        %parallel_loop3A_409 = arith.shrsi %parallel_loop3A_406, %parallel_loop3A_408 : vector<16xi32>
        %parallel_loop3A_410 = arith.constant 4096 : i32
        %parallel_loop3A_411 = vector.broadcast %parallel_loop3A_410 : i32 to vector<16xi32>
        %parallel_loop3A_412 = arith.muli %parallel_loop3A_409, %parallel_loop3A_411 : vector<16xi32>
        %parallel_loop3A_413 = arith.constant 7 : i32
        %parallel_loop3A_414 = vector.broadcast %parallel_loop3A_413 : i32 to vector<16xi32>
        %parallel_loop3A_415 = arith.andi %parallel_loop3A_406, %parallel_loop3A_414 : vector<16xi32>
        %parallel_loop3A_416 = arith.constant 128 : i32
        %parallel_loop3A_417 = vector.broadcast %parallel_loop3A_416 : i32 to vector<16xi32>
        %parallel_loop3A_418 = arith.muli %parallel_loop3A_415, %parallel_loop3A_417 : vector<16xi32>
        %parallel_loop3A_419 = arith.addi %parallel_loop3A_412, %parallel_loop3A_418 : vector<16xi32>
        %parallel_loop3A_420 = arith.addi %parallel_loop3A_419, %iota3A : vector<16xi32>
        %parallel_loop3A_421 = tpu.vector_load_idx %arg7[%add3A_3, %parallel_loop3A_406] : memref<512x32xf32, #tpu.memory_space<vmem>>[vector<16xi32>, vector<16xi32>], vector<16xf32>,
        %parallel_loop3A_422 = arith.constant 0 : i32
        %parallel_loop3A_423 = vector.broadcast %parallel_loop3A_422 : i32 to vector<16xi32>
        %parallel_loop3A_424 = arith.addi %parallel_loop3A_420, %parallel_loop3A_423 : vector<16xi32>
        tpu.vector_store_idx %arg9[%parallel_loop3A_424], %parallel_loop3A_421 : memref<16384xf32, #tpu.memory_space<vmem>>[vector<16xi32>], vector<16xf32>,
        %parallel_loop3A_425 = tpu.vector_load_idx %arg7[%add3A_6, %parallel_loop3A_406] : memref<512x32xf32, #tpu.memory_space<vmem>>[vector<16xi32>, vector<16xi32>], vector<16xf32>,
        %parallel_loop3A_426 = arith.constant 16 : i32
        %parallel_loop3A_427 = vector.broadcast %parallel_loop3A_426 : i32 to vector<16xi32>
        %parallel_loop3A_428 = arith.addi %parallel_loop3A_420, %parallel_loop3A_427 : vector<16xi32>
        tpu.vector_store_idx %arg9[%parallel_loop3A_428], %parallel_loop3A_425 : memref<16384xf32, #tpu.memory_space<vmem>>[vector<16xi32>], vector<16xf32>,
        %parallel_loop3A_429 = tpu.vector_load_idx %arg7[%add3A_9, %parallel_loop3A_406] : memref<512x32xf32, #tpu.memory_space<vmem>>[vector<16xi32>, vector<16xi32>], vector<16xf32>,
        %parallel_loop3A_430 = arith.constant 32 : i32
        %parallel_loop3A_431 = vector.broadcast %parallel_loop3A_430 : i32 to vector<16xi32>
        %parallel_loop3A_432 = arith.addi %parallel_loop3A_420, %parallel_loop3A_431 : vector<16xi32>
        tpu.vector_store_idx %arg9[%parallel_loop3A_432], %parallel_loop3A_429 : memref<16384xf32, #tpu.memory_space<vmem>>[vector<16xi32>], vector<16xf32>,
        %parallel_loop3A_433 = tpu.vector_load_idx %arg7[%add3A_12, %parallel_loop3A_406] : memref<512x32xf32, #tpu.memory_space<vmem>>[vector<16xi32>, vector<16xi32>], vector<16xf32>,
        %parallel_loop3A_434 = arith.constant 48 : i32
        %parallel_loop3A_435 = vector.broadcast %parallel_loop3A_434 : i32 to vector<16xi32>
        %parallel_loop3A_436 = arith.addi %parallel_loop3A_420, %parallel_loop3A_435 : vector<16xi32>
        tpu.vector_store_idx %arg9[%parallel_loop3A_436], %parallel_loop3A_433 : memref<16384xf32, #tpu.memory_space<vmem>>[vector<16xi32>], vector<16xf32>,
        %parallel_loop3A_437 = tpu.vector_load_idx %arg7[%add3A_15, %parallel_loop3A_406] : memref<512x32xf32, #tpu.memory_space<vmem>>[vector<16xi32>, vector<16xi32>], vector<16xf32>,
        %parallel_loop3A_438 = arith.constant 64 : i32
        %parallel_loop3A_439 = vector.broadcast %parallel_loop3A_438 : i32 to vector<16xi32>
        %parallel_loop3A_440 = arith.addi %parallel_loop3A_420, %parallel_loop3A_439 : vector<16xi32>
        tpu.vector_store_idx %arg9[%parallel_loop3A_440], %parallel_loop3A_437 : memref<16384xf32, #tpu.memory_space<vmem>>[vector<16xi32>], vector<16xf32>,
        %parallel_loop3A_441 = tpu.vector_load_idx %arg7[%add3A_18, %parallel_loop3A_406] : memref<512x32xf32, #tpu.memory_space<vmem>>[vector<16xi32>, vector<16xi32>], vector<16xf32>,
        %parallel_loop3A_442 = arith.constant 80 : i32
        %parallel_loop3A_443 = vector.broadcast %parallel_loop3A_442 : i32 to vector<16xi32>
        %parallel_loop3A_444 = arith.addi %parallel_loop3A_420, %parallel_loop3A_443 : vector<16xi32>
        tpu.vector_store_idx %arg9[%parallel_loop3A_444], %parallel_loop3A_441 : memref<16384xf32, #tpu.memory_space<vmem>>[vector<16xi32>], vector<16xf32>,
        %parallel_loop3A_445 = tpu.vector_load_idx %arg7[%add3A_21, %parallel_loop3A_406] : memref<512x32xf32, #tpu.memory_space<vmem>>[vector<16xi32>, vector<16xi32>], vector<16xf32>,
        %parallel_loop3A_446 = arith.constant 96 : i32
        %parallel_loop3A_447 = vector.broadcast %parallel_loop3A_446 : i32 to vector<16xi32>
        %parallel_loop3A_448 = arith.addi %parallel_loop3A_420, %parallel_loop3A_447 : vector<16xi32>
        tpu.vector_store_idx %arg9[%parallel_loop3A_448], %parallel_loop3A_445 : memref<16384xf32, #tpu.memory_space<vmem>>[vector<16xi32>], vector<16xf32>,
        %parallel_loop3A_449 = tpu.vector_load_idx %arg7[%add3A_24, %parallel_loop3A_406] : memref<512x32xf32, #tpu.memory_space<vmem>>[vector<16xi32>, vector<16xi32>], vector<16xf32>,
        %parallel_loop3A_450 = arith.constant 112 : i32
        %parallel_loop3A_451 = vector.broadcast %parallel_loop3A_450 : i32 to vector<16xi32>
        %parallel_loop3A_452 = arith.addi %parallel_loop3A_420, %parallel_loop3A_451 : vector<16xi32>
        tpu.vector_store_idx %arg9[%parallel_loop3A_452], %parallel_loop3A_449 : memref<16384xf32, #tpu.memory_space<vmem>>[vector<16xi32>], vector<16xf32>,
        %parallel_loop3A_453 = tpu.vector_load_idx %arg7[%add3A_27, %parallel_loop3A_406] : memref<512x32xf32, #tpu.memory_space<vmem>>[vector<16xi32>, vector<16xi32>], vector<16xf32>,
        %parallel_loop3A_454 = arith.constant 1024 : i32
        %parallel_loop3A_455 = vector.broadcast %parallel_loop3A_454 : i32 to vector<16xi32>
        %parallel_loop3A_456 = arith.addi %parallel_loop3A_420, %parallel_loop3A_455 : vector<16xi32>
        tpu.vector_store_idx %arg9[%parallel_loop3A_456], %parallel_loop3A_453 : memref<16384xf32, #tpu.memory_space<vmem>>[vector<16xi32>], vector<16xf32>,
        %parallel_loop3A_457 = tpu.vector_load_idx %arg7[%add3A_30, %parallel_loop3A_406] : memref<512x32xf32, #tpu.memory_space<vmem>>[vector<16xi32>, vector<16xi32>], vector<16xf32>,
        %parallel_loop3A_458 = arith.constant 1040 : i32
        %parallel_loop3A_459 = vector.broadcast %parallel_loop3A_458 : i32 to vector<16xi32>
        %parallel_loop3A_460 = arith.addi %parallel_loop3A_420, %parallel_loop3A_459 : vector<16xi32>
        tpu.vector_store_idx %arg9[%parallel_loop3A_460], %parallel_loop3A_457 : memref<16384xf32, #tpu.memory_space<vmem>>[vector<16xi32>], vector<16xf32>,
        %parallel_loop3A_461 = tpu.vector_load_idx %arg7[%add3A_33, %parallel_loop3A_406] : memref<512x32xf32, #tpu.memory_space<vmem>>[vector<16xi32>, vector<16xi32>], vector<16xf32>,
        %parallel_loop3A_462 = arith.constant 1056 : i32
        %parallel_loop3A_463 = vector.broadcast %parallel_loop3A_462 : i32 to vector<16xi32>
        %parallel_loop3A_464 = arith.addi %parallel_loop3A_420, %parallel_loop3A_463 : vector<16xi32>
        tpu.vector_store_idx %arg9[%parallel_loop3A_464], %parallel_loop3A_461 : memref<16384xf32, #tpu.memory_space<vmem>>[vector<16xi32>], vector<16xf32>,
        %parallel_loop3A_465 = tpu.vector_load_idx %arg7[%add3A_36, %parallel_loop3A_406] : memref<512x32xf32, #tpu.memory_space<vmem>>[vector<16xi32>, vector<16xi32>], vector<16xf32>,
        %parallel_loop3A_466 = arith.constant 1072 : i32
        %parallel_loop3A_467 = vector.broadcast %parallel_loop3A_466 : i32 to vector<16xi32>
        %parallel_loop3A_468 = arith.addi %parallel_loop3A_420, %parallel_loop3A_467 : vector<16xi32>
        tpu.vector_store_idx %arg9[%parallel_loop3A_468], %parallel_loop3A_465 : memref<16384xf32, #tpu.memory_space<vmem>>[vector<16xi32>], vector<16xf32>,
        %parallel_loop3A_469 = tpu.vector_load_idx %arg7[%add3A_39, %parallel_loop3A_406] : memref<512x32xf32, #tpu.memory_space<vmem>>[vector<16xi32>, vector<16xi32>], vector<16xf32>,
        %parallel_loop3A_470 = arith.constant 1088 : i32
        %parallel_loop3A_471 = vector.broadcast %parallel_loop3A_470 : i32 to vector<16xi32>
        %parallel_loop3A_472 = arith.addi %parallel_loop3A_420, %parallel_loop3A_471 : vector<16xi32>
        tpu.vector_store_idx %arg9[%parallel_loop3A_472], %parallel_loop3A_469 : memref<16384xf32, #tpu.memory_space<vmem>>[vector<16xi32>], vector<16xf32>,
        %parallel_loop3A_473 = tpu.vector_load_idx %arg7[%add3A_42, %parallel_loop3A_406] : memref<512x32xf32, #tpu.memory_space<vmem>>[vector<16xi32>, vector<16xi32>], vector<16xf32>,
        %parallel_loop3A_474 = arith.constant 1104 : i32
        %parallel_loop3A_475 = vector.broadcast %parallel_loop3A_474 : i32 to vector<16xi32>
        %parallel_loop3A_476 = arith.addi %parallel_loop3A_420, %parallel_loop3A_475 : vector<16xi32>
        tpu.vector_store_idx %arg9[%parallel_loop3A_476], %parallel_loop3A_473 : memref<16384xf32, #tpu.memory_space<vmem>>[vector<16xi32>], vector<16xf32>,
        %parallel_loop3A_477 = tpu.vector_load_idx %arg7[%add3A_45, %parallel_loop3A_406] : memref<512x32xf32, #tpu.memory_space<vmem>>[vector<16xi32>, vector<16xi32>], vector<16xf32>,
        %parallel_loop3A_478 = arith.constant 1120 : i32
        %parallel_loop3A_479 = vector.broadcast %parallel_loop3A_478 : i32 to vector<16xi32>
        %parallel_loop3A_480 = arith.addi %parallel_loop3A_420, %parallel_loop3A_479 : vector<16xi32>
        tpu.vector_store_idx %arg9[%parallel_loop3A_480], %parallel_loop3A_477 : memref<16384xf32, #tpu.memory_space<vmem>>[vector<16xi32>], vector<16xf32>,
        %parallel_loop3A_481 = tpu.vector_load_idx %arg7[%add3A_48, %parallel_loop3A_406] : memref<512x32xf32, #tpu.memory_space<vmem>>[vector<16xi32>, vector<16xi32>], vector<16xf32>,
        %parallel_loop3A_482 = arith.constant 1136 : i32
        %parallel_loop3A_483 = vector.broadcast %parallel_loop3A_482 : i32 to vector<16xi32>
        %parallel_loop3A_484 = arith.addi %parallel_loop3A_420, %parallel_loop3A_483 : vector<16xi32>
        tpu.vector_store_idx %arg9[%parallel_loop3A_484], %parallel_loop3A_481 : memref<16384xf32, #tpu.memory_space<vmem>>[vector<16xi32>], vector<16xf32>,
        %parallel_loop3A_485 = tpu.vector_load_idx %arg7[%add3A_51, %parallel_loop3A_406] : memref<512x32xf32, #tpu.memory_space<vmem>>[vector<16xi32>, vector<16xi32>], vector<16xf32>,
        %parallel_loop3A_486 = arith.constant 2048 : i32
        %parallel_loop3A_487 = vector.broadcast %parallel_loop3A_486 : i32 to vector<16xi32>
        %parallel_loop3A_488 = arith.addi %parallel_loop3A_420, %parallel_loop3A_487 : vector<16xi32>
        tpu.vector_store_idx %arg9[%parallel_loop3A_488], %parallel_loop3A_485 : memref<16384xf32, #tpu.memory_space<vmem>>[vector<16xi32>], vector<16xf32>,
        %parallel_loop3A_489 = tpu.vector_load_idx %arg7[%add3A_54, %parallel_loop3A_406] : memref<512x32xf32, #tpu.memory_space<vmem>>[vector<16xi32>, vector<16xi32>], vector<16xf32>,
        %parallel_loop3A_490 = arith.constant 2064 : i32
        %parallel_loop3A_491 = vector.broadcast %parallel_loop3A_490 : i32 to vector<16xi32>
        %parallel_loop3A_492 = arith.addi %parallel_loop3A_420, %parallel_loop3A_491 : vector<16xi32>
        tpu.vector_store_idx %arg9[%parallel_loop3A_492], %parallel_loop3A_489 : memref<16384xf32, #tpu.memory_space<vmem>>[vector<16xi32>], vector<16xf32>,
        %parallel_loop3A_493 = tpu.vector_load_idx %arg7[%add3A_57, %parallel_loop3A_406] : memref<512x32xf32, #tpu.memory_space<vmem>>[vector<16xi32>, vector<16xi32>], vector<16xf32>,
        %parallel_loop3A_494 = arith.constant 2080 : i32
        %parallel_loop3A_495 = vector.broadcast %parallel_loop3A_494 : i32 to vector<16xi32>
        %parallel_loop3A_496 = arith.addi %parallel_loop3A_420, %parallel_loop3A_495 : vector<16xi32>
        tpu.vector_store_idx %arg9[%parallel_loop3A_496], %parallel_loop3A_493 : memref<16384xf32, #tpu.memory_space<vmem>>[vector<16xi32>], vector<16xf32>,
        %parallel_loop3A_497 = tpu.vector_load_idx %arg7[%add3A_60, %parallel_loop3A_406] : memref<512x32xf32, #tpu.memory_space<vmem>>[vector<16xi32>, vector<16xi32>], vector<16xf32>,
        %parallel_loop3A_498 = arith.constant 2096 : i32
        %parallel_loop3A_499 = vector.broadcast %parallel_loop3A_498 : i32 to vector<16xi32>
        %parallel_loop3A_500 = arith.addi %parallel_loop3A_420, %parallel_loop3A_499 : vector<16xi32>
        tpu.vector_store_idx %arg9[%parallel_loop3A_500], %parallel_loop3A_497 : memref<16384xf32, #tpu.memory_space<vmem>>[vector<16xi32>], vector<16xf32>,
        %parallel_loop3A_501 = tpu.vector_load_idx %arg7[%add3A_63, %parallel_loop3A_406] : memref<512x32xf32, #tpu.memory_space<vmem>>[vector<16xi32>, vector<16xi32>], vector<16xf32>,
        %parallel_loop3A_502 = arith.constant 2112 : i32
        %parallel_loop3A_503 = vector.broadcast %parallel_loop3A_502 : i32 to vector<16xi32>
        %parallel_loop3A_504 = arith.addi %parallel_loop3A_420, %parallel_loop3A_503 : vector<16xi32>
        tpu.vector_store_idx %arg9[%parallel_loop3A_504], %parallel_loop3A_501 : memref<16384xf32, #tpu.memory_space<vmem>>[vector<16xi32>], vector<16xf32>,
        %parallel_loop3A_505 = tpu.vector_load_idx %arg7[%add3A_66, %parallel_loop3A_406] : memref<512x32xf32, #tpu.memory_space<vmem>>[vector<16xi32>, vector<16xi32>], vector<16xf32>,
        %parallel_loop3A_506 = arith.constant 2128 : i32
        %parallel_loop3A_507 = vector.broadcast %parallel_loop3A_506 : i32 to vector<16xi32>
        %parallel_loop3A_508 = arith.addi %parallel_loop3A_420, %parallel_loop3A_507 : vector<16xi32>
        tpu.vector_store_idx %arg9[%parallel_loop3A_508], %parallel_loop3A_505 : memref<16384xf32, #tpu.memory_space<vmem>>[vector<16xi32>], vector<16xf32>,
        %parallel_loop3A_509 = tpu.vector_load_idx %arg7[%add3A_69, %parallel_loop3A_406] : memref<512x32xf32, #tpu.memory_space<vmem>>[vector<16xi32>, vector<16xi32>], vector<16xf32>,
        %parallel_loop3A_510 = arith.constant 2144 : i32
        %parallel_loop3A_511 = vector.broadcast %parallel_loop3A_510 : i32 to vector<16xi32>
        %parallel_loop3A_512 = arith.addi %parallel_loop3A_420, %parallel_loop3A_511 : vector<16xi32>
        tpu.vector_store_idx %arg9[%parallel_loop3A_512], %parallel_loop3A_509 : memref<16384xf32, #tpu.memory_space<vmem>>[vector<16xi32>], vector<16xf32>,
        %parallel_loop3A_513 = tpu.vector_load_idx %arg7[%add3A_72, %parallel_loop3A_406] : memref<512x32xf32, #tpu.memory_space<vmem>>[vector<16xi32>, vector<16xi32>], vector<16xf32>,
        %parallel_loop3A_514 = arith.constant 2160 : i32
        %parallel_loop3A_515 = vector.broadcast %parallel_loop3A_514 : i32 to vector<16xi32>
        %parallel_loop3A_516 = arith.addi %parallel_loop3A_420, %parallel_loop3A_515 : vector<16xi32>
        tpu.vector_store_idx %arg9[%parallel_loop3A_516], %parallel_loop3A_513 : memref<16384xf32, #tpu.memory_space<vmem>>[vector<16xi32>], vector<16xf32>,
        %parallel_loop3A_517 = tpu.vector_load_idx %arg7[%add3A_75, %parallel_loop3A_406] : memref<512x32xf32, #tpu.memory_space<vmem>>[vector<16xi32>, vector<16xi32>], vector<16xf32>,
        %parallel_loop3A_518 = arith.constant 3072 : i32
        %parallel_loop3A_519 = vector.broadcast %parallel_loop3A_518 : i32 to vector<16xi32>
        %parallel_loop3A_520 = arith.addi %parallel_loop3A_420, %parallel_loop3A_519 : vector<16xi32>
        tpu.vector_store_idx %arg9[%parallel_loop3A_520], %parallel_loop3A_517 : memref<16384xf32, #tpu.memory_space<vmem>>[vector<16xi32>], vector<16xf32>,
        %parallel_loop3A_521 = tpu.vector_load_idx %arg7[%add3A_78, %parallel_loop3A_406] : memref<512x32xf32, #tpu.memory_space<vmem>>[vector<16xi32>, vector<16xi32>], vector<16xf32>,
        %parallel_loop3A_522 = arith.constant 3088 : i32
        %parallel_loop3A_523 = vector.broadcast %parallel_loop3A_522 : i32 to vector<16xi32>
        %parallel_loop3A_524 = arith.addi %parallel_loop3A_420, %parallel_loop3A_523 : vector<16xi32>
        tpu.vector_store_idx %arg9[%parallel_loop3A_524], %parallel_loop3A_521 : memref<16384xf32, #tpu.memory_space<vmem>>[vector<16xi32>], vector<16xf32>,
        %parallel_loop3A_525 = tpu.vector_load_idx %arg7[%add3A_81, %parallel_loop3A_406] : memref<512x32xf32, #tpu.memory_space<vmem>>[vector<16xi32>, vector<16xi32>], vector<16xf32>,
        %parallel_loop3A_526 = arith.constant 3104 : i32
        %parallel_loop3A_527 = vector.broadcast %parallel_loop3A_526 : i32 to vector<16xi32>
        %parallel_loop3A_528 = arith.addi %parallel_loop3A_420, %parallel_loop3A_527 : vector<16xi32>
        tpu.vector_store_idx %arg9[%parallel_loop3A_528], %parallel_loop3A_525 : memref<16384xf32, #tpu.memory_space<vmem>>[vector<16xi32>], vector<16xf32>,
        %parallel_loop3A_529 = tpu.vector_load_idx %arg7[%add3A_84, %parallel_loop3A_406] : memref<512x32xf32, #tpu.memory_space<vmem>>[vector<16xi32>, vector<16xi32>], vector<16xf32>,
        %parallel_loop3A_530 = arith.constant 3120 : i32
        %parallel_loop3A_531 = vector.broadcast %parallel_loop3A_530 : i32 to vector<16xi32>
        %parallel_loop3A_532 = arith.addi %parallel_loop3A_420, %parallel_loop3A_531 : vector<16xi32>
        tpu.vector_store_idx %arg9[%parallel_loop3A_532], %parallel_loop3A_529 : memref<16384xf32, #tpu.memory_space<vmem>>[vector<16xi32>], vector<16xf32>,
        %parallel_loop3A_533 = tpu.vector_load_idx %arg7[%add3A_87, %parallel_loop3A_406] : memref<512x32xf32, #tpu.memory_space<vmem>>[vector<16xi32>, vector<16xi32>], vector<16xf32>,
        %parallel_loop3A_534 = arith.constant 3136 : i32
        %parallel_loop3A_535 = vector.broadcast %parallel_loop3A_534 : i32 to vector<16xi32>
        %parallel_loop3A_536 = arith.addi %parallel_loop3A_420, %parallel_loop3A_535 : vector<16xi32>
        tpu.vector_store_idx %arg9[%parallel_loop3A_536], %parallel_loop3A_533 : memref<16384xf32, #tpu.memory_space<vmem>>[vector<16xi32>], vector<16xf32>,
        %parallel_loop3A_537 = tpu.vector_load_idx %arg7[%add3A_90, %parallel_loop3A_406] : memref<512x32xf32, #tpu.memory_space<vmem>>[vector<16xi32>, vector<16xi32>], vector<16xf32>,
        %parallel_loop3A_538 = arith.constant 3152 : i32
        %parallel_loop3A_539 = vector.broadcast %parallel_loop3A_538 : i32 to vector<16xi32>
        %parallel_loop3A_540 = arith.addi %parallel_loop3A_420, %parallel_loop3A_539 : vector<16xi32>
        tpu.vector_store_idx %arg9[%parallel_loop3A_540], %parallel_loop3A_537 : memref<16384xf32, #tpu.memory_space<vmem>>[vector<16xi32>], vector<16xf32>,
        %parallel_loop3A_541 = tpu.vector_load_idx %arg7[%add3A_93, %parallel_loop3A_406] : memref<512x32xf32, #tpu.memory_space<vmem>>[vector<16xi32>, vector<16xi32>], vector<16xf32>,
        %parallel_loop3A_542 = arith.constant 3168 : i32
        %parallel_loop3A_543 = vector.broadcast %parallel_loop3A_542 : i32 to vector<16xi32>
        %parallel_loop3A_544 = arith.addi %parallel_loop3A_420, %parallel_loop3A_543 : vector<16xi32>
        tpu.vector_store_idx %arg9[%parallel_loop3A_544], %parallel_loop3A_541 : memref<16384xf32, #tpu.memory_space<vmem>>[vector<16xi32>], vector<16xf32>,
        %parallel_loop3A_545 = tpu.vector_load_idx %arg7[%add3A_96, %parallel_loop3A_406] : memref<512x32xf32, #tpu.memory_space<vmem>>[vector<16xi32>, vector<16xi32>], vector<16xf32>,
        %parallel_loop3A_546 = arith.constant 3184 : i32
        %parallel_loop3A_547 = vector.broadcast %parallel_loop3A_546 : i32 to vector<16xi32>
        %parallel_loop3A_548 = arith.addi %parallel_loop3A_420, %parallel_loop3A_547 : vector<16xi32>
        tpu.vector_store_idx %arg9[%parallel_loop3A_548], %parallel_loop3A_545 : memref<16384xf32, #tpu.memory_space<vmem>>[vector<16xi32>], vector<16xf32>,
      } {sc.loop_unroll_factor = 2 : i64, sc.parallel_access}
      %mul3A_261 = arith.constant 524288 : i32
      %mul3A_262 = arith.muli %add3A_247, %mul3A_261 : i32
      %add3A_263 = arith.constant 0 : i32
      %add3A_264 = arith.addi %mul3A_262, %add3A_263 : i32
      %mul3A_265 = arith.constant 4096 : i32
      %mul3A_266 = arith.muli %add3A, %mul3A_265 : i32
      %add3A_267 = arith.addi %add3A_264, %mul3A_266 : i32
      %dma_start3A_268 = arith.constant 0 : i32
      %dma_start3A_269 = tpu.memref_slice %arg9[%dma_start3A_268] : memref<16384xf32, #tpu.memory_space<vmem>> -> memref<4096xf32, #tpu.memory_space<vmem>>
      %dma_start3A_270 = tpu.memref_slice %arg4[%add3A_267] : memref<104857600xf32, #tpu.memory_space<hbm>> -> memref<4096xf32, #tpu.memory_space<hbm>>
      %dma_start3A_271 = tpu.memref_slice %arg4[%add3A_267] : memref<104857600xf32, #tpu.memory_space<hbm>> -> memref<4096xf32, #tpu.memory_space<hbm>>
      %dma_start3A_272 = arith.constant 0 : i32
      %dma_start3A_273 = tpu.memref_slice %arg9[%dma_start3A_272] : memref<16384xf32, #tpu.memory_space<vmem>> -> memref<4096xf32, #tpu.memory_space<vmem>>
      tpu.enqueue_dma source(%dma_start3A_273 : memref<4096xf32, #tpu.memory_space<vmem>>) target(%dma_start3A_271 : memref<4096xf32, #tpu.memory_space<hbm>>) target_semaphore(%arg15 : memref<!tpu.dma_semaphore, #tpu.memory_space<semaphore_mem>>)
      %mul3A_274 = arith.constant 524288 : i32
      %mul3A_275 = arith.muli %add3A_247, %mul3A_274 : i32
      %add3A_276 = arith.constant 131072 : i32
      %add3A_277 = arith.addi %mul3A_275, %add3A_276 : i32
      %mul3A_278 = arith.constant 4096 : i32
      %mul3A_279 = arith.muli %add3A, %mul3A_278 : i32
      %add3A_280 = arith.addi %add3A_277, %mul3A_279 : i32
      %dma_start3A_281 = arith.constant 4096 : i32
      %dma_start3A_282 = tpu.memref_slice %arg9[%dma_start3A_281] : memref<16384xf32, #tpu.memory_space<vmem>> -> memref<4096xf32, #tpu.memory_space<vmem>>
      %dma_start3A_283 = tpu.memref_slice %arg4[%add3A_280] : memref<104857600xf32, #tpu.memory_space<hbm>> -> memref<4096xf32, #tpu.memory_space<hbm>>
      %dma_start3A_284 = tpu.memref_slice %arg4[%add3A_280] : memref<104857600xf32, #tpu.memory_space<hbm>> -> memref<4096xf32, #tpu.memory_space<hbm>>
      %dma_start3A_285 = arith.constant 4096 : i32
      %dma_start3A_286 = tpu.memref_slice %arg9[%dma_start3A_285] : memref<16384xf32, #tpu.memory_space<vmem>> -> memref<4096xf32, #tpu.memory_space<vmem>>
      tpu.enqueue_dma source(%dma_start3A_286 : memref<4096xf32, #tpu.memory_space<vmem>>) target(%dma_start3A_284 : memref<4096xf32, #tpu.memory_space<hbm>>) target_semaphore(%arg15 : memref<!tpu.dma_semaphore, #tpu.memory_space<semaphore_mem>>)
      %mul3A_287 = arith.constant 524288 : i32
      %mul3A_288 = arith.muli %add3A_247, %mul3A_287 : i32
      %add3A_289 = arith.constant 262144 : i32
      %add3A_290 = arith.addi %mul3A_288, %add3A_289 : i32
      %mul3A_291 = arith.constant 4096 : i32
      %mul3A_292 = arith.muli %add3A, %mul3A_291 : i32
      %add3A_293 = arith.addi %add3A_290, %mul3A_292 : i32
      %dma_start3A_294 = arith.constant 8192 : i32
      %dma_start3A_295 = tpu.memref_slice %arg9[%dma_start3A_294] : memref<16384xf32, #tpu.memory_space<vmem>> -> memref<4096xf32, #tpu.memory_space<vmem>>
      %dma_start3A_296 = tpu.memref_slice %arg4[%add3A_293] : memref<104857600xf32, #tpu.memory_space<hbm>> -> memref<4096xf32, #tpu.memory_space<hbm>>
      %dma_start3A_297 = tpu.memref_slice %arg4[%add3A_293] : memref<104857600xf32, #tpu.memory_space<hbm>> -> memref<4096xf32, #tpu.memory_space<hbm>>
      %dma_start3A_298 = arith.constant 8192 : i32
      %dma_start3A_299 = tpu.memref_slice %arg9[%dma_start3A_298] : memref<16384xf32, #tpu.memory_space<vmem>> -> memref<4096xf32, #tpu.memory_space<vmem>>
      tpu.enqueue_dma source(%dma_start3A_299 : memref<4096xf32, #tpu.memory_space<vmem>>) target(%dma_start3A_297 : memref<4096xf32, #tpu.memory_space<hbm>>) target_semaphore(%arg15 : memref<!tpu.dma_semaphore, #tpu.memory_space<semaphore_mem>>)
      %mul3A_300 = arith.constant 524288 : i32
      %mul3A_301 = arith.muli %add3A_247, %mul3A_300 : i32
      %add3A_302 = arith.constant 393216 : i32
      %add3A_303 = arith.addi %mul3A_301, %add3A_302 : i32
      %mul3A_304 = arith.constant 4096 : i32
      %mul3A_305 = arith.muli %add3A, %mul3A_304 : i32
      %add3A_306 = arith.addi %add3A_303, %mul3A_305 : i32
      %dma_start3A_307 = arith.constant 12288 : i32
      %dma_start3A_308 = tpu.memref_slice %arg9[%dma_start3A_307] : memref<16384xf32, #tpu.memory_space<vmem>> -> memref<4096xf32, #tpu.memory_space<vmem>>
      %dma_start3A_309 = tpu.memref_slice %arg4[%add3A_306] : memref<104857600xf32, #tpu.memory_space<hbm>> -> memref<4096xf32, #tpu.memory_space<hbm>>
      %dma_start3A_310 = tpu.memref_slice %arg4[%add3A_306] : memref<104857600xf32, #tpu.memory_space<hbm>> -> memref<4096xf32, #tpu.memory_space<hbm>>
      %dma_start3A_311 = arith.constant 12288 : i32
      %dma_start3A_312 = tpu.memref_slice %arg9[%dma_start3A_311] : memref<16384xf32, #tpu.memory_space<vmem>> -> memref<4096xf32, #tpu.memory_space<vmem>>
      tpu.enqueue_dma source(%dma_start3A_312 : memref<4096xf32, #tpu.memory_space<vmem>>) target(%dma_start3A_310 : memref<4096xf32, #tpu.memory_space<hbm>>) target_semaphore(%arg15 : memref<!tpu.dma_semaphore, #tpu.memory_space<semaphore_mem>>)
      %add3A_313 = arith.constant 2 : i32
      %add3A_314 = arith.addi %add3A_247, %add3A_313 : i32
      %lt3A_315 = arith.constant 200 : i32
      %lt3A_316 = arith.cmpi slt, %add3A_314, %lt3A_315 : i32
      %convert_element_type3A_317 = arith.extui %lt3A_316 : i1 to i32
      %cond3A_318 = arith.constant 0 : i32
      %cond3A_319 = arith.cmpi ne, %convert_element_type3A_317, %cond3A_318 : i32
      scf.if %cond3A_319 {
        %add3A_401 = arith.constant 2 : i32
        %add3A_402 = arith.addi %add3A_247, %add3A_401 : i32
        %jit3A = arith.constant 8 : i32
        %div3A = arith.divsi %add3A_402, %jit3A : i32
        %sign3A = arith.constant 0 : i32
        %sign3A_403 = arith.cmpi sgt, %add3A_402, %sign3A : i32
        %sign3A_404 = arith.extui %sign3A_403 : i1 to i32
        %sign3A_405 = arith.constant 0 : i32
        %sign3A_406 = arith.cmpi slt, %add3A_402, %sign3A_405 : i32
        %sign3A_407 = arith.extui %sign3A_406 : i1 to i32
        %sign3A_408 = arith.subi %sign3A_404, %sign3A_407 : i32
        %sign3A_409 = arith.constant 0 : i32
        %sign3A_410 = arith.cmpi sgt, %jit3A, %sign3A_409 : i32
        %sign3A_411 = arith.extui %sign3A_410 : i1 to i32
        %sign3A_412 = arith.constant 0 : i32
        %sign3A_413 = arith.cmpi slt, %jit3A, %sign3A_412 : i32
        %sign3A_414 = arith.extui %sign3A_413 : i1 to i32
        %sign3A_415 = arith.subi %sign3A_411, %sign3A_414 : i32
        %ne3A = arith.cmpi ne, %sign3A_408, %sign3A_415 : i32
        %rem3A = arith.remsi %add3A_402, %jit3A : i32
        %ne3A_416 = arith.constant 0 : i32
        %ne3A_417 = arith.cmpi ne, %rem3A, %ne3A_416 : i32
        %and3A = arith.andi %ne3A, %ne3A_417 : i1
        %sub3A = arith.constant 1 : i32
        %sub3A_418 = arith.subi %div3A, %sub3A : i32
        %select_n3A = arith.select %and3A, %sub3A_418, %div3A : i32
        %mul3A_419 = arith.constant 128 : i32
        %mul3A_420 = arith.muli %select_n3A, %mul3A_419 : i32
        %mul3A_421 = arith.constant 4 : i32
        %mul3A_422 = arith.muli %add3A, %mul3A_421 : i32
        %add3A_423 = arith.addi %mul3A_420, %mul3A_422 : i32
        %add3A_424 = arith.constant 0 : i32
        %add3A_425 = arith.addi %add3A_423, %add3A_424 : i32
        %mul3A_426 = arith.constant 1024 : i32
        %mul3A_427 = arith.muli %add3A_425, %mul3A_426 : i32
        %jit3A_428 = arith.constant 8 : i32
        %eq3A = arith.constant 0 : i32
        %eq3A_429 = arith.cmpi eq, %jit3A_428, %eq3A : i32
        %jit3A_430 = arith.constant 1 : i32
        %select_n3A_431 = arith.select %eq3A_429, %jit3A_430, %jit3A_428 : i32
        %rem3A_432 = arith.remsi %add3A_402, %select_n3A_431 : i32
        %ne3A_433 = arith.constant 0 : i32
        %ne3A_434 = arith.cmpi ne, %rem3A_432, %ne3A_433 : i32
        %lt3A_435 = arith.constant 0 : i32
        %lt3A_436 = arith.cmpi slt, %rem3A_432, %lt3A_435 : i32
        %lt3A_437 = arith.constant 0 : i32
        %lt3A_438 = arith.cmpi slt, %select_n3A_431, %lt3A_437 : i32
        %ne3A_439 = arith.xori %lt3A_436, %lt3A_438 : i1
        %and3A_440 = arith.andi %ne3A_439, %ne3A_434 : i1
        %add3A_441 = arith.addi %rem3A_432, %select_n3A_431 : i32
        %select_n3A_442 = arith.select %and3A_440, %add3A_441, %rem3A_432 : i32
        %mul3A_443 = arith.constant 128 : i32
        %mul3A_444 = arith.muli %select_n3A_442, %mul3A_443 : i32
        %add3A_445 = arith.addi %mul3A_427, %mul3A_444 : i32
        %dma_start3A_446 = arith.constant 0 : i32
        %dma_start3A_447 = tpu.memref_slice %arg5[%dma_start3A_446] : memref<512xi32, #tpu.memory_space<vmem>> -> memref<128xi32, #tpu.memory_space<vmem>>
        %dma_start3A_448 = tpu.memref_slice %arg3[%add3A_445] : memref<3276800xi32, #tpu.memory_space<hbm>> -> memref<128xi32, #tpu.memory_space<hbm>>
        %dma_start3A_449 = arith.constant 0 : i32
        %dma_start3A_450 = tpu.memref_slice %arg5[%dma_start3A_449] : memref<512xi32, #tpu.memory_space<vmem>> -> memref<128xi32, #tpu.memory_space<vmem>>
        %dma_start3A_451 = tpu.memref_slice %arg3[%add3A_445] : memref<3276800xi32, #tpu.memory_space<hbm>> -> memref<128xi32, #tpu.memory_space<hbm>>
        tpu.enqueue_dma source(%dma_start3A_451 : memref<128xi32, #tpu.memory_space<hbm>>) target(%dma_start3A_450 : memref<128xi32, #tpu.memory_space<vmem>>) target_semaphore(%arg11 : memref<!tpu.dma_semaphore, #tpu.memory_space<semaphore_mem>>)
        %jit3A_452 = arith.constant 8 : i32
        %div3A_453 = arith.divsi %add3A_402, %jit3A_452 : i32
        %sign3A_454 = arith.constant 0 : i32
        %sign3A_455 = arith.cmpi sgt, %add3A_402, %sign3A_454 : i32
        %sign3A_456 = arith.extui %sign3A_455 : i1 to i32
        %sign3A_457 = arith.constant 0 : i32
        %sign3A_458 = arith.cmpi slt, %add3A_402, %sign3A_457 : i32
        %sign3A_459 = arith.extui %sign3A_458 : i1 to i32
        %sign3A_460 = arith.subi %sign3A_456, %sign3A_459 : i32
        %sign3A_461 = arith.constant 0 : i32
        %sign3A_462 = arith.cmpi sgt, %jit3A_452, %sign3A_461 : i32
        %sign3A_463 = arith.extui %sign3A_462 : i1 to i32
        %sign3A_464 = arith.constant 0 : i32
        %sign3A_465 = arith.cmpi slt, %jit3A_452, %sign3A_464 : i32
        %sign3A_466 = arith.extui %sign3A_465 : i1 to i32
        %sign3A_467 = arith.subi %sign3A_463, %sign3A_466 : i32
        %ne3A_468 = arith.cmpi ne, %sign3A_460, %sign3A_467 : i32
        %rem3A_469 = arith.remsi %add3A_402, %jit3A_452 : i32
        %ne3A_470 = arith.constant 0 : i32
        %ne3A_471 = arith.cmpi ne, %rem3A_469, %ne3A_470 : i32
        %and3A_472 = arith.andi %ne3A_468, %ne3A_471 : i1
        %sub3A_473 = arith.constant 1 : i32
        %sub3A_474 = arith.subi %div3A_453, %sub3A_473 : i32
        %select_n3A_475 = arith.select %and3A_472, %sub3A_474, %div3A_453 : i32
        %mul3A_476 = arith.constant 128 : i32
        %mul3A_477 = arith.muli %select_n3A_475, %mul3A_476 : i32
        %mul3A_478 = arith.constant 4 : i32
        %mul3A_479 = arith.muli %add3A, %mul3A_478 : i32
        %add3A_480 = arith.addi %mul3A_477, %mul3A_479 : i32
        %add3A_481 = arith.constant 1 : i32
        %add3A_482 = arith.addi %add3A_480, %add3A_481 : i32
        %mul3A_483 = arith.constant 1024 : i32
        %mul3A_484 = arith.muli %add3A_482, %mul3A_483 : i32
        %jit3A_485 = arith.constant 8 : i32
        %eq3A_486 = arith.constant 0 : i32
        %eq3A_487 = arith.cmpi eq, %jit3A_485, %eq3A_486 : i32
        %jit3A_488 = arith.constant 1 : i32
        %select_n3A_489 = arith.select %eq3A_487, %jit3A_488, %jit3A_485 : i32
        %rem3A_490 = arith.remsi %add3A_402, %select_n3A_489 : i32
        %ne3A_491 = arith.constant 0 : i32
        %ne3A_492 = arith.cmpi ne, %rem3A_490, %ne3A_491 : i32
        %lt3A_493 = arith.constant 0 : i32
        %lt3A_494 = arith.cmpi slt, %rem3A_490, %lt3A_493 : i32
        %lt3A_495 = arith.constant 0 : i32
        %lt3A_496 = arith.cmpi slt, %select_n3A_489, %lt3A_495 : i32
        %ne3A_497 = arith.xori %lt3A_494, %lt3A_496 : i1
        %and3A_498 = arith.andi %ne3A_497, %ne3A_492 : i1
        %add3A_499 = arith.addi %rem3A_490, %select_n3A_489 : i32
        %select_n3A_500 = arith.select %and3A_498, %add3A_499, %rem3A_490 : i32
        %mul3A_501 = arith.constant 128 : i32
        %mul3A_502 = arith.muli %select_n3A_500, %mul3A_501 : i32
        %add3A_503 = arith.addi %mul3A_484, %mul3A_502 : i32
        %dma_start3A_504 = arith.constant 128 : i32
        %dma_start3A_505 = tpu.memref_slice %arg5[%dma_start3A_504] : memref<512xi32, #tpu.memory_space<vmem>> -> memref<128xi32, #tpu.memory_space<vmem>>
        %dma_start3A_506 = tpu.memref_slice %arg3[%add3A_503] : memref<3276800xi32, #tpu.memory_space<hbm>> -> memref<128xi32, #tpu.memory_space<hbm>>
        %dma_start3A_507 = arith.constant 128 : i32
        %dma_start3A_508 = tpu.memref_slice %arg5[%dma_start3A_507] : memref<512xi32, #tpu.memory_space<vmem>> -> memref<128xi32, #tpu.memory_space<vmem>>
        %dma_start3A_509 = tpu.memref_slice %arg3[%add3A_503] : memref<3276800xi32, #tpu.memory_space<hbm>> -> memref<128xi32, #tpu.memory_space<hbm>>
        tpu.enqueue_dma source(%dma_start3A_509 : memref<128xi32, #tpu.memory_space<hbm>>) target(%dma_start3A_508 : memref<128xi32, #tpu.memory_space<vmem>>) target_semaphore(%arg11 : memref<!tpu.dma_semaphore, #tpu.memory_space<semaphore_mem>>)
        %jit3A_510 = arith.constant 8 : i32
        %div3A_511 = arith.divsi %add3A_402, %jit3A_510 : i32
        %sign3A_512 = arith.constant 0 : i32
        %sign3A_513 = arith.cmpi sgt, %add3A_402, %sign3A_512 : i32
        %sign3A_514 = arith.extui %sign3A_513 : i1 to i32
        %sign3A_515 = arith.constant 0 : i32
        %sign3A_516 = arith.cmpi slt, %add3A_402, %sign3A_515 : i32
        %sign3A_517 = arith.extui %sign3A_516 : i1 to i32
        %sign3A_518 = arith.subi %sign3A_514, %sign3A_517 : i32
        %sign3A_519 = arith.constant 0 : i32
        %sign3A_520 = arith.cmpi sgt, %jit3A_510, %sign3A_519 : i32
        %sign3A_521 = arith.extui %sign3A_520 : i1 to i32
        %sign3A_522 = arith.constant 0 : i32
        %sign3A_523 = arith.cmpi slt, %jit3A_510, %sign3A_522 : i32
        %sign3A_524 = arith.extui %sign3A_523 : i1 to i32
        %sign3A_525 = arith.subi %sign3A_521, %sign3A_524 : i32
        %ne3A_526 = arith.cmpi ne, %sign3A_518, %sign3A_525 : i32
        %rem3A_527 = arith.remsi %add3A_402, %jit3A_510 : i32
        %ne3A_528 = arith.constant 0 : i32
        %ne3A_529 = arith.cmpi ne, %rem3A_527, %ne3A_528 : i32
        %and3A_530 = arith.andi %ne3A_526, %ne3A_529 : i1
        %sub3A_531 = arith.constant 1 : i32
        %sub3A_532 = arith.subi %div3A_511, %sub3A_531 : i32
        %select_n3A_533 = arith.select %and3A_530, %sub3A_532, %div3A_511 : i32
        %mul3A_534 = arith.constant 128 : i32
        %mul3A_535 = arith.muli %select_n3A_533, %mul3A_534 : i32
        %mul3A_536 = arith.constant 4 : i32
        %mul3A_537 = arith.muli %add3A, %mul3A_536 : i32
        %add3A_538 = arith.addi %mul3A_535, %mul3A_537 : i32
        %add3A_539 = arith.constant 2 : i32
        %add3A_540 = arith.addi %add3A_538, %add3A_539 : i32
        %mul3A_541 = arith.constant 1024 : i32
        %mul3A_542 = arith.muli %add3A_540, %mul3A_541 : i32
        %jit3A_543 = arith.constant 8 : i32
        %eq3A_544 = arith.constant 0 : i32
        %eq3A_545 = arith.cmpi eq, %jit3A_543, %eq3A_544 : i32
        %jit3A_546 = arith.constant 1 : i32
        %select_n3A_547 = arith.select %eq3A_545, %jit3A_546, %jit3A_543 : i32
        %rem3A_548 = arith.remsi %add3A_402, %select_n3A_547 : i32
        %ne3A_549 = arith.constant 0 : i32
        %ne3A_550 = arith.cmpi ne, %rem3A_548, %ne3A_549 : i32
        %lt3A_551 = arith.constant 0 : i32
        %lt3A_552 = arith.cmpi slt, %rem3A_548, %lt3A_551 : i32
        %lt3A_553 = arith.constant 0 : i32
        %lt3A_554 = arith.cmpi slt, %select_n3A_547, %lt3A_553 : i32
        %ne3A_555 = arith.xori %lt3A_552, %lt3A_554 : i1
        %and3A_556 = arith.andi %ne3A_555, %ne3A_550 : i1
        %add3A_557 = arith.addi %rem3A_548, %select_n3A_547 : i32
        %select_n3A_558 = arith.select %and3A_556, %add3A_557, %rem3A_548 : i32
        %mul3A_559 = arith.constant 128 : i32
        %mul3A_560 = arith.muli %select_n3A_558, %mul3A_559 : i32
        %add3A_561 = arith.addi %mul3A_542, %mul3A_560 : i32
        %dma_start3A_562 = arith.constant 256 : i32
        %dma_start3A_563 = tpu.memref_slice %arg5[%dma_start3A_562] : memref<512xi32, #tpu.memory_space<vmem>> -> memref<128xi32, #tpu.memory_space<vmem>>
        %dma_start3A_564 = tpu.memref_slice %arg3[%add3A_561] : memref<3276800xi32, #tpu.memory_space<hbm>> -> memref<128xi32, #tpu.memory_space<hbm>>
        %dma_start3A_565 = arith.constant 256 : i32
        %dma_start3A_566 = tpu.memref_slice %arg5[%dma_start3A_565] : memref<512xi32, #tpu.memory_space<vmem>> -> memref<128xi32, #tpu.memory_space<vmem>>
        %dma_start3A_567 = tpu.memref_slice %arg3[%add3A_561] : memref<3276800xi32, #tpu.memory_space<hbm>> -> memref<128xi32, #tpu.memory_space<hbm>>
        tpu.enqueue_dma source(%dma_start3A_567 : memref<128xi32, #tpu.memory_space<hbm>>) target(%dma_start3A_566 : memref<128xi32, #tpu.memory_space<vmem>>) target_semaphore(%arg11 : memref<!tpu.dma_semaphore, #tpu.memory_space<semaphore_mem>>)
        %jit3A_568 = arith.constant 8 : i32
        %div3A_569 = arith.divsi %add3A_402, %jit3A_568 : i32
        %sign3A_570 = arith.constant 0 : i32
        %sign3A_571 = arith.cmpi sgt, %add3A_402, %sign3A_570 : i32
        %sign3A_572 = arith.extui %sign3A_571 : i1 to i32
        %sign3A_573 = arith.constant 0 : i32
        %sign3A_574 = arith.cmpi slt, %add3A_402, %sign3A_573 : i32
        %sign3A_575 = arith.extui %sign3A_574 : i1 to i32
        %sign3A_576 = arith.subi %sign3A_572, %sign3A_575 : i32
        %sign3A_577 = arith.constant 0 : i32
        %sign3A_578 = arith.cmpi sgt, %jit3A_568, %sign3A_577 : i32
        %sign3A_579 = arith.extui %sign3A_578 : i1 to i32
        %sign3A_580 = arith.constant 0 : i32
        %sign3A_581 = arith.cmpi slt, %jit3A_568, %sign3A_580 : i32
        %sign3A_582 = arith.extui %sign3A_581 : i1 to i32
        %sign3A_583 = arith.subi %sign3A_579, %sign3A_582 : i32
        %ne3A_584 = arith.cmpi ne, %sign3A_576, %sign3A_583 : i32
        %rem3A_585 = arith.remsi %add3A_402, %jit3A_568 : i32
        %ne3A_586 = arith.constant 0 : i32
        %ne3A_587 = arith.cmpi ne, %rem3A_585, %ne3A_586 : i32
        %and3A_588 = arith.andi %ne3A_584, %ne3A_587 : i1
        %sub3A_589 = arith.constant 1 : i32
        %sub3A_590 = arith.subi %div3A_569, %sub3A_589 : i32
        %select_n3A_591 = arith.select %and3A_588, %sub3A_590, %div3A_569 : i32
        %mul3A_592 = arith.constant 128 : i32
        %mul3A_593 = arith.muli %select_n3A_591, %mul3A_592 : i32
        %mul3A_594 = arith.constant 4 : i32
        %mul3A_595 = arith.muli %add3A, %mul3A_594 : i32
        %add3A_596 = arith.addi %mul3A_593, %mul3A_595 : i32
        %add3A_597 = arith.constant 3 : i32
        %add3A_598 = arith.addi %add3A_596, %add3A_597 : i32
        %mul3A_599 = arith.constant 1024 : i32
        %mul3A_600 = arith.muli %add3A_598, %mul3A_599 : i32
        %jit3A_601 = arith.constant 8 : i32
        %eq3A_602 = arith.constant 0 : i32
        %eq3A_603 = arith.cmpi eq, %jit3A_601, %eq3A_602 : i32
        %jit3A_604 = arith.constant 1 : i32
        %select_n3A_605 = arith.select %eq3A_603, %jit3A_604, %jit3A_601 : i32
        %rem3A_606 = arith.remsi %add3A_402, %select_n3A_605 : i32
        %ne3A_607 = arith.constant 0 : i32
        %ne3A_608 = arith.cmpi ne, %rem3A_606, %ne3A_607 : i32
        %lt3A_609 = arith.constant 0 : i32
        %lt3A_610 = arith.cmpi slt, %rem3A_606, %lt3A_609 : i32
        %lt3A_611 = arith.constant 0 : i32
        %lt3A_612 = arith.cmpi slt, %select_n3A_605, %lt3A_611 : i32
        %ne3A_613 = arith.xori %lt3A_610, %lt3A_612 : i1
        %and3A_614 = arith.andi %ne3A_613, %ne3A_608 : i1
        %add3A_615 = arith.addi %rem3A_606, %select_n3A_605 : i32
        %select_n3A_616 = arith.select %and3A_614, %add3A_615, %rem3A_606 : i32
        %mul3A_617 = arith.constant 128 : i32
        %mul3A_618 = arith.muli %select_n3A_616, %mul3A_617 : i32
        %add3A_619 = arith.addi %mul3A_600, %mul3A_618 : i32
        %dma_start3A_620 = arith.constant 384 : i32
        %dma_start3A_621 = tpu.memref_slice %arg5[%dma_start3A_620] : memref<512xi32, #tpu.memory_space<vmem>> -> memref<128xi32, #tpu.memory_space<vmem>>
        %dma_start3A_622 = tpu.memref_slice %arg3[%add3A_619] : memref<3276800xi32, #tpu.memory_space<hbm>> -> memref<128xi32, #tpu.memory_space<hbm>>
        %dma_start3A_623 = arith.constant 384 : i32
        %dma_start3A_624 = tpu.memref_slice %arg5[%dma_start3A_623] : memref<512xi32, #tpu.memory_space<vmem>> -> memref<128xi32, #tpu.memory_space<vmem>>
        %dma_start3A_625 = tpu.memref_slice %arg3[%add3A_619] : memref<3276800xi32, #tpu.memory_space<hbm>> -> memref<128xi32, #tpu.memory_space<hbm>>
        tpu.enqueue_dma source(%dma_start3A_625 : memref<128xi32, #tpu.memory_space<hbm>>) target(%dma_start3A_624 : memref<128xi32, #tpu.memory_space<vmem>>) target_semaphore(%arg11 : memref<!tpu.dma_semaphore, #tpu.memory_space<semaphore_mem>>)
      } else {
      }
      %mul3A_320 = arith.constant 2 : i32
      %mul3A_321 = arith.muli %mul3A_320, %scan3A_243 : i32
      %add3A_322 = arith.constant 1 : i32
      %add3A_323 = arith.addi %mul3A_321, %add3A_322 : i32
      %dma_wait3A_324 = arith.constant 0 : i32
      %dma_wait3A_325 = arith.constant 0 : i32
      %dma_wait3A_326 = tpu.memref_slice %arg2[%dma_wait3A_324, %dma_wait3A_325] : memref<100000x32xf32, #tpu.memory_space<hbm>> -> memref<100000x32xf32, #tpu.memory_space<hbm>>
      tpu.wait_indirect_dma semaphore(%arg14 : memref<!tpu.dma_semaphore, #tpu.memory_space<semaphore_mem>>) src(%dma_wait3A_326 : memref<100000x32xf32, #tpu.memory_space<hbm>>) dst(%arg8 : memref<512x32xf32, #tpu.memory_space<vmem>>)
      %add3A_327 = arith.constant 1 : i32
      %add3A_328 = arith.addi %add3A_323, %add3A_327 : i32
      %lt3A_329 = arith.constant 200 : i32
      %lt3A_330 = arith.cmpi slt, %add3A_328, %lt3A_329 : i32
      %convert_element_type3A_331 = arith.extui %lt3A_330 : i1 to i32
      %cond3A_332 = arith.constant 0 : i32
      %cond3A_333 = arith.cmpi ne, %convert_element_type3A_331, %cond3A_332 : i32
      scf.if %cond3A_333 {
        %dma_wait3A_401 = arith.constant 0 : i32
        %dma_wait3A_402 = tpu.memref_slice %arg3[%dma_wait3A_401] : memref<3276800xi32, #tpu.memory_space<hbm>> -> memref<512xi32, #tpu.memory_space<hbm>>
        %dma_wait3A_403 = arith.constant 0 : i32
        %dma_wait3A_404 = tpu.memref_slice %arg3[%dma_wait3A_403] : memref<3276800xi32, #tpu.memory_space<hbm>> -> memref<512xi32, #tpu.memory_space<hbm>>
        tpu.wait_dma2 semaphore(%arg11 : memref<!tpu.dma_semaphore, #tpu.memory_space<semaphore_mem>>) src(%dma_wait3A_404 : memref<512xi32, #tpu.memory_space<hbm>>) dst(%arg5 : memref<512xi32, #tpu.memory_space<vmem>>)
        %dma_start3A_405 = arith.constant 0 : i32
        %dma_start3A_406 = arith.constant 0 : i32
        %dma_start3A_407 = tpu.memref_slice %arg2[%dma_start3A_405, %dma_start3A_406] : memref<100000x32xf32, #tpu.memory_space<hbm>> -> memref<100000x32xf32, #tpu.memory_space<hbm>>
        tpu.enqueue_indirect_dma source(%dma_start3A_407 : memref<100000x32xf32, #tpu.memory_space<hbm>>) target(%arg7 : memref<512x32xf32, #tpu.memory_space<vmem>>) offsets(%arg5 : memref<512xi32, #tpu.memory_space<vmem>>) semaphore(%arg13 : memref<!tpu.dma_semaphore, #tpu.memory_space<semaphore_mem>>)
      } else {
      }
      %ge3A_334 = arith.constant 2 : i32
      %ge3A_335 = arith.cmpi sge, %add3A_323, %ge3A_334 : i32
      %convert_element_type3A_336 = arith.extui %ge3A_335 : i1 to i32
      %cond3A_337 = arith.constant 0 : i32
      %cond3A_338 = arith.cmpi ne, %convert_element_type3A_336, %cond3A_337 : i32
      scf.if %cond3A_338 {
        %dma_wait3A_401 = arith.constant 0 : i32
        %dma_wait3A_402 = tpu.memref_slice %arg4[%dma_wait3A_401] : memref<104857600xf32, #tpu.memory_space<hbm>> -> memref<16384xf32, #tpu.memory_space<hbm>>
        %dma_wait3A_403 = arith.constant 0 : i32
        %dma_wait3A_404 = tpu.memref_slice %arg4[%dma_wait3A_403] : memref<104857600xf32, #tpu.memory_space<hbm>> -> memref<16384xf32, #tpu.memory_space<hbm>>
        tpu.wait_dma2 semaphore(%arg16 : memref<!tpu.dma_semaphore, #tpu.memory_space<semaphore_mem>>) src(%arg10 : memref<16384xf32, #tpu.memory_space<vmem>>) dst(%dma_wait3A_404 : memref<16384xf32, #tpu.memory_space<hbm>>)
      } else {
      }
      %parallel_loop3A_339 = arith.constant 0 : i32
      %parallel_loop3A_340 = arith.constant 32 : i32
      %parallel_loop3A_341 = arith.constant 1 : i32
      scf.for %parallel_loop3A_401 = %parallel_loop3A_339 to %parallel_loop3A_340 step %parallel_loop3A_341  : i32 {
        %parallel_loop3A_402 = vector.broadcast %parallel_loop3A_401 : i32 to vector<16xi32>
        %parallel_loop3A_403 = arith.addi %iota3A, %parallel_loop3A_402 : vector<16xi32>
        %parallel_loop3A_404 = arith.constant 31 : i32
        %parallel_loop3A_405 = vector.broadcast %parallel_loop3A_404 : i32 to vector<16xi32>
        %parallel_loop3A_406 = arith.andi %parallel_loop3A_403, %parallel_loop3A_405 : vector<16xi32>
        %parallel_loop3A_407 = arith.constant 3 : i32
        %parallel_loop3A_408 = vector.broadcast %parallel_loop3A_407 : i32 to vector<16xi32>
        %parallel_loop3A_409 = arith.shrsi %parallel_loop3A_406, %parallel_loop3A_408 : vector<16xi32>
        %parallel_loop3A_410 = arith.constant 4096 : i32
        %parallel_loop3A_411 = vector.broadcast %parallel_loop3A_410 : i32 to vector<16xi32>
        %parallel_loop3A_412 = arith.muli %parallel_loop3A_409, %parallel_loop3A_411 : vector<16xi32>
        %parallel_loop3A_413 = arith.constant 7 : i32
        %parallel_loop3A_414 = vector.broadcast %parallel_loop3A_413 : i32 to vector<16xi32>
        %parallel_loop3A_415 = arith.andi %parallel_loop3A_406, %parallel_loop3A_414 : vector<16xi32>
        %parallel_loop3A_416 = arith.constant 128 : i32
        %parallel_loop3A_417 = vector.broadcast %parallel_loop3A_416 : i32 to vector<16xi32>
        %parallel_loop3A_418 = arith.muli %parallel_loop3A_415, %parallel_loop3A_417 : vector<16xi32>
        %parallel_loop3A_419 = arith.addi %parallel_loop3A_412, %parallel_loop3A_418 : vector<16xi32>
        %parallel_loop3A_420 = arith.addi %parallel_loop3A_419, %iota3A : vector<16xi32>
        %parallel_loop3A_421 = tpu.vector_load_idx %arg8[%add3A_3, %parallel_loop3A_406] : memref<512x32xf32, #tpu.memory_space<vmem>>[vector<16xi32>, vector<16xi32>], vector<16xf32>,
        %parallel_loop3A_422 = arith.constant 0 : i32
        %parallel_loop3A_423 = vector.broadcast %parallel_loop3A_422 : i32 to vector<16xi32>
        %parallel_loop3A_424 = arith.addi %parallel_loop3A_420, %parallel_loop3A_423 : vector<16xi32>
        tpu.vector_store_idx %arg10[%parallel_loop3A_424], %parallel_loop3A_421 : memref<16384xf32, #tpu.memory_space<vmem>>[vector<16xi32>], vector<16xf32>,
        %parallel_loop3A_425 = tpu.vector_load_idx %arg8[%add3A_6, %parallel_loop3A_406] : memref<512x32xf32, #tpu.memory_space<vmem>>[vector<16xi32>, vector<16xi32>], vector<16xf32>,
        %parallel_loop3A_426 = arith.constant 16 : i32
        %parallel_loop3A_427 = vector.broadcast %parallel_loop3A_426 : i32 to vector<16xi32>
        %parallel_loop3A_428 = arith.addi %parallel_loop3A_420, %parallel_loop3A_427 : vector<16xi32>
        tpu.vector_store_idx %arg10[%parallel_loop3A_428], %parallel_loop3A_425 : memref<16384xf32, #tpu.memory_space<vmem>>[vector<16xi32>], vector<16xf32>,
        %parallel_loop3A_429 = tpu.vector_load_idx %arg8[%add3A_9, %parallel_loop3A_406] : memref<512x32xf32, #tpu.memory_space<vmem>>[vector<16xi32>, vector<16xi32>], vector<16xf32>,
        %parallel_loop3A_430 = arith.constant 32 : i32
        %parallel_loop3A_431 = vector.broadcast %parallel_loop3A_430 : i32 to vector<16xi32>
        %parallel_loop3A_432 = arith.addi %parallel_loop3A_420, %parallel_loop3A_431 : vector<16xi32>
        tpu.vector_store_idx %arg10[%parallel_loop3A_432], %parallel_loop3A_429 : memref<16384xf32, #tpu.memory_space<vmem>>[vector<16xi32>], vector<16xf32>,
        %parallel_loop3A_433 = tpu.vector_load_idx %arg8[%add3A_12, %parallel_loop3A_406] : memref<512x32xf32, #tpu.memory_space<vmem>>[vector<16xi32>, vector<16xi32>], vector<16xf32>,
        %parallel_loop3A_434 = arith.constant 48 : i32
        %parallel_loop3A_435 = vector.broadcast %parallel_loop3A_434 : i32 to vector<16xi32>
        %parallel_loop3A_436 = arith.addi %parallel_loop3A_420, %parallel_loop3A_435 : vector<16xi32>
        tpu.vector_store_idx %arg10[%parallel_loop3A_436], %parallel_loop3A_433 : memref<16384xf32, #tpu.memory_space<vmem>>[vector<16xi32>], vector<16xf32>,
        %parallel_loop3A_437 = tpu.vector_load_idx %arg8[%add3A_15, %parallel_loop3A_406] : memref<512x32xf32, #tpu.memory_space<vmem>>[vector<16xi32>, vector<16xi32>], vector<16xf32>,
        %parallel_loop3A_438 = arith.constant 64 : i32
        %parallel_loop3A_439 = vector.broadcast %parallel_loop3A_438 : i32 to vector<16xi32>
        %parallel_loop3A_440 = arith.addi %parallel_loop3A_420, %parallel_loop3A_439 : vector<16xi32>
        tpu.vector_store_idx %arg10[%parallel_loop3A_440], %parallel_loop3A_437 : memref<16384xf32, #tpu.memory_space<vmem>>[vector<16xi32>], vector<16xf32>,
        %parallel_loop3A_441 = tpu.vector_load_idx %arg8[%add3A_18, %parallel_loop3A_406] : memref<512x32xf32, #tpu.memory_space<vmem>>[vector<16xi32>, vector<16xi32>], vector<16xf32>,
        %parallel_loop3A_442 = arith.constant 80 : i32
        %parallel_loop3A_443 = vector.broadcast %parallel_loop3A_442 : i32 to vector<16xi32>
        %parallel_loop3A_444 = arith.addi %parallel_loop3A_420, %parallel_loop3A_443 : vector<16xi32>
        tpu.vector_store_idx %arg10[%parallel_loop3A_444], %parallel_loop3A_441 : memref<16384xf32, #tpu.memory_space<vmem>>[vector<16xi32>], vector<16xf32>,
        %parallel_loop3A_445 = tpu.vector_load_idx %arg8[%add3A_21, %parallel_loop3A_406] : memref<512x32xf32, #tpu.memory_space<vmem>>[vector<16xi32>, vector<16xi32>], vector<16xf32>,
        %parallel_loop3A_446 = arith.constant 96 : i32
        %parallel_loop3A_447 = vector.broadcast %parallel_loop3A_446 : i32 to vector<16xi32>
        %parallel_loop3A_448 = arith.addi %parallel_loop3A_420, %parallel_loop3A_447 : vector<16xi32>
        tpu.vector_store_idx %arg10[%parallel_loop3A_448], %parallel_loop3A_445 : memref<16384xf32, #tpu.memory_space<vmem>>[vector<16xi32>], vector<16xf32>,
        %parallel_loop3A_449 = tpu.vector_load_idx %arg8[%add3A_24, %parallel_loop3A_406] : memref<512x32xf32, #tpu.memory_space<vmem>>[vector<16xi32>, vector<16xi32>], vector<16xf32>,
        %parallel_loop3A_450 = arith.constant 112 : i32
        %parallel_loop3A_451 = vector.broadcast %parallel_loop3A_450 : i32 to vector<16xi32>
        %parallel_loop3A_452 = arith.addi %parallel_loop3A_420, %parallel_loop3A_451 : vector<16xi32>
        tpu.vector_store_idx %arg10[%parallel_loop3A_452], %parallel_loop3A_449 : memref<16384xf32, #tpu.memory_space<vmem>>[vector<16xi32>], vector<16xf32>,
        %parallel_loop3A_453 = tpu.vector_load_idx %arg8[%add3A_27, %parallel_loop3A_406] : memref<512x32xf32, #tpu.memory_space<vmem>>[vector<16xi32>, vector<16xi32>], vector<16xf32>,
        %parallel_loop3A_454 = arith.constant 1024 : i32
        %parallel_loop3A_455 = vector.broadcast %parallel_loop3A_454 : i32 to vector<16xi32>
        %parallel_loop3A_456 = arith.addi %parallel_loop3A_420, %parallel_loop3A_455 : vector<16xi32>
        tpu.vector_store_idx %arg10[%parallel_loop3A_456], %parallel_loop3A_453 : memref<16384xf32, #tpu.memory_space<vmem>>[vector<16xi32>], vector<16xf32>,
        %parallel_loop3A_457 = tpu.vector_load_idx %arg8[%add3A_30, %parallel_loop3A_406] : memref<512x32xf32, #tpu.memory_space<vmem>>[vector<16xi32>, vector<16xi32>], vector<16xf32>,
        %parallel_loop3A_458 = arith.constant 1040 : i32
        %parallel_loop3A_459 = vector.broadcast %parallel_loop3A_458 : i32 to vector<16xi32>
        %parallel_loop3A_460 = arith.addi %parallel_loop3A_420, %parallel_loop3A_459 : vector<16xi32>
        tpu.vector_store_idx %arg10[%parallel_loop3A_460], %parallel_loop3A_457 : memref<16384xf32, #tpu.memory_space<vmem>>[vector<16xi32>], vector<16xf32>,
        %parallel_loop3A_461 = tpu.vector_load_idx %arg8[%add3A_33, %parallel_loop3A_406] : memref<512x32xf32, #tpu.memory_space<vmem>>[vector<16xi32>, vector<16xi32>], vector<16xf32>,
        %parallel_loop3A_462 = arith.constant 1056 : i32
        %parallel_loop3A_463 = vector.broadcast %parallel_loop3A_462 : i32 to vector<16xi32>
        %parallel_loop3A_464 = arith.addi %parallel_loop3A_420, %parallel_loop3A_463 : vector<16xi32>
        tpu.vector_store_idx %arg10[%parallel_loop3A_464], %parallel_loop3A_461 : memref<16384xf32, #tpu.memory_space<vmem>>[vector<16xi32>], vector<16xf32>,
        %parallel_loop3A_465 = tpu.vector_load_idx %arg8[%add3A_36, %parallel_loop3A_406] : memref<512x32xf32, #tpu.memory_space<vmem>>[vector<16xi32>, vector<16xi32>], vector<16xf32>,
        %parallel_loop3A_466 = arith.constant 1072 : i32
        %parallel_loop3A_467 = vector.broadcast %parallel_loop3A_466 : i32 to vector<16xi32>
        %parallel_loop3A_468 = arith.addi %parallel_loop3A_420, %parallel_loop3A_467 : vector<16xi32>
        tpu.vector_store_idx %arg10[%parallel_loop3A_468], %parallel_loop3A_465 : memref<16384xf32, #tpu.memory_space<vmem>>[vector<16xi32>], vector<16xf32>,
        %parallel_loop3A_469 = tpu.vector_load_idx %arg8[%add3A_39, %parallel_loop3A_406] : memref<512x32xf32, #tpu.memory_space<vmem>>[vector<16xi32>, vector<16xi32>], vector<16xf32>,
        %parallel_loop3A_470 = arith.constant 1088 : i32
        %parallel_loop3A_471 = vector.broadcast %parallel_loop3A_470 : i32 to vector<16xi32>
        %parallel_loop3A_472 = arith.addi %parallel_loop3A_420, %parallel_loop3A_471 : vector<16xi32>
        tpu.vector_store_idx %arg10[%parallel_loop3A_472], %parallel_loop3A_469 : memref<16384xf32, #tpu.memory_space<vmem>>[vector<16xi32>], vector<16xf32>,
        %parallel_loop3A_473 = tpu.vector_load_idx %arg8[%add3A_42, %parallel_loop3A_406] : memref<512x32xf32, #tpu.memory_space<vmem>>[vector<16xi32>, vector<16xi32>], vector<16xf32>,
        %parallel_loop3A_474 = arith.constant 1104 : i32
        %parallel_loop3A_475 = vector.broadcast %parallel_loop3A_474 : i32 to vector<16xi32>
        %parallel_loop3A_476 = arith.addi %parallel_loop3A_420, %parallel_loop3A_475 : vector<16xi32>
        tpu.vector_store_idx %arg10[%parallel_loop3A_476], %parallel_loop3A_473 : memref<16384xf32, #tpu.memory_space<vmem>>[vector<16xi32>], vector<16xf32>,
        %parallel_loop3A_477 = tpu.vector_load_idx %arg8[%add3A_45, %parallel_loop3A_406] : memref<512x32xf32, #tpu.memory_space<vmem>>[vector<16xi32>, vector<16xi32>], vector<16xf32>,
        %parallel_loop3A_478 = arith.constant 1120 : i32
        %parallel_loop3A_479 = vector.broadcast %parallel_loop3A_478 : i32 to vector<16xi32>
        %parallel_loop3A_480 = arith.addi %parallel_loop3A_420, %parallel_loop3A_479 : vector<16xi32>
        tpu.vector_store_idx %arg10[%parallel_loop3A_480], %parallel_loop3A_477 : memref<16384xf32, #tpu.memory_space<vmem>>[vector<16xi32>], vector<16xf32>,
        %parallel_loop3A_481 = tpu.vector_load_idx %arg8[%add3A_48, %parallel_loop3A_406] : memref<512x32xf32, #tpu.memory_space<vmem>>[vector<16xi32>, vector<16xi32>], vector<16xf32>,
        %parallel_loop3A_482 = arith.constant 1136 : i32
        %parallel_loop3A_483 = vector.broadcast %parallel_loop3A_482 : i32 to vector<16xi32>
        %parallel_loop3A_484 = arith.addi %parallel_loop3A_420, %parallel_loop3A_483 : vector<16xi32>
        tpu.vector_store_idx %arg10[%parallel_loop3A_484], %parallel_loop3A_481 : memref<16384xf32, #tpu.memory_space<vmem>>[vector<16xi32>], vector<16xf32>,
        %parallel_loop3A_485 = tpu.vector_load_idx %arg8[%add3A_51, %parallel_loop3A_406] : memref<512x32xf32, #tpu.memory_space<vmem>>[vector<16xi32>, vector<16xi32>], vector<16xf32>,
        %parallel_loop3A_486 = arith.constant 2048 : i32
        %parallel_loop3A_487 = vector.broadcast %parallel_loop3A_486 : i32 to vector<16xi32>
        %parallel_loop3A_488 = arith.addi %parallel_loop3A_420, %parallel_loop3A_487 : vector<16xi32>
        tpu.vector_store_idx %arg10[%parallel_loop3A_488], %parallel_loop3A_485 : memref<16384xf32, #tpu.memory_space<vmem>>[vector<16xi32>], vector<16xf32>,
        %parallel_loop3A_489 = tpu.vector_load_idx %arg8[%add3A_54, %parallel_loop3A_406] : memref<512x32xf32, #tpu.memory_space<vmem>>[vector<16xi32>, vector<16xi32>], vector<16xf32>,
        %parallel_loop3A_490 = arith.constant 2064 : i32
        %parallel_loop3A_491 = vector.broadcast %parallel_loop3A_490 : i32 to vector<16xi32>
        %parallel_loop3A_492 = arith.addi %parallel_loop3A_420, %parallel_loop3A_491 : vector<16xi32>
        tpu.vector_store_idx %arg10[%parallel_loop3A_492], %parallel_loop3A_489 : memref<16384xf32, #tpu.memory_space<vmem>>[vector<16xi32>], vector<16xf32>,
        %parallel_loop3A_493 = tpu.vector_load_idx %arg8[%add3A_57, %parallel_loop3A_406] : memref<512x32xf32, #tpu.memory_space<vmem>>[vector<16xi32>, vector<16xi32>], vector<16xf32>,
        %parallel_loop3A_494 = arith.constant 2080 : i32
        %parallel_loop3A_495 = vector.broadcast %parallel_loop3A_494 : i32 to vector<16xi32>
        %parallel_loop3A_496 = arith.addi %parallel_loop3A_420, %parallel_loop3A_495 : vector<16xi32>
        tpu.vector_store_idx %arg10[%parallel_loop3A_496], %parallel_loop3A_493 : memref<16384xf32, #tpu.memory_space<vmem>>[vector<16xi32>], vector<16xf32>,
        %parallel_loop3A_497 = tpu.vector_load_idx %arg8[%add3A_60, %parallel_loop3A_406] : memref<512x32xf32, #tpu.memory_space<vmem>>[vector<16xi32>, vector<16xi32>], vector<16xf32>,
        %parallel_loop3A_498 = arith.constant 2096 : i32
        %parallel_loop3A_499 = vector.broadcast %parallel_loop3A_498 : i32 to vector<16xi32>
        %parallel_loop3A_500 = arith.addi %parallel_loop3A_420, %parallel_loop3A_499 : vector<16xi32>
        tpu.vector_store_idx %arg10[%parallel_loop3A_500], %parallel_loop3A_497 : memref<16384xf32, #tpu.memory_space<vmem>>[vector<16xi32>], vector<16xf32>,
        %parallel_loop3A_501 = tpu.vector_load_idx %arg8[%add3A_63, %parallel_loop3A_406] : memref<512x32xf32, #tpu.memory_space<vmem>>[vector<16xi32>, vector<16xi32>], vector<16xf32>,
        %parallel_loop3A_502 = arith.constant 2112 : i32
        %parallel_loop3A_503 = vector.broadcast %parallel_loop3A_502 : i32 to vector<16xi32>
        %parallel_loop3A_504 = arith.addi %parallel_loop3A_420, %parallel_loop3A_503 : vector<16xi32>
        tpu.vector_store_idx %arg10[%parallel_loop3A_504], %parallel_loop3A_501 : memref<16384xf32, #tpu.memory_space<vmem>>[vector<16xi32>], vector<16xf32>,
        %parallel_loop3A_505 = tpu.vector_load_idx %arg8[%add3A_66, %parallel_loop3A_406] : memref<512x32xf32, #tpu.memory_space<vmem>>[vector<16xi32>, vector<16xi32>], vector<16xf32>,
        %parallel_loop3A_506 = arith.constant 2128 : i32
        %parallel_loop3A_507 = vector.broadcast %parallel_loop3A_506 : i32 to vector<16xi32>
        %parallel_loop3A_508 = arith.addi %parallel_loop3A_420, %parallel_loop3A_507 : vector<16xi32>
        tpu.vector_store_idx %arg10[%parallel_loop3A_508], %parallel_loop3A_505 : memref<16384xf32, #tpu.memory_space<vmem>>[vector<16xi32>], vector<16xf32>,
        %parallel_loop3A_509 = tpu.vector_load_idx %arg8[%add3A_69, %parallel_loop3A_406] : memref<512x32xf32, #tpu.memory_space<vmem>>[vector<16xi32>, vector<16xi32>], vector<16xf32>,
        %parallel_loop3A_510 = arith.constant 2144 : i32
        %parallel_loop3A_511 = vector.broadcast %parallel_loop3A_510 : i32 to vector<16xi32>
        %parallel_loop3A_512 = arith.addi %parallel_loop3A_420, %parallel_loop3A_511 : vector<16xi32>
        tpu.vector_store_idx %arg10[%parallel_loop3A_512], %parallel_loop3A_509 : memref<16384xf32, #tpu.memory_space<vmem>>[vector<16xi32>], vector<16xf32>,
        %parallel_loop3A_513 = tpu.vector_load_idx %arg8[%add3A_72, %parallel_loop3A_406] : memref<512x32xf32, #tpu.memory_space<vmem>>[vector<16xi32>, vector<16xi32>], vector<16xf32>,
        %parallel_loop3A_514 = arith.constant 2160 : i32
        %parallel_loop3A_515 = vector.broadcast %parallel_loop3A_514 : i32 to vector<16xi32>
        %parallel_loop3A_516 = arith.addi %parallel_loop3A_420, %parallel_loop3A_515 : vector<16xi32>
        tpu.vector_store_idx %arg10[%parallel_loop3A_516], %parallel_loop3A_513 : memref<16384xf32, #tpu.memory_space<vmem>>[vector<16xi32>], vector<16xf32>,
        %parallel_loop3A_517 = tpu.vector_load_idx %arg8[%add3A_75, %parallel_loop3A_406] : memref<512x32xf32, #tpu.memory_space<vmem>>[vector<16xi32>, vector<16xi32>], vector<16xf32>,
        %parallel_loop3A_518 = arith.constant 3072 : i32
        %parallel_loop3A_519 = vector.broadcast %parallel_loop3A_518 : i32 to vector<16xi32>
        %parallel_loop3A_520 = arith.addi %parallel_loop3A_420, %parallel_loop3A_519 : vector<16xi32>
        tpu.vector_store_idx %arg10[%parallel_loop3A_520], %parallel_loop3A_517 : memref<16384xf32, #tpu.memory_space<vmem>>[vector<16xi32>], vector<16xf32>,
        %parallel_loop3A_521 = tpu.vector_load_idx %arg8[%add3A_78, %parallel_loop3A_406] : memref<512x32xf32, #tpu.memory_space<vmem>>[vector<16xi32>, vector<16xi32>], vector<16xf32>,
        %parallel_loop3A_522 = arith.constant 3088 : i32
        %parallel_loop3A_523 = vector.broadcast %parallel_loop3A_522 : i32 to vector<16xi32>
        %parallel_loop3A_524 = arith.addi %parallel_loop3A_420, %parallel_loop3A_523 : vector<16xi32>
        tpu.vector_store_idx %arg10[%parallel_loop3A_524], %parallel_loop3A_521 : memref<16384xf32, #tpu.memory_space<vmem>>[vector<16xi32>], vector<16xf32>,
        %parallel_loop3A_525 = tpu.vector_load_idx %arg8[%add3A_81, %parallel_loop3A_406] : memref<512x32xf32, #tpu.memory_space<vmem>>[vector<16xi32>, vector<16xi32>], vector<16xf32>,
        %parallel_loop3A_526 = arith.constant 3104 : i32
        %parallel_loop3A_527 = vector.broadcast %parallel_loop3A_526 : i32 to vector<16xi32>
        %parallel_loop3A_528 = arith.addi %parallel_loop3A_420, %parallel_loop3A_527 : vector<16xi32>
        tpu.vector_store_idx %arg10[%parallel_loop3A_528], %parallel_loop3A_525 : memref<16384xf32, #tpu.memory_space<vmem>>[vector<16xi32>], vector<16xf32>,
        %parallel_loop3A_529 = tpu.vector_load_idx %arg8[%add3A_84, %parallel_loop3A_406] : memref<512x32xf32, #tpu.memory_space<vmem>>[vector<16xi32>, vector<16xi32>], vector<16xf32>,
        %parallel_loop3A_530 = arith.constant 3120 : i32
        %parallel_loop3A_531 = vector.broadcast %parallel_loop3A_530 : i32 to vector<16xi32>
        %parallel_loop3A_532 = arith.addi %parallel_loop3A_420, %parallel_loop3A_531 : vector<16xi32>
        tpu.vector_store_idx %arg10[%parallel_loop3A_532], %parallel_loop3A_529 : memref<16384xf32, #tpu.memory_space<vmem>>[vector<16xi32>], vector<16xf32>,
        %parallel_loop3A_533 = tpu.vector_load_idx %arg8[%add3A_87, %parallel_loop3A_406] : memref<512x32xf32, #tpu.memory_space<vmem>>[vector<16xi32>, vector<16xi32>], vector<16xf32>,
        %parallel_loop3A_534 = arith.constant 3136 : i32
        %parallel_loop3A_535 = vector.broadcast %parallel_loop3A_534 : i32 to vector<16xi32>
        %parallel_loop3A_536 = arith.addi %parallel_loop3A_420, %parallel_loop3A_535 : vector<16xi32>
        tpu.vector_store_idx %arg10[%parallel_loop3A_536], %parallel_loop3A_533 : memref<16384xf32, #tpu.memory_space<vmem>>[vector<16xi32>], vector<16xf32>,
        %parallel_loop3A_537 = tpu.vector_load_idx %arg8[%add3A_90, %parallel_loop3A_406] : memref<512x32xf32, #tpu.memory_space<vmem>>[vector<16xi32>, vector<16xi32>], vector<16xf32>,
        %parallel_loop3A_538 = arith.constant 3152 : i32
        %parallel_loop3A_539 = vector.broadcast %parallel_loop3A_538 : i32 to vector<16xi32>
        %parallel_loop3A_540 = arith.addi %parallel_loop3A_420, %parallel_loop3A_539 : vector<16xi32>
        tpu.vector_store_idx %arg10[%parallel_loop3A_540], %parallel_loop3A_537 : memref<16384xf32, #tpu.memory_space<vmem>>[vector<16xi32>], vector<16xf32>,
        %parallel_loop3A_541 = tpu.vector_load_idx %arg8[%add3A_93, %parallel_loop3A_406] : memref<512x32xf32, #tpu.memory_space<vmem>>[vector<16xi32>, vector<16xi32>], vector<16xf32>,
        %parallel_loop3A_542 = arith.constant 3168 : i32
        %parallel_loop3A_543 = vector.broadcast %parallel_loop3A_542 : i32 to vector<16xi32>
        %parallel_loop3A_544 = arith.addi %parallel_loop3A_420, %parallel_loop3A_543 : vector<16xi32>
        tpu.vector_store_idx %arg10[%parallel_loop3A_544], %parallel_loop3A_541 : memref<16384xf32, #tpu.memory_space<vmem>>[vector<16xi32>], vector<16xf32>,
        %parallel_loop3A_545 = tpu.vector_load_idx %arg8[%add3A_96, %parallel_loop3A_406] : memref<512x32xf32, #tpu.memory_space<vmem>>[vector<16xi32>, vector<16xi32>], vector<16xf32>,
        %parallel_loop3A_546 = arith.constant 3184 : i32
        %parallel_loop3A_547 = vector.broadcast %parallel_loop3A_546 : i32 to vector<16xi32>
        %parallel_loop3A_548 = arith.addi %parallel_loop3A_420, %parallel_loop3A_547 : vector<16xi32>
        tpu.vector_store_idx %arg10[%parallel_loop3A_548], %parallel_loop3A_545 : memref<16384xf32, #tpu.memory_space<vmem>>[vector<16xi32>], vector<16xf32>,
      } {sc.loop_unroll_factor = 2 : i64, sc.parallel_access}
      %mul3A_342 = arith.constant 524288 : i32
      %mul3A_343 = arith.muli %add3A_323, %mul3A_342 : i32
      %add3A_344 = arith.constant 0 : i32
      %add3A_345 = arith.addi %mul3A_343, %add3A_344 : i32
      %mul3A_346 = arith.constant 4096 : i32
      %mul3A_347 = arith.muli %add3A, %mul3A_346 : i32
      %add3A_348 = arith.addi %add3A_345, %mul3A_347 : i32
      %dma_start3A_349 = arith.constant 0 : i32
      %dma_start3A_350 = tpu.memref_slice %arg10[%dma_start3A_349] : memref<16384xf32, #tpu.memory_space<vmem>> -> memref<4096xf32, #tpu.memory_space<vmem>>
      %dma_start3A_351 = tpu.memref_slice %arg4[%add3A_348] : memref<104857600xf32, #tpu.memory_space<hbm>> -> memref<4096xf32, #tpu.memory_space<hbm>>
      %dma_start3A_352 = tpu.memref_slice %arg4[%add3A_348] : memref<104857600xf32, #tpu.memory_space<hbm>> -> memref<4096xf32, #tpu.memory_space<hbm>>
      %dma_start3A_353 = arith.constant 0 : i32
      %dma_start3A_354 = tpu.memref_slice %arg10[%dma_start3A_353] : memref<16384xf32, #tpu.memory_space<vmem>> -> memref<4096xf32, #tpu.memory_space<vmem>>
      tpu.enqueue_dma source(%dma_start3A_354 : memref<4096xf32, #tpu.memory_space<vmem>>) target(%dma_start3A_352 : memref<4096xf32, #tpu.memory_space<hbm>>) target_semaphore(%arg16 : memref<!tpu.dma_semaphore, #tpu.memory_space<semaphore_mem>>)
      %mul3A_355 = arith.constant 524288 : i32
      %mul3A_356 = arith.muli %add3A_323, %mul3A_355 : i32
      %add3A_357 = arith.constant 131072 : i32
      %add3A_358 = arith.addi %mul3A_356, %add3A_357 : i32
      %mul3A_359 = arith.constant 4096 : i32
      %mul3A_360 = arith.muli %add3A, %mul3A_359 : i32
      %add3A_361 = arith.addi %add3A_358, %mul3A_360 : i32
      %dma_start3A_362 = arith.constant 4096 : i32
      %dma_start3A_363 = tpu.memref_slice %arg10[%dma_start3A_362] : memref<16384xf32, #tpu.memory_space<vmem>> -> memref<4096xf32, #tpu.memory_space<vmem>>
      %dma_start3A_364 = tpu.memref_slice %arg4[%add3A_361] : memref<104857600xf32, #tpu.memory_space<hbm>> -> memref<4096xf32, #tpu.memory_space<hbm>>
      %dma_start3A_365 = tpu.memref_slice %arg4[%add3A_361] : memref<104857600xf32, #tpu.memory_space<hbm>> -> memref<4096xf32, #tpu.memory_space<hbm>>
      %dma_start3A_366 = arith.constant 4096 : i32
      %dma_start3A_367 = tpu.memref_slice %arg10[%dma_start3A_366] : memref<16384xf32, #tpu.memory_space<vmem>> -> memref<4096xf32, #tpu.memory_space<vmem>>
      tpu.enqueue_dma source(%dma_start3A_367 : memref<4096xf32, #tpu.memory_space<vmem>>) target(%dma_start3A_365 : memref<4096xf32, #tpu.memory_space<hbm>>) target_semaphore(%arg16 : memref<!tpu.dma_semaphore, #tpu.memory_space<semaphore_mem>>)
      %mul3A_368 = arith.constant 524288 : i32
      %mul3A_369 = arith.muli %add3A_323, %mul3A_368 : i32
      %add3A_370 = arith.constant 262144 : i32
      %add3A_371 = arith.addi %mul3A_369, %add3A_370 : i32
      %mul3A_372 = arith.constant 4096 : i32
      %mul3A_373 = arith.muli %add3A, %mul3A_372 : i32
      %add3A_374 = arith.addi %add3A_371, %mul3A_373 : i32
      %dma_start3A_375 = arith.constant 8192 : i32
      %dma_start3A_376 = tpu.memref_slice %arg10[%dma_start3A_375] : memref<16384xf32, #tpu.memory_space<vmem>> -> memref<4096xf32, #tpu.memory_space<vmem>>
      %dma_start3A_377 = tpu.memref_slice %arg4[%add3A_374] : memref<104857600xf32, #tpu.memory_space<hbm>> -> memref<4096xf32, #tpu.memory_space<hbm>>
      %dma_start3A_378 = tpu.memref_slice %arg4[%add3A_374] : memref<104857600xf32, #tpu.memory_space<hbm>> -> memref<4096xf32, #tpu.memory_space<hbm>>
      %dma_start3A_379 = arith.constant 8192 : i32
      %dma_start3A_380 = tpu.memref_slice %arg10[%dma_start3A_379] : memref<16384xf32, #tpu.memory_space<vmem>> -> memref<4096xf32, #tpu.memory_space<vmem>>
      tpu.enqueue_dma source(%dma_start3A_380 : memref<4096xf32, #tpu.memory_space<vmem>>) target(%dma_start3A_378 : memref<4096xf32, #tpu.memory_space<hbm>>) target_semaphore(%arg16 : memref<!tpu.dma_semaphore, #tpu.memory_space<semaphore_mem>>)
      %mul3A_381 = arith.constant 524288 : i32
      %mul3A_382 = arith.muli %add3A_323, %mul3A_381 : i32
      %add3A_383 = arith.constant 393216 : i32
      %add3A_384 = arith.addi %mul3A_382, %add3A_383 : i32
      %mul3A_385 = arith.constant 4096 : i32
      %mul3A_386 = arith.muli %add3A, %mul3A_385 : i32
      %add3A_387 = arith.addi %add3A_384, %mul3A_386 : i32
      %dma_start3A_388 = arith.constant 12288 : i32
      %dma_start3A_389 = tpu.memref_slice %arg10[%dma_start3A_388] : memref<16384xf32, #tpu.memory_space<vmem>> -> memref<4096xf32, #tpu.memory_space<vmem>>
      %dma_start3A_390 = tpu.memref_slice %arg4[%add3A_387] : memref<104857600xf32, #tpu.memory_space<hbm>> -> memref<4096xf32, #tpu.memory_space<hbm>>
      %dma_start3A_391 = tpu.memref_slice %arg4[%add3A_387] : memref<104857600xf32, #tpu.memory_space<hbm>> -> memref<4096xf32, #tpu.memory_space<hbm>>
      %dma_start3A_392 = arith.constant 12288 : i32
      %dma_start3A_393 = tpu.memref_slice %arg10[%dma_start3A_392] : memref<16384xf32, #tpu.memory_space<vmem>> -> memref<4096xf32, #tpu.memory_space<vmem>>
      tpu.enqueue_dma source(%dma_start3A_393 : memref<4096xf32, #tpu.memory_space<vmem>>) target(%dma_start3A_391 : memref<4096xf32, #tpu.memory_space<hbm>>) target_semaphore(%arg16 : memref<!tpu.dma_semaphore, #tpu.memory_space<semaphore_mem>>)
      %add3A_394 = arith.constant 2 : i32
      %add3A_395 = arith.addi %add3A_323, %add3A_394 : i32
      %lt3A_396 = arith.constant 200 : i32
      %lt3A_397 = arith.cmpi slt, %add3A_395, %lt3A_396 : i32
      %convert_element_type3A_398 = arith.extui %lt3A_397 : i1 to i32
      %cond3A_399 = arith.constant 0 : i32
      %cond3A_400 = arith.cmpi ne, %convert_element_type3A_398, %cond3A_399 : i32
      scf.if %cond3A_400 {
        %add3A_401 = arith.constant 2 : i32
        %add3A_402 = arith.addi %add3A_323, %add3A_401 : i32
        %jit3A = arith.constant 8 : i32
        %div3A = arith.divsi %add3A_402, %jit3A : i32
        %sign3A = arith.constant 0 : i32
        %sign3A_403 = arith.cmpi sgt, %add3A_402, %sign3A : i32
        %sign3A_404 = arith.extui %sign3A_403 : i1 to i32
        %sign3A_405 = arith.constant 0 : i32
        %sign3A_406 = arith.cmpi slt, %add3A_402, %sign3A_405 : i32
        %sign3A_407 = arith.extui %sign3A_406 : i1 to i32
        %sign3A_408 = arith.subi %sign3A_404, %sign3A_407 : i32
        %sign3A_409 = arith.constant 0 : i32
        %sign3A_410 = arith.cmpi sgt, %jit3A, %sign3A_409 : i32
        %sign3A_411 = arith.extui %sign3A_410 : i1 to i32
        %sign3A_412 = arith.constant 0 : i32
        %sign3A_413 = arith.cmpi slt, %jit3A, %sign3A_412 : i32
        %sign3A_414 = arith.extui %sign3A_413 : i1 to i32
        %sign3A_415 = arith.subi %sign3A_411, %sign3A_414 : i32
        %ne3A = arith.cmpi ne, %sign3A_408, %sign3A_415 : i32
        %rem3A = arith.remsi %add3A_402, %jit3A : i32
        %ne3A_416 = arith.constant 0 : i32
        %ne3A_417 = arith.cmpi ne, %rem3A, %ne3A_416 : i32
        %and3A = arith.andi %ne3A, %ne3A_417 : i1
        %sub3A = arith.constant 1 : i32
        %sub3A_418 = arith.subi %div3A, %sub3A : i32
        %select_n3A = arith.select %and3A, %sub3A_418, %div3A : i32
        %mul3A_419 = arith.constant 128 : i32
        %mul3A_420 = arith.muli %select_n3A, %mul3A_419 : i32
        %mul3A_421 = arith.constant 4 : i32
        %mul3A_422 = arith.muli %add3A, %mul3A_421 : i32
        %add3A_423 = arith.addi %mul3A_420, %mul3A_422 : i32
        %add3A_424 = arith.constant 0 : i32
        %add3A_425 = arith.addi %add3A_423, %add3A_424 : i32
        %mul3A_426 = arith.constant 1024 : i32
        %mul3A_427 = arith.muli %add3A_425, %mul3A_426 : i32
        %jit3A_428 = arith.constant 8 : i32
        %eq3A = arith.constant 0 : i32
        %eq3A_429 = arith.cmpi eq, %jit3A_428, %eq3A : i32
        %jit3A_430 = arith.constant 1 : i32
        %select_n3A_431 = arith.select %eq3A_429, %jit3A_430, %jit3A_428 : i32
        %rem3A_432 = arith.remsi %add3A_402, %select_n3A_431 : i32
        %ne3A_433 = arith.constant 0 : i32
        %ne3A_434 = arith.cmpi ne, %rem3A_432, %ne3A_433 : i32
        %lt3A_435 = arith.constant 0 : i32
        %lt3A_436 = arith.cmpi slt, %rem3A_432, %lt3A_435 : i32
        %lt3A_437 = arith.constant 0 : i32
        %lt3A_438 = arith.cmpi slt, %select_n3A_431, %lt3A_437 : i32
        %ne3A_439 = arith.xori %lt3A_436, %lt3A_438 : i1
        %and3A_440 = arith.andi %ne3A_439, %ne3A_434 : i1
        %add3A_441 = arith.addi %rem3A_432, %select_n3A_431 : i32
        %select_n3A_442 = arith.select %and3A_440, %add3A_441, %rem3A_432 : i32
        %mul3A_443 = arith.constant 128 : i32
        %mul3A_444 = arith.muli %select_n3A_442, %mul3A_443 : i32
        %add3A_445 = arith.addi %mul3A_427, %mul3A_444 : i32
        %dma_start3A_446 = arith.constant 0 : i32
        %dma_start3A_447 = tpu.memref_slice %arg6[%dma_start3A_446] : memref<512xi32, #tpu.memory_space<vmem>> -> memref<128xi32, #tpu.memory_space<vmem>>
        %dma_start3A_448 = tpu.memref_slice %arg3[%add3A_445] : memref<3276800xi32, #tpu.memory_space<hbm>> -> memref<128xi32, #tpu.memory_space<hbm>>
        %dma_start3A_449 = arith.constant 0 : i32
        %dma_start3A_450 = tpu.memref_slice %arg6[%dma_start3A_449] : memref<512xi32, #tpu.memory_space<vmem>> -> memref<128xi32, #tpu.memory_space<vmem>>
        %dma_start3A_451 = tpu.memref_slice %arg3[%add3A_445] : memref<3276800xi32, #tpu.memory_space<hbm>> -> memref<128xi32, #tpu.memory_space<hbm>>
        tpu.enqueue_dma source(%dma_start3A_451 : memref<128xi32, #tpu.memory_space<hbm>>) target(%dma_start3A_450 : memref<128xi32, #tpu.memory_space<vmem>>) target_semaphore(%arg12 : memref<!tpu.dma_semaphore, #tpu.memory_space<semaphore_mem>>)
        %jit3A_452 = arith.constant 8 : i32
        %div3A_453 = arith.divsi %add3A_402, %jit3A_452 : i32
        %sign3A_454 = arith.constant 0 : i32
        %sign3A_455 = arith.cmpi sgt, %add3A_402, %sign3A_454 : i32
        %sign3A_456 = arith.extui %sign3A_455 : i1 to i32
        %sign3A_457 = arith.constant 0 : i32
        %sign3A_458 = arith.cmpi slt, %add3A_402, %sign3A_457 : i32
        %sign3A_459 = arith.extui %sign3A_458 : i1 to i32
        %sign3A_460 = arith.subi %sign3A_456, %sign3A_459 : i32
        %sign3A_461 = arith.constant 0 : i32
        %sign3A_462 = arith.cmpi sgt, %jit3A_452, %sign3A_461 : i32
        %sign3A_463 = arith.extui %sign3A_462 : i1 to i32
        %sign3A_464 = arith.constant 0 : i32
        %sign3A_465 = arith.cmpi slt, %jit3A_452, %sign3A_464 : i32
        %sign3A_466 = arith.extui %sign3A_465 : i1 to i32
        %sign3A_467 = arith.subi %sign3A_463, %sign3A_466 : i32
        %ne3A_468 = arith.cmpi ne, %sign3A_460, %sign3A_467 : i32
        %rem3A_469 = arith.remsi %add3A_402, %jit3A_452 : i32
        %ne3A_470 = arith.constant 0 : i32
        %ne3A_471 = arith.cmpi ne, %rem3A_469, %ne3A_470 : i32
        %and3A_472 = arith.andi %ne3A_468, %ne3A_471 : i1
        %sub3A_473 = arith.constant 1 : i32
        %sub3A_474 = arith.subi %div3A_453, %sub3A_473 : i32
        %select_n3A_475 = arith.select %and3A_472, %sub3A_474, %div3A_453 : i32
        %mul3A_476 = arith.constant 128 : i32
        %mul3A_477 = arith.muli %select_n3A_475, %mul3A_476 : i32
        %mul3A_478 = arith.constant 4 : i32
        %mul3A_479 = arith.muli %add3A, %mul3A_478 : i32
        %add3A_480 = arith.addi %mul3A_477, %mul3A_479 : i32
        %add3A_481 = arith.constant 1 : i32
        %add3A_482 = arith.addi %add3A_480, %add3A_481 : i32
        %mul3A_483 = arith.constant 1024 : i32
        %mul3A_484 = arith.muli %add3A_482, %mul3A_483 : i32
        %jit3A_485 = arith.constant 8 : i32
        %eq3A_486 = arith.constant 0 : i32
        %eq3A_487 = arith.cmpi eq, %jit3A_485, %eq3A_486 : i32
        %jit3A_488 = arith.constant 1 : i32
        %select_n3A_489 = arith.select %eq3A_487, %jit3A_488, %jit3A_485 : i32
        %rem3A_490 = arith.remsi %add3A_402, %select_n3A_489 : i32
        %ne3A_491 = arith.constant 0 : i32
        %ne3A_492 = arith.cmpi ne, %rem3A_490, %ne3A_491 : i32
        %lt3A_493 = arith.constant 0 : i32
        %lt3A_494 = arith.cmpi slt, %rem3A_490, %lt3A_493 : i32
        %lt3A_495 = arith.constant 0 : i32
        %lt3A_496 = arith.cmpi slt, %select_n3A_489, %lt3A_495 : i32
        %ne3A_497 = arith.xori %lt3A_494, %lt3A_496 : i1
        %and3A_498 = arith.andi %ne3A_497, %ne3A_492 : i1
        %add3A_499 = arith.addi %rem3A_490, %select_n3A_489 : i32
        %select_n3A_500 = arith.select %and3A_498, %add3A_499, %rem3A_490 : i32
        %mul3A_501 = arith.constant 128 : i32
        %mul3A_502 = arith.muli %select_n3A_500, %mul3A_501 : i32
        %add3A_503 = arith.addi %mul3A_484, %mul3A_502 : i32
        %dma_start3A_504 = arith.constant 128 : i32
        %dma_start3A_505 = tpu.memref_slice %arg6[%dma_start3A_504] : memref<512xi32, #tpu.memory_space<vmem>> -> memref<128xi32, #tpu.memory_space<vmem>>
        %dma_start3A_506 = tpu.memref_slice %arg3[%add3A_503] : memref<3276800xi32, #tpu.memory_space<hbm>> -> memref<128xi32, #tpu.memory_space<hbm>>
        %dma_start3A_507 = arith.constant 128 : i32
        %dma_start3A_508 = tpu.memref_slice %arg6[%dma_start3A_507] : memref<512xi32, #tpu.memory_space<vmem>> -> memref<128xi32, #tpu.memory_space<vmem>>
        %dma_start3A_509 = tpu.memref_slice %arg3[%add3A_503] : memref<3276800xi32, #tpu.memory_space<hbm>> -> memref<128xi32, #tpu.memory_space<hbm>>
        tpu.enqueue_dma source(%dma_start3A_509 : memref<128xi32, #tpu.memory_space<hbm>>) target(%dma_start3A_508 : memref<128xi32, #tpu.memory_space<vmem>>) target_semaphore(%arg12 : memref<!tpu.dma_semaphore, #tpu.memory_space<semaphore_mem>>)
        %jit3A_510 = arith.constant 8 : i32
        %div3A_511 = arith.divsi %add3A_402, %jit3A_510 : i32
        %sign3A_512 = arith.constant 0 : i32
        %sign3A_513 = arith.cmpi sgt, %add3A_402, %sign3A_512 : i32
        %sign3A_514 = arith.extui %sign3A_513 : i1 to i32
        %sign3A_515 = arith.constant 0 : i32
        %sign3A_516 = arith.cmpi slt, %add3A_402, %sign3A_515 : i32
        %sign3A_517 = arith.extui %sign3A_516 : i1 to i32
        %sign3A_518 = arith.subi %sign3A_514, %sign3A_517 : i32
        %sign3A_519 = arith.constant 0 : i32
        %sign3A_520 = arith.cmpi sgt, %jit3A_510, %sign3A_519 : i32
        %sign3A_521 = arith.extui %sign3A_520 : i1 to i32
        %sign3A_522 = arith.constant 0 : i32
        %sign3A_523 = arith.cmpi slt, %jit3A_510, %sign3A_522 : i32
        %sign3A_524 = arith.extui %sign3A_523 : i1 to i32
        %sign3A_525 = arith.subi %sign3A_521, %sign3A_524 : i32
        %ne3A_526 = arith.cmpi ne, %sign3A_518, %sign3A_525 : i32
        %rem3A_527 = arith.remsi %add3A_402, %jit3A_510 : i32
        %ne3A_528 = arith.constant 0 : i32
        %ne3A_529 = arith.cmpi ne, %rem3A_527, %ne3A_528 : i32
        %and3A_530 = arith.andi %ne3A_526, %ne3A_529 : i1
        %sub3A_531 = arith.constant 1 : i32
        %sub3A_532 = arith.subi %div3A_511, %sub3A_531 : i32
        %select_n3A_533 = arith.select %and3A_530, %sub3A_532, %div3A_511 : i32
        %mul3A_534 = arith.constant 128 : i32
        %mul3A_535 = arith.muli %select_n3A_533, %mul3A_534 : i32
        %mul3A_536 = arith.constant 4 : i32
        %mul3A_537 = arith.muli %add3A, %mul3A_536 : i32
        %add3A_538 = arith.addi %mul3A_535, %mul3A_537 : i32
        %add3A_539 = arith.constant 2 : i32
        %add3A_540 = arith.addi %add3A_538, %add3A_539 : i32
        %mul3A_541 = arith.constant 1024 : i32
        %mul3A_542 = arith.muli %add3A_540, %mul3A_541 : i32
        %jit3A_543 = arith.constant 8 : i32
        %eq3A_544 = arith.constant 0 : i32
        %eq3A_545 = arith.cmpi eq, %jit3A_543, %eq3A_544 : i32
        %jit3A_546 = arith.constant 1 : i32
        %select_n3A_547 = arith.select %eq3A_545, %jit3A_546, %jit3A_543 : i32
        %rem3A_548 = arith.remsi %add3A_402, %select_n3A_547 : i32
        %ne3A_549 = arith.constant 0 : i32
        %ne3A_550 = arith.cmpi ne, %rem3A_548, %ne3A_549 : i32
        %lt3A_551 = arith.constant 0 : i32
        %lt3A_552 = arith.cmpi slt, %rem3A_548, %lt3A_551 : i32
        %lt3A_553 = arith.constant 0 : i32
        %lt3A_554 = arith.cmpi slt, %select_n3A_547, %lt3A_553 : i32
        %ne3A_555 = arith.xori %lt3A_552, %lt3A_554 : i1
        %and3A_556 = arith.andi %ne3A_555, %ne3A_550 : i1
        %add3A_557 = arith.addi %rem3A_548, %select_n3A_547 : i32
        %select_n3A_558 = arith.select %and3A_556, %add3A_557, %rem3A_548 : i32
        %mul3A_559 = arith.constant 128 : i32
        %mul3A_560 = arith.muli %select_n3A_558, %mul3A_559 : i32
        %add3A_561 = arith.addi %mul3A_542, %mul3A_560 : i32
        %dma_start3A_562 = arith.constant 256 : i32
        %dma_start3A_563 = tpu.memref_slice %arg6[%dma_start3A_562] : memref<512xi32, #tpu.memory_space<vmem>> -> memref<128xi32, #tpu.memory_space<vmem>>
        %dma_start3A_564 = tpu.memref_slice %arg3[%add3A_561] : memref<3276800xi32, #tpu.memory_space<hbm>> -> memref<128xi32, #tpu.memory_space<hbm>>
        %dma_start3A_565 = arith.constant 256 : i32
        %dma_start3A_566 = tpu.memref_slice %arg6[%dma_start3A_565] : memref<512xi32, #tpu.memory_space<vmem>> -> memref<128xi32, #tpu.memory_space<vmem>>
        %dma_start3A_567 = tpu.memref_slice %arg3[%add3A_561] : memref<3276800xi32, #tpu.memory_space<hbm>> -> memref<128xi32, #tpu.memory_space<hbm>>
        tpu.enqueue_dma source(%dma_start3A_567 : memref<128xi32, #tpu.memory_space<hbm>>) target(%dma_start3A_566 : memref<128xi32, #tpu.memory_space<vmem>>) target_semaphore(%arg12 : memref<!tpu.dma_semaphore, #tpu.memory_space<semaphore_mem>>)
        %jit3A_568 = arith.constant 8 : i32
        %div3A_569 = arith.divsi %add3A_402, %jit3A_568 : i32
        %sign3A_570 = arith.constant 0 : i32
        %sign3A_571 = arith.cmpi sgt, %add3A_402, %sign3A_570 : i32
        %sign3A_572 = arith.extui %sign3A_571 : i1 to i32
        %sign3A_573 = arith.constant 0 : i32
        %sign3A_574 = arith.cmpi slt, %add3A_402, %sign3A_573 : i32
        %sign3A_575 = arith.extui %sign3A_574 : i1 to i32
        %sign3A_576 = arith.subi %sign3A_572, %sign3A_575 : i32
        %sign3A_577 = arith.constant 0 : i32
        %sign3A_578 = arith.cmpi sgt, %jit3A_568, %sign3A_577 : i32
        %sign3A_579 = arith.extui %sign3A_578 : i1 to i32
        %sign3A_580 = arith.constant 0 : i32
        %sign3A_581 = arith.cmpi slt, %jit3A_568, %sign3A_580 : i32
        %sign3A_582 = arith.extui %sign3A_581 : i1 to i32
        %sign3A_583 = arith.subi %sign3A_579, %sign3A_582 : i32
        %ne3A_584 = arith.cmpi ne, %sign3A_576, %sign3A_583 : i32
        %rem3A_585 = arith.remsi %add3A_402, %jit3A_568 : i32
        %ne3A_586 = arith.constant 0 : i32
        %ne3A_587 = arith.cmpi ne, %rem3A_585, %ne3A_586 : i32
        %and3A_588 = arith.andi %ne3A_584, %ne3A_587 : i1
        %sub3A_589 = arith.constant 1 : i32
        %sub3A_590 = arith.subi %div3A_569, %sub3A_589 : i32
        %select_n3A_591 = arith.select %and3A_588, %sub3A_590, %div3A_569 : i32
        %mul3A_592 = arith.constant 128 : i32
        %mul3A_593 = arith.muli %select_n3A_591, %mul3A_592 : i32
        %mul3A_594 = arith.constant 4 : i32
        %mul3A_595 = arith.muli %add3A, %mul3A_594 : i32
        %add3A_596 = arith.addi %mul3A_593, %mul3A_595 : i32
        %add3A_597 = arith.constant 3 : i32
        %add3A_598 = arith.addi %add3A_596, %add3A_597 : i32
        %mul3A_599 = arith.constant 1024 : i32
        %mul3A_600 = arith.muli %add3A_598, %mul3A_599 : i32
        %jit3A_601 = arith.constant 8 : i32
        %eq3A_602 = arith.constant 0 : i32
        %eq3A_603 = arith.cmpi eq, %jit3A_601, %eq3A_602 : i32
        %jit3A_604 = arith.constant 1 : i32
        %select_n3A_605 = arith.select %eq3A_603, %jit3A_604, %jit3A_601 : i32
        %rem3A_606 = arith.remsi %add3A_402, %select_n3A_605 : i32
        %ne3A_607 = arith.constant 0 : i32
        %ne3A_608 = arith.cmpi ne, %rem3A_606, %ne3A_607 : i32
        %lt3A_609 = arith.constant 0 : i32
        %lt3A_610 = arith.cmpi slt, %rem3A_606, %lt3A_609 : i32
        %lt3A_611 = arith.constant 0 : i32
        %lt3A_612 = arith.cmpi slt, %select_n3A_605, %lt3A_611 : i32
        %ne3A_613 = arith.xori %lt3A_610, %lt3A_612 : i1
        %and3A_614 = arith.andi %ne3A_613, %ne3A_608 : i1
        %add3A_615 = arith.addi %rem3A_606, %select_n3A_605 : i32
        %select_n3A_616 = arith.select %and3A_614, %add3A_615, %rem3A_606 : i32
        %mul3A_617 = arith.constant 128 : i32
        %mul3A_618 = arith.muli %select_n3A_616, %mul3A_617 : i32
        %add3A_619 = arith.addi %mul3A_600, %mul3A_618 : i32
        %dma_start3A_620 = arith.constant 384 : i32
        %dma_start3A_621 = tpu.memref_slice %arg6[%dma_start3A_620] : memref<512xi32, #tpu.memory_space<vmem>> -> memref<128xi32, #tpu.memory_space<vmem>>
        %dma_start3A_622 = tpu.memref_slice %arg3[%add3A_619] : memref<3276800xi32, #tpu.memory_space<hbm>> -> memref<128xi32, #tpu.memory_space<hbm>>
        %dma_start3A_623 = arith.constant 384 : i32
        %dma_start3A_624 = tpu.memref_slice %arg6[%dma_start3A_623] : memref<512xi32, #tpu.memory_space<vmem>> -> memref<128xi32, #tpu.memory_space<vmem>>
        %dma_start3A_625 = tpu.memref_slice %arg3[%add3A_619] : memref<3276800xi32, #tpu.memory_space<hbm>> -> memref<128xi32, #tpu.memory_space<hbm>>
        tpu.enqueue_dma source(%dma_start3A_625 : memref<128xi32, #tpu.memory_space<hbm>>) target(%dma_start3A_624 : memref<128xi32, #tpu.memory_space<vmem>>) target_semaphore(%arg12 : memref<!tpu.dma_semaphore, #tpu.memory_space<semaphore_mem>>)
      } else {
      }
    }
    %scan3A_234 = arith.constant 100 : i32
    %dma_wait3A_235 = arith.constant 0 : i32
    %dma_wait3A_236 = tpu.memref_slice %arg4[%dma_wait3A_235] : memref<104857600xf32, #tpu.memory_space<hbm>> -> memref<16384xf32, #tpu.memory_space<hbm>>
    %dma_wait3A_237 = arith.constant 0 : i32
    %dma_wait3A_238 = tpu.memref_slice %arg4[%dma_wait3A_237] : memref<104857600xf32, #tpu.memory_space<hbm>> -> memref<16384xf32, #tpu.memory_space<hbm>>
    tpu.wait_dma2 semaphore(%arg15 : memref<!tpu.dma_semaphore, #tpu.memory_space<semaphore_mem>>) src(%arg9 : memref<16384xf32, #tpu.memory_space<vmem>>) dst(%dma_wait3A_238 : memref<16384xf32, #tpu.memory_space<hbm>>)
    %dma_wait3A_239 = arith.constant 0 : i32
    %dma_wait3A_240 = tpu.memref_slice %arg4[%dma_wait3A_239] : memref<104857600xf32, #tpu.memory_space<hbm>> -> memref<16384xf32, #tpu.memory_space<hbm>>
    %dma_wait3A_241 = arith.constant 0 : i32
    %dma_wait3A_242 = tpu.memref_slice %arg4[%dma_wait3A_241] : memref<104857600xf32, #tpu.memory_space<hbm>> -> memref<16384xf32, #tpu.memory_space<hbm>>
    tpu.wait_dma2 semaphore(%arg16 : memref<!tpu.dma_semaphore, #tpu.memory_space<semaphore_mem>>) src(%arg10 : memref<16384xf32, #tpu.memory_space<vmem>>) dst(%dma_wait3A_242 : memref<16384xf32, #tpu.memory_space<hbm>>)
    return
  }
}

</mosaic_0001>

<sc_bundles>
// kernel: kernel.3.cloned.1.call-start
scs
__scs_entry_jumppad:
0x0: {  	(pc) =	sbr.rel $0x88, $3  }
0x1: {  	(tag) =	ssettag $0x0;
	lr =	simm.s32 $0x1  }
0x2: {  	[smem:$0x3F9F] =	sst lr;
	_ =	strace $0xD0000000  }
0x3: {  	_ = 	snop  }
0x4: {  	_ = 	snop  }
0x5: {  	_ = 	snop  }
0x6: {  	_ = 	snop  }
0x7: {  	_ = 	snop  }
__scs_overlays_trampoline_lowered:
0x8: {  	[smem:$0x3FAE] =	sst s0  }
0x9: {  	[smem:$0x3FAF] =	sst s1  }
0xa: {  	[smem:$0x3FB0] =	sst s2  }
0xb: {  	[smem:$0x3FB1] =	sst s3  }
0xc: {  	[smem:$0x3FB2] =	sst s4  }
0xd: {  	[smem:$0x3FB3] =	sst s5  }
0xe: {  	[smem:$0x3FB4] =	sst s6  }
0xf: {  	[smem:$0x3FB5] =	sst s7  }
0x10: {  	[smem:$0x3FB6] =	sst s8  }
0x11: {  	[smem:$0x3FB7] =	sst s9;
	s0 =	simm.s32 @!p0 $0x0  }
0x12: {  	s1 =	sld [smem:$0x3F9D];
	s0 =	simm.s32 @p0 $0x1  }
0x13: {  	[smem:$0x3FB8] =	sst s0;
	s0 =	simm.s32 @!p1 $0x0  }
0x14: {  	s2 =	sld [smem:$0x3F9C];
	s0 =	simm.s32 @p1 $0x1  }
0x15: {  	[smem:$0x3FB9] =	sst s0;
	s0 =	simm.s32 @!p2 $0x0  }
0x16: {  	s3 =	sld [smem:$0x3FDB];
	s0 =	simm.s32 @p2 $0x1  }
0x17: {  	s4 =	simm.s32 $0x1BF5;
	[smem:$0x3FBB] =	sst s0  }
0x18: {  	s0 =	sld [smem:$0x3F9E];
	_ =	swait.ge [sflag:s4], $0x0  }
0x19: {  	s7 =	sld [smem:$0x3F9F]  }
0x1a: {  	s8 =	sadd.s32 $0xFFFFE003, lr  }
0x1b: {  	s9 =	sadd.s32 $0xFFFFFEF7, lr;
	s5 =	simm.s32 $0xFFFFFFFF;
	p2 =	slt.u32 s8, $0xFFFFF086  }
0x1c: {  	p1 =	slt.u32 s9, $0xF7A;
	s5 =	simm.s32 @!p2 $0x0  }
0x1d: {  	s5 =	simm.s32 @p1 $0x1;
	p0 =	seq.s32 s7, s2  }
0x1e: {  	s7 =	smul.u32 @!p0 $0xF7A, s2;
	p2 =	seq.s32 @!p0 s5, $0x0  }
0x1f: {  	s9 =	smul.u32 $0xF7A, s1;
	s8 =	simm.s32 @!p0 $0x1BF5;
	p2 =	por !p2, p0  }
0x20: {  	[sflag:s8] =	ssyncset.s32 @!p0 $0xFFFFF086;
	s6 =	sadd.s32 @!p0 s3, s7;
	s7 =	simm.s32 @!p0 $0x108  }
0x21: {  	s3 =	sadd.s32 s3, s9;
	s6 =	sadd.s32 @!p0 $0x88, s6;
	s7 =	simm.s32 @p2 $0x1082  }
0x22: {  	[simem:s7], [sflag:s8] =	dma.local @!p0 [hbm:s6], $0xF7A  }
0x23: {  	s9 =	sor.u32 $0xD0000000, s2;
	s6 =	simm.s32 $0x108;
	_ =	swait.ge @!p0 [sflag:s8], $0x0  }
0x24: {  	s3 =	sadd.s32 $0x88, s3;
	s6 =	simm.s32 @!p1 $0x1082;
	[sflag:s4] =	ssyncset.s32 $0xFFFFF086  }
0x25: {  	[simem:s6], [sflag:s4] =	dma.local [hbm:s3], $0xF7A  }
0x26: {  	[smem:$0x3F9F] =	sst s1;
	(tag) =	ssettag s2;
	_ =	strace s9  }
0x27: {  	s1 =	sld [smem:$0x3FAF]  }
0x28: {  	s2 =	sld [smem:$0x3FB0]  }
0x29: {  	s4 =	sld [smem:$0x3FB2]  }
0x2a: {  	p0 =	seq.s32 s5, $0x0;
	s5 =	sld [smem:$0x3FB3]  }
0x2b: {  	s6 =	sld [smem:$0x3FB4]  }
0x2c: {  	s7 =	sld [smem:$0x3FB5]  }
0x2d: {  	s3 =	simm.s32 $0x108;
	s8 =	sld [smem:$0x3FB6]  }
0x2e: {  	s3 =	simm.s32 @!p0 $0x1082;
	s9 =	sld [smem:$0x3FB7]  }
0x2f: {  	lr =	sadd.s32 s0, s3;
	s0 =	sld [smem:$0x3FAE]  }
0x30: {  	s3 =	sld [smem:$0x3FB1]  }
0x31: {  	[smem:$0x3FBA] =	sst s10  }
0x32: {  	s10 =	sld [smem:$0x3FB8];
	_ =	sdelay $0x3  }
0x33: {  	p0 =	seq.s32 s10, $0x1;
	s10 =	sld [smem:$0x3FBA];
	_ =	sdelay $0x3  }
0x34: {  	[smem:$0x3FBA] =	sst s10  }
0x35: {  	s10 =	sld [smem:$0x3FB9];
	_ =	sdelay $0x3  }
0x36: {  	p1 =	seq.s32 s10, $0x1;
	s10 =	sld [smem:$0x3FBA];
	_ =	sdelay $0x3  }
0x37: {  	[smem:$0x3FBA] =	sst s10  }
0x38: {  	s10 =	sld [smem:$0x3FBB]  }
0x39: {  	_ = 	snop;
	(pc) =	sbr.ind lr, $3  }
0x3a: {  	_ = 	snop  }
0x3b: {  	_ = 	snop  }
0x3c: {  	p2 =	seq.s32 s10, $0x1;
	s10 =	sld [smem:$0x3FBA]  }
0x3d: {  	_ =	shalt  }
0x3e: {  	_ =	shalt  }
0x3f: {  	_ =	shalt  }
0x40: {  	_ =	shalt  }
0x41: {  	_ =	shalt  }
0x42: {  	_ =	shalt  }
0x43: {  	_ =	shalt  }
0x44: {  	_ =	shalt  }
0x45: {  	_ =	shalt  }
0x46: {  	_ =	shalt  }
0x47: {  	_ =	shalt  }
0x48: {  	_ =	shalt  }
0x49: {  	_ =	shalt  }
0x4a: {  	_ =	shalt  }
0x4b: {  	_ =	shalt  }
0x4c: {  	_ =	shalt  }
0x4d: {  	_ =	shalt  }
0x4e: {  	_ =	shalt  }
0x4f: {  	_ =	shalt  }
0x50: {  	_ =	shalt  }
0x51: {  	_ =	shalt  }
0x52: {  	_ =	shalt  }
0x53: {  	_ =	shalt  }
0x54: {  	_ =	shalt  }
0x55: {  	_ =	shalt  }
0x56: {  	_ =	shalt  }
0x57: {  	_ =	shalt  }
0x58: {  	_ =	shalt  }
0x59: {  	_ =	shalt  }
0x5a: {  	_ =	shalt  }
0x5b: {  	_ =	shalt  }
0x5c: {  	_ =	shalt  }
0x5d: {  	_ =	shalt  }
0x5e: {  	_ =	shalt  }
0x5f: {  	_ =	shalt  }
0x60: {  	_ =	shalt  }
0x61: {  	_ =	shalt  }
0x62: {  	_ =	shalt  }
0x63: {  	_ =	shalt  }
0x64: {  	_ =	shalt  }
0x65: {  	_ =	shalt  }
0x66: {  	_ =	shalt  }
0x67: {  	_ =	shalt  }
0x68: {  	_ =	shalt  }
0x69: {  	_ =	shalt  }
0x6a: {  	_ =	shalt  }
0x6b: {  	_ =	shalt  }
0x6c: {  	_ =	shalt  }
0x6d: {  	_ =	shalt  }
0x6e: {  	_ =	shalt  }
0x6f: {  	_ =	shalt  }
0x70: {  	_ =	shalt  }
0x71: {  	_ =	shalt  }
0x72: {  	_ =	shalt  }
0x73: {  	_ =	shalt  }
0x74: {  	_ =	shalt  }
0x75: {  	_ =	shalt  }
0x76: {  	_ =	shalt  }
0x77: {  	_ =	shalt  }
0x78: {  	_ =	shalt  }
0x79: {  	_ =	shalt  }
0x7a: {  	_ =	shalt  }
0x7b: {  	_ =	shalt  }
0x7c: {  	_ =	shalt  }
0x7d: {  	_ =	shalt  }
0x7e: {  	_ =	shalt  }
0x7f: {  	_ =	shalt  }
0x80: {  	_ =	shalt  }
0x81: {  	_ =	shalt  }
0x82: {  	_ =	shalt  }
0x83: {  	_ =	shalt  }
0x84: {  	_ =	shalt  }
0x85: {  	_ =	shalt  }
0x86: {  	_ =	shalt  }
0x87: {  	_ =	shalt  }
.Lfunc_end0:
.L_simem_size_0:
called_computation_lowered:
.L_overlay_start_0:
0x88: {  	s2 =	sld [smem:$0x3FD9]  }
0x89: {  	s3 =	sld [smem:$0x3FFE];
	_ =	sdelay $0x1  }
0x8a: {  	s1 =	srdreg.scid  }
0x8b: {  	s0 =	sand.u32 $0x1, s1  }
0x8c: {  	s17 =	sshll.u32 s0, $0xA;
	s2 =	sadd.s32 s3, s2  }
0x8d: {  	s2 =	sadd.s32 s2, s17  }
0x8e: {  	[smem:$0x3FC6] =	sst s2  }
0x8f: {  	_ = 	snop  }
0x90: {  	s2 =	sld [smem:$0x3FC9]  }
0x91: {  	s18 =	sld [smem:$0x3FD0];
	(tm) =	ssettm $0x1  }
0x92: {  	s4 =	sld [smem:$0x3FFB];
	_ =	sdelay $0x3  }
0x93: {  	_ =	strace s4  }
0x94: {  	s4 =	sld [smem:$0x3FFC];
	_ =	sdelay $0x3  }
0x95: {  	_ =	strace s4  }
0x96: {  	s4 =	sld [smem:$0x3FFD];
	_ =	sdelay $0x3  }
0x97: {  	_ =	strace s4  }
0x98: {  	_ =	strace $0x8FFFFFFF  }
0x99: {  	s19 =	sld [smem:$0x3FDB];
	_ =	sdelay $0x1  }
0x9a: {  	s5 =	simm.s32 $_scs_section_size  }
0x9b: {  	s6 =	simm.s32 $_size__tile_overlayer_lowered;
	s7 =	simm.s32 $_tile_overlayer_lowered  }
0x9c: {  	s22 =	simm.s32 $0x1BFF;
	s21 =	sshll.u32 s7, $0x1;
	s4 =	sadd.s32 s5, s19  }
0x9d: {  	s8 =	simm.s32 $0x0;
	s20 =	sshll.u32 s6, $0x1;
	s6 =	sadd.s32 s21, s4  }
0x9e: {  	[timem:s8], [sflag:s22] =	dma.local [hbm:s6], s20  }
0x9f: {  	_ =	swait.ge [sflag:s22], s20  }
0xa0: {  	s5 =	ssub.s32 $0x0, s20;
	[sflag:s22] =	ssyncset.done $0x0  }
0xa1: {  	[sflag:s22] =	ssyncadd.s32 s5;
	_ =	sdelay $0x1  }
0xa2: {  	s23 =	simm.s32 $0x1B8B  }
0xa3: {  	_ =	swait.ge [sflag:s23], $0x1  }
0xa4: {  	[sflag:s23] =	ssyncset.done $0x0  }
0xa5: {  	s25 =	simm.s32 $0x1B8E;
	s24 =	sld [smem:$0x3FFE];
	[sflag:s23] =	ssyncadd.s32 $0xFFFFFFFF  }
0xa6: {  	s26 =	simm.s32 $execute0_lowered;
	[smem:$0x3FD2] =	sst s25  }
0xa7: {  	s6 =	sshll.u32 s26, $0x1;
	_ =	strace $0x80000046;
	[dreg:$0x1] =	wrdreg $0xFFFFFFFF  }
0xa8: {  	s28 =	simm.s32 $_size_execute0_lowered;
	s4 =	sadd.s32 s4, s6;
	[dreg:$0x0] =	wrdreg $0x0  }
0xa9: {  	s6 =	sshll.u32 s28, $0x1;
	[dreg:$0x2] =	wrdreg s4  }
0xaa: {  	[dreg:$0x3] =	wrdreg s6  }
0xab: {  	[dreg:$0x4] =	wrdreg $0xC0  }
0xac: {  	_ =	task [dreg:s8], $0x5FFFF  }
0xad: {  	[dreg:$0x1] =	wrdreg $0xFFFFFFFF  }
0xae: {  	[dreg:$0x0] =	wrdreg $0x60  }
0xaf: {  	[dreg:$0x2] =	wrdreg s24  }
0xb0: {  	[dreg:$0x3] =	wrdreg s2  }
0xb1: {  	[dreg:$0x4] =	wrdreg s18  }
0xb2: {  	[dreg:$0x5] =	wrdreg $0x9  }
0xb3: {  	_ =	task.clear_ibuf [dreg:s8], $0x6FFFF;
	_ =	strace $0x90000046  }
0xb4: {  	s29 =	simm.s32 $0x9;
	_ =	strace $0x80000048  }
0xb5: {  	_ =	swait.ge [sflag:s29], $0x1  }
0xb6: {  	[sflag:s29] =	ssyncadd.s32 $0xFFFFFFFF  }
0xb7: {  	_ =	strace $0x90000048  }
0xb8: {  	_ =	sfence  }
0xb9: {  	s30 =	sld [smem:$0x0];
	_ =	sdelay $0x2  }
0xba: {  	s31 =	sshll.u32 s1, $0xD;
	s1 =	sshrl.u32 s1, $0x2  }
0xbb: {  	s3 =	sand.u32 $0x4000, s31;
	s1 =	sadd.s32 s1, s30  }
0xbc: {  	s0 =	sor.u32 s3, s0;
	s1 =	sshll.u32 s1, $0x11  }
0xbd: {  	s0 =	sor.u32 s1, s0  }
0xbe: {  	s0 =	sadd.s32 $0x8F2B, s0  }
0xbf: {  	[sflag:s0] =	ssyncadd.remote.s32 $0x1  }
0xc0: {  	_ =	sfence.sel $0xFFFF  }
0xc1: {  	[dreg:$0x0] =	wrdreg $0xFFFFFFFF;
	(pc) =	sbr.abs _section_cstart, $3  }
0xc2: {  	[dreg:$0x1] =	wrdreg $0xFFFFFFFF  }
0xc3: {  	_ =	task.clear_ibuf [dreg:s8], $0x2FFFF;
	_ =	strace $0x9FFFFFFF  }
0xc4: {  	(tm) =	ssettm $0x7FFFFFFF  }
0xc5: {  	_ =	shalt  }
tec
execute0_lowered:
.L_overlay_start_1:
0x0: {  	(tag) =	ssettag $0x1  }
0x1: {  	v41 =	vlaneseq.u32  }
0x2: {  	v42 =	vmul.u32 $0x20, v41;
	_ =	sdelay $0x1  }
0x3: {  	s0 =	rddreg [dreg:$0x0];
	v0 =	vor.u32 $0xA00, v42  }
0x4: {  	s1 =	rddreg [dreg:$0x1];
	s4 =	simm.s32 $0x0;
	v60 =	vor.u32 $0xC00, v42;
	[tilespmem:$0x1FC30] =	vst v0  }
0x5: {  	[smem:$0x7FF] =	sst s4;
	v63 =	vor.u32 $0x2600, v42;
	[tilespmem:$0x1FC40] =	vst v60  }
0x6: {  	s12 =	rddreg [dreg:$0x2];
	v31 =	vor.u32 $0x400, v42;
	_ =	strace $0x80000047;
	[tilespmem:$0x1FC50] =	vst v63  }
0x7: {  	v53 =	vor.u32 $0xE00, v42;
	[tilespmem:$0x1FC60] =	vst v31  }
0x8: {  	v14 =	vor.u32 $0x70, v41;
	[tilespmem:$0x1FC70] =	vst v53  }
0x9: {  	v15 =	vor.u32 $0x1000, v42;
	[tilespmem:$0x1FC80] =	vst v14  }
0xa: {  	v12 =	vor.u32 $0x400, v41;
	[tilespmem:$0x1FC90] =	vst v15  }
0xb: {  	v13 =	vor.u32 $0x1200, v42;
	[tilespmem:$0x1FCA0] =	vst v12  }
0xc: {  	v46 =	vor.u32 $0x410, v41;
	[tilespmem:$0x1FCB0] =	vst v13  }
0xd: {  	v55 =	vor.u32 $0x1400, v42;
	[tilespmem:$0x1FCC0] =	vst v46  }
0xe: {  	v36 =	vor.u32 $0x420, v41;
	[tilespmem:$0x1FCD0] =	vst v55  }
0xf: {  	v25 =	vor.u32 $0x10, v41;
	[tilespmem:$0x1FCE0] =	vst v36  }
0x10: {  	v62 =	vor.u32 $0x30, v41;
	[tilespmem:$0x1FCF0] =	vst v25  }
0x11: {  	v8 =	vor.u32 $0x40, v41;
	[tilespmem:$0x1FD00] =	vst v62  }
0x12: {  	v44 =	vor.u32 $0x600, v42;
	[tilespmem:$0x1FD10] =	vst v8  }
0x13: {  	v0 =	vor.u32 $0x3000, v42;
	[tilespmem:$0x1FD20] =	vst v44  }
0x14: {  	v1 =	vor.u32 $0xC00, v41;
	[tilespmem:$0x1FD30] =	vst v0  }
0x15: {  	v2 =	vor.u32 $0x3200, v42;
	[tilespmem:$0x1FD40] =	vst v1  }
0x16: {  	v3 =	vor.u32 $0xC10, v41;
	[tilespmem:$0x1FD50] =	vst v2  }
0x17: {  	v4 =	vor.u32 $0x3400, v42;
	[tilespmem:$0x1FD60] =	vst v3  }
0x18: {  	v5 =	vor.u32 $0xC20, v41;
	[tilespmem:$0x1FD70] =	vst v4  }
0x19: {  	v28 =	vor.u32 $0x2E00, v42;
	[tilespmem:$0x1FD80] =	vst v5  }
0x1a: {  	v6 =	vor.u32 $0xC30, v41;
	[tilespmem:$0x1FD90] =	vst v28  }
0x1b: {  	v57 =	vor.u32 $0xC40, v41;
	[tilespmem:$0x1FDA0] =	vst v6  }
0x1c: {  	v29 =	vor.u32 $0x2C00, v42;
	[tilespmem:$0x1FDB0] =	vst v57  }
0x1d: {  	v58 =	vor.u32 $0xC50, v41;
	[tilespmem:$0x1FDC0] =	vst v29  }
0x1e: {  	v60 =	vor.u32 $0xC60, v41;
	[tilespmem:$0x1FDD0] =	vst v58  }
0x1f: {  	v30 =	vor.u32 $0x860, v41;
	[tilespmem:$0x1FDE0] =	vst v60  }
0x20: {  	v7 =	vor.u32 $0xC70, v41;
	[tilespmem:$0x1FDF0] =	vst v30  }
0x21: {  	v49 =	vor.u32 $0x800, v42;
	[tilespmem:$0x1FE10] =	vst v7  }
0x22: {  	v32 =	vor.u32 $0x3600, v42;
	[tilespmem:$0x1FE20] =	vst v49  }
0x23: {  	v59 =	vor.u32 $0x3800, v42;
	[tilespmem:$0x1FE30] =	vst v32  }
0x24: {  	v61 =	vor.u32 $0x50, v41;
	[tilespmem:$0x1FE40] =	vst v59  }
0x25: {  	v33 =	vor.u32 $0x3A00, v42;
	[tilespmem:$0x1FE50] =	vst v61  }
0x26: {  	v45 =	vor.u32 $0x3C00, v42;
	[tilespmem:$0x1FE60] =	vst v33  }
0x27: {  	v37 =	vor.u32 $0x850, v41;
	[tilespmem:$0x1FE70] =	vst v45  }
0x28: {  	v43 =	vor.u32 $0x60, v41;
	[tilespmem:$0x1FE80] =	vst v37  }
0x29: {  	v20 =	vor.u32 $0x840, v41;
	[tilespmem:$0x1FE90] =	vst v43  }
0x2a: {  	v18 =	vor.u32 $0x2A00, v42;
	[tilespmem:$0x1FEA0] =	vst v20  }
0x2b: {  	v17 =	vor.u32 $0x830, v41;
	[tilespmem:$0x1FEB0] =	vst v18  }
0x2c: {  	v34 =	vor.u32 $0x2800, v42;
	[tilespmem:$0x1FEC0] =	vst v17  }
0x2d: {  	v38 =	vor.u32 $0x810, v41;
	[tilespmem:$0x1FED0] =	vst v34  }
0x2e: {  	v54 =	vor.u32 $0x2400, v42;
	[tilespmem:$0x1FEE0] =	vst v38  }
0x2f: {  	s2 =	srdreg.scid;
	v47 =	vor.u32 $0x470, v41;
	[tilespmem:$0x1FEF0] =	vst v54  }
0x30: {  	s3 =	stileid.u32;
	s31 =	simm.s32 $0x200;
	s13 =	simm.s32 $0x1;
	v52 =	vor.u32 $0x2000, v42;
	[tilespmem:$0x1FF00] =	vst v47  }
0x31: {  	s14 =	simm.s32 $0x400;
	s15 =	simm.s32 $0x3;
	s16 =	simm.s32 $0x2;
	v56 =	vor.u32 $0x800, v41;
	[tilespmem:$0x1FF10] =	vst v52  }
0x32: {  	s17 =	simm.s32 $0x4400;
	s18 =	simm.s32 $0x8400;
	s29 =	simm.s32 $0x4;
	v24 =	vor.u32 $0x430, v41;
	[tilespmem:$0x1FF20] =	vst v56  }
0x33: {  	s30 =	simm.s32 $0x6;
	s2 =	sand.u32 $0x1, s2;
	s3 =	sshll.u32 s3, $0x1;
	v11 =	vor.u32 $0x1600, v42;
	[tilespmem:$0x1FF30] =	vst v24  }
0x34: {  	s5 =	sadd.s32 $0x400, s0;
	s9 =	sadd.s32 $0x80, s1;
	s10 =	sadd.s32 $0x100, s1;
	v10 =	vor.u32 $0x1800, v42;
	[tilespmem:$0x1FF40] =	vst v11  }
0x35: {  	s11 =	sadd.s32 $0x180, s1;
	v22 =	vor.u32 $0x440, v41;
	s7 =	ssub.s32 $0x2, s2;
	s2 =	sor.u32 s2, s3;
	[tilespmem:$0x1FF50] =	vst v10  }
0x36: {  	s3 =	simm.s32 $0x0;
	s19 =	sshrl.u32 s7, $0x1;
	s6 =	sshll.u32 s2, $0x9;
	v16 =	vor.u32 $0x1A00, v42;
	[tilespmem:$0x1FF60] =	vst v22  }
0x37: {  	v21 =	vor.u32 $0x450, v41;
	s8 =	sshll.u32 s2, $0x2;
	s2 =	simm.s32 $0xC400;
	s21 =	sadd.s32 s6, s9;
	[tilespmem:$0x1FF70] =	vst v16  }
0x38: {  	v27 =	vor.u32 $0x1C00, v42;
	s0 =	ssub.s32 s7, s19;
	s22 =	sadd.s32 s6, s10;
	[dreg:$0x5] =	wrdreg s21;
	[tilespmem:$0x1FF80] =	vst v21  }
0x39: {  	v26 =	vor.u32 $0x460, v41;
	s20 =	sadd.s32 s1, s6;
	s23 =	sadd.s32 s6, s11;
	[dreg:$0x6] =	wrdreg s22;
	[tilespmem:$0x1FF90] =	vst v27  }
0x3a: {  	v23 =	vor.u32 $0x1E00, v42;
	s19 =	sadd.s32 $0x4000, s12;
	[dreg:$0x7] =	wrdreg s23;
	s24 =	sadd.s32 $0x10, s20;
	[tilespmem:$0x1FFA0] =	vst v26  }
0x3b: {  	v48 =	vor.u32 $0x820, v41;
	s25 =	sadd.s32 $0x90, s20;
	s26 =	sadd.s32 $0x110, s20;
	[dreg:$0x4] =	wrdreg s20;
	[tilespmem:$0x1FFB0] =	vst v23  }
.Ltmp0:
0x3c: {  	v51 =	vor.u32 $0x2200, v42;
	s28 =	sadd.s32 $0x190, s20;
	[tilespmem:$0x1FFC0] =	vst v48;
	[dreg:$0x8] =	wrdreg s24;
	(pc) =	sbr.rel .LBB2_1-.Ltmp0, $4  }
0x3d: {  	v50 =	vor.u32 $0x870, v41;
	s20 =	sadd.s32 $0x8000, s12;
	s21 =	sadd.s32 $0xC000, s12;
	[tilespmem:$0x1FFD0] =	vst v51;
	[dreg:$0x9] =	wrdreg s25  }
0x3e: {  	v40 =	vor.u32 $0x200, v42;
	s22 =	sadd.s32 $0x10000, s12;
	s23 =	sadd.s32 $0x14000, s12;
	[tilespmem:$0x1FFE0] =	vst v50;
	[dreg:$0xa] =	wrdreg s26  }
0x3f: {  	s0 =	smax.u32 s0, $0x1;
	v63 =	vor.u32 $0x3E00, v42;
	[tilespmem:$0x1FFF0] =	vst v40;
	[dreg:$0xb] =	wrdreg s28;
	s24 =	sadd.s32 $0x18000, s12  }
0x40: {  	v39 =	vor.u32 $0x20, v41;
	v35 =	vmov v31;
	v19 =	vmov v53;
	[dreg:$0xc] =	wrdreg s0;
	s26 =	sadd.s32 $0x1C000, s12;
	s12 =	simm.s32 $0x280;
	[tilespmem:$0x1FE00] =	vst v63  }
.LBB2_12:
0x41: {  	s0 =	simm.s32 $0x5  }
0x42: {  	_ =	swait.ge [sflag:s0], $0x4000  }
0x43: {  	[sflag:s0] =	ssyncset.done $0x0  }
0x44: {  	[sflag:s0] =	ssyncadd.s32 $0xFFFFC000  }
0x45: {  	_ =	swait.ge [sflag:s30], $0x4000  }
0x46: {  	s3 =	rddreg [dreg:$0xd]  }
0x47: {  	s28 =	rddreg [dreg:$0xc];
	s3 =	sadd.s32 $0x1, s3  }
0x48: {  	v25 =	vld [tilespmem:$0x1FCF0];
	p0 =	sne.s32 s3, s28  }
.Ltmp1:
0x49: {  	v44 =	vld [tilespmem:$0x1FD20];
	(pc) =	sbr.rel @!p0 .LBB2_13-.Ltmp1, $4  }
0x4a: {  	v62 =	vld [tilespmem:$0x1FD00]  }
0x4b: {  	v26 =	vmov v8;
	v8 =	vld [tilespmem:$0x1FD10]  }
0x4c: {  	[sflag:s30] =	ssyncset.done $0x0;
	v61 =	vld [tilespmem:$0x1FE50]  }
0x4d: {  	v27 =	vmov v9;
	v43 =	vld [tilespmem:$0x1FE90];
	[sflag:s30] =	ssyncadd.s32 $0xFFFFC000  }
.LBB2_1:
0x4e: {  	[dreg:$0xd] =	wrdreg s3  }
0x4f: {  	s0 =	rddreg [dreg:$0x4]  }
0x50: {  	[tilespmem:s4], [sflag:$0x1] =	stream.linear.gather [hbm4b:s0+s4], $0x80, $0x38;
	[tilespmem:$0x10400] =	vst v63  }
0x51: {  	s3 =	rddreg [dreg:$0x5];
	s7 =	simm.s32 $0x80  }
0x52: {  	[tilespmem:s7], [sflag:$0x1] =	stream.linear.gather [hbm4b:s3+s4], $0x80, $0x38;
	[tilespmem:$0x10400] =	vst v63  }
0x53: {  	s25 =	rddreg [dreg:$0x6];
	s28 =	simm.s32 $0x100  }
0x54: {  	[tilespmem:s28], [sflag:$0x1] =	stream.linear.gather [hbm4b:s25+s4], $0x80, $0x38;
	[tilespmem:$0x10400] =	vst v63  }
0x55: {  	s3 =	rddreg [dreg:$0x7];
	s7 =	simm.s32 $0x180  }
0x56: {  	[tilespmem:s7], [sflag:$0x1] =	stream.linear.gather [hbm4b:s3+s4], $0x80, $0x38;
	[tilespmem:$0x10400] =	vst v63  }
0x57: {  	s25 =	rddreg [dreg:$0x8]  }
0x58: {  	[tilespmem:s31], [sflag:$0x2] =	stream.linear.gather [hbm4b:s25+s4], $0x80, $0x38;
	[tilespmem:$0x10400] =	vst v63  }
0x59: {  	s28 =	rddreg [dreg:$0x9]  }
0x5a: {  	[tilespmem:s12], [sflag:$0x2] =	stream.linear.gather [hbm4b:s28+s4], $0x80, $0x38;
	[tilespmem:$0x10400] =	vst v63  }
0x5b: {  	s3 =	rddreg [dreg:$0xa];
	s7 =	simm.s32 $0x300  }
0x5c: {  	[tilespmem:s7], [sflag:$0x2] =	stream.linear.gather [hbm4b:s3+s4], $0x80, $0x38;
	[tilespmem:$0x10400] =	vst v63  }
0x5d: {  	s25 =	rddreg [dreg:$0xb];
	s28 =	simm.s32 $0x380  }
0x5e: {  	[tilespmem:s28], [sflag:$0x2] =	stream.linear.gather [hbm4b:s25+s4], $0x80, $0x38;
	[tilespmem:$0x10400] =	vst v63  }
0x5f: {  	_ =	swait.ge [sflag:s13], $0x200  }
0x60: {  	[sflag:s13] =	ssyncset.done $0x0  }
0x61: {  	s25 =	simm.s32 $0x0;
	[sflag:s13] =	ssyncadd.s32 $0xFFFFFE00  }
0x62: {  	v31 =	vmovc v54;
	v9 =	vmovc v27;
	v57 =	vmov v8;
	v8 =	vmov v26;
	v60 =	vmov v43;
	[tilespmem:s14], [sflag:$0x3] =	stream.indirect.gather [hbm4b:s5+s31], $0x20, s4, s31, $0xb8;
	[tilespmem:$0x10400] =	vst v63  }
.LBB2_2:
0x63: {  	_ =	swait.ge [sflag:s15], $0x4000  }
0x64: {  	[sflag:s15] =	ssyncset.done $0x0  }
0x65: {  	s0 =	simm.s32 $0x0;
	[sflag:s15] =	ssyncadd.s32 $0xFFFFC000  }
0x66: {  	s3 =	simm.s32 $0x1;
	v0 =	vadd.s32 s0, v41;
	_ =	swait.ge [sflag:s16], $0x200  }
0x67: {  	v46 =	vmovc v51;
	v51 =	vmov v10;
	p0 =	seq.s32 s25, $0x0;
	v1 =	vadd.s32 s3, v41;
	v10 =	vand.u32 $0x1F, v0;
	[sflag:s16] =	ssyncset.done $0x0  }
0x68: {  	v63 =	vmovc v22;
	v22 =	vmov v8;
	s0 =	simm.s32 @!p0 $0x5;
	v8 =	vand.u32 $0x1F, v1;
	v2 =	vor.u32 v42, v10;
	[sflag:s16] =	ssyncadd.s32 $0xFFFFFE00  }
0x69: {  	v4 =	vor.u32 v42, v8;
	[tilespmem:s17], [sflag:$0x4] =	stream.indirect.gather [hbm4b:s5+s31], $0x20, s31, s31, $0xb8;
	[tilespmem:$0x10400] =	vst v63  }
0x6a: {  	v3 =	vshll.u32 v0, $0x9;
	v0 =	vshll.u32 v0, $0x7;
	v5 =	vshll.u32 v1, $0x9;
	_ =	swait.ge @!p0 [sflag:s0], $0x4000  }
0x6b: {  	v29 =	vmovc v56;
	v56 =	vmovc v20;
	v1 =	vshll.u32 v1, $0x7;
	v3 =	vand.u32 $0x3000, v3;
	v0 =	vand.u32 $0x380, v0;
	[sflag:s0] =	ssyncset.done @!p0 $0x0  }
0x6c: {  	v20 =	vmovc v52;
	v52 =	vmovc v11;
	v1 =	vand.u32 $0x380, v1;
	v11 =	vor.u32 v0, v3;
	v0 =	vand.u32 $0x3000, v5;
	[sflag:s0] =	ssyncadd.s32 @!p0 $0xFFFFC000  }
0x6d: {  	v3 =	vor.u32 v41, v11;
	v6 =	vor.u32 v1, v0;
	v2 =	vld.idx.msk [tilespmem:v2+s14+$0x0], $0xffff  }
0x6e: {  	v0 =	vor.u32 v40, v10;
	v1 =	vld.idx.msk [tilespmem:v4+s14+$0x0], $0xffff;
	v4 =	vor.u32 v41, v6  }
0x6f: {  	v5 =	vor.u32 v40, v8;
	_ =	sdelay $0x2  }
0x70: {  	[tilespmem:v3+s18+$0x0] =	vst.idx.msk $0xffff, v2  }
0x71: {  	v2 =	vor.u32 v25, v11;
	[tilespmem:v4+s18+$0x0] =	vst.idx.msk $0xffff, v1;
	v0 =	vld.idx.msk [tilespmem:v0+s14+$0x0], $0xffff  }
0x72: {  	v1 =	vor.u32 v35, v10;
	v4 =	vor.u32 v25, v6;
	v3 =	vld.idx.msk [tilespmem:v5+s14+$0x0], $0xffff  }
0x73: {  	v5 =	vor.u32 v35, v8;
	_ =	sdelay $0x2  }
0x74: {  	[tilespmem:v2+s18+$0x0] =	vst.idx.msk $0xffff, v0  }
0x75: {  	v0 =	vor.u32 v39, v11;
	[tilespmem:v4+s18+$0x0] =	vst.idx.msk $0xffff, v3;
	v1 =	vld.idx.msk [tilespmem:v1+s14+$0x0], $0xffff  }
0x76: {  	v3 =	vor.u32 v44, v10;
	v4 =	vor.u32 v39, v6;
	v2 =	vld.idx.msk [tilespmem:v5+s14+$0x0], $0xffff  }
0x77: {  	v5 =	vor.u32 v44, v8;
	_ =	sdelay $0x2  }
0x78: {  	[tilespmem:v0+s18+$0x0] =	vst.idx.msk $0xffff, v1  }
0x79: {  	[tilespmem:v4+s18+$0x0] =	vst.idx.msk $0xffff, v2;
	v1 =	vor.u32 v62, v11;
	v0 =	vld.idx.msk [tilespmem:v3+s14+$0x0], $0xffff  }
0x7a: {  	v4 =	vor.u32 v62, v6;
	v2 =	vld.idx.msk [tilespmem:v5+s14+$0x0], $0xffff;
	v3 =	vor.u32 v49, v10  }
0x7b: {  	v5 =	vor.u32 v49, v8;
	_ =	sdelay $0x2  }
0x7c: {  	[tilespmem:v1+s18+$0x0] =	vst.idx.msk $0xffff, v0  }
0x7d: {  	[tilespmem:v4+s18+$0x0] =	vst.idx.msk $0xffff, v2;
	v0 =	vld.idx.msk [tilespmem:v3+s14+$0x0], $0xffff  }
0x7e: {  	v1 =	vor.u32 v57, v11;
	v2 =	vld.idx.msk [tilespmem:v5+s14+$0x0], $0xffff  }
0x7f: {  	v58 =	vmov v34;
	v4 =	vor.u32 v57, v6;
	v34 =	vld [tilespmem:$0x1FC30];
	_ =	sdelay $0x3  }
0x80: {  	[tilespmem:v1+s18+$0x0] =	vst.idx.msk $0xffff, v0  }
0x81: {  	v3 =	vor.u32 v34, v10;
	[tilespmem:v4+s18+$0x0] =	vst.idx.msk $0xffff, v2  }
0x82: {  	v37 =	vmov v49;
	v5 =	vor.u32 v34, v8;
	v49 =	vld [tilespmem:$0x1FC40];
	_ =	sdelay $0x3  }
0x83: {  	v1 =	vor.u32 v61, v11;
	v0 =	vld.idx.msk [tilespmem:v3+s14+$0x0], $0xffff  }
0x84: {  	v4 =	vor.u32 v61, v6;
	v2 =	vld.idx.msk [tilespmem:v5+s14+$0x0], $0xffff;
	v3 =	vor.u32 v49, v10  }
0x85: {  	v5 =	vor.u32 v49, v8;
	_ =	sdelay $0x2  }
0x86: {  	[tilespmem:v1+s18+$0x0] =	vst.idx.msk $0xffff, v0  }
0x87: {  	[tilespmem:v4+s18+$0x0] =	vst.idx.msk $0xffff, v2;
	v1 =	vor.u32 v60, v11;
	v0 =	vld.idx.msk [tilespmem:v3+s14+$0x0], $0xffff  }
0x88: {  	v4 =	vor.u32 v60, v6;
	v2 =	vld.idx.msk [tilespmem:v5+s14+$0x0], $0xffff;
	v3 =	vor.u32 v19, v10  }
0x89: {  	v5 =	vor.u32 v19, v8;
	_ =	sdelay $0x2  }
0x8a: {  	[tilespmem:v1+s18+$0x0] =	vst.idx.msk $0xffff, v0  }
0x8b: {  	[tilespmem:v4+s18+$0x0] =	vst.idx.msk $0xffff, v2;
	v1 =	vor.u32 v14, v11;
	v0 =	vld.idx.msk [tilespmem:v3+s14+$0x0], $0xffff  }
0x8c: {  	v4 =	vor.u32 v14, v6;
	v2 =	vld.idx.msk [tilespmem:v5+s14+$0x0], $0xffff;
	v3 =	vor.u32 v15, v10  }
0x8d: {  	v5 =	vor.u32 v15, v8;
	_ =	sdelay $0x2  }
0x8e: {  	[tilespmem:v1+s18+$0x0] =	vst.idx.msk $0xffff, v0  }
0x8f: {  	[tilespmem:v4+s18+$0x0] =	vst.idx.msk $0xffff, v2;
	v1 =	vor.u32 v12, v11;
	v0 =	vld.idx.msk [tilespmem:v3+s14+$0x0], $0xffff  }
0x90: {  	v7 =	vor.u32 v12, v6;
	v4 =	vld.idx.msk [tilespmem:v5+s14+$0x0], $0xffff;
	_ =	sdelay $0x3  }
0x91: {  	[tilespmem:v1+s18+$0x0] =	vst.idx.msk $0xffff, v0  }
0x92: {  	[tilespmem:v7+s18+$0x0] =	vst.idx.msk $0xffff, v4  }
0x93: {  	v5 =	vor.u32 v13, v10;
	v26 =	vld [tilespmem:$0x1FCC0]  }
0x94: {  	v30 =	vmov v9;
	v9 =	vor.u32 v13, v8;
	_ =	sdelay $0x3  }
0x95: {  	v5 =	vld.idx.msk [tilespmem:v5+s14+$0x0], $0xffff;
	v7 =	vor.u32 v26, v11  }
0x96: {  	v36 =	vmov v16;
	v9 =	vld.idx.msk [tilespmem:v9+s14+$0x0], $0xffff;
	v16 =	vor.u32 v26, v6  }
0x97: {  	s7 =	simm.s32 $0x2;
	v48 =	vld [tilespmem:$0x1FCD0]  }
0x98: {  	v53 =	vmovc v21;
	v54 =	vmovc v12;
	v27 =	vmov v13;
	v21 =	vmov v38;
	s3 =	simm.s32 $0x3;
	v2 =	vadd.s32 s7, v41  }
0x99: {  	v50 =	vmovc v47;
	v47 =	vmovc v14;
	v14 =	vadd.s32 s3, v41;
	v3 =	vand.u32 $0x1F, v2;
	v12 =	vshll.u32 v2, $0x9  }
0x9a: {  	v38 =	vmovc v15;
	v15 =	vshll.u32 v2, $0x7;
	v2 =	vand.u32 $0x1F, v14;
	v13 =	vor.u32 v42, v3;
	[tilespmem:v7+s18+$0x0] =	vst.idx.msk $0xffff, v5  }
0x9b: {  	v4 =	vor.u32 v42, v2;
	[tilespmem:v16+s18+$0x0] =	vst.idx.msk $0xffff, v9  }
0x9c: {  	v12 =	vand.u32 $0x3000, v12;
	v0 =	vand.u32 $0x380, v15;
	v15 =	vor.u32 v48, v10;
	v43 =	vld [tilespmem:$0x1FCE0]  }
0x9d: {  	v28 =	vmovc v31;
	v31 =	vmovc v17;
	v1 =	vshll.u32 v14, $0x9;
	v14 =	vshll.u32 v14, $0x7;
	v17 =	vor.u32 v48, v8  }
0x9e: {  	v0 =	vor.u32 v0, v12;
	v1 =	vand.u32 $0x3000, v1;
	v12 =	vand.u32 $0x380, v14  }
0x9f: {  	v13 =	vld.idx.msk [tilespmem:v13+s14+$0x0], $0xffff;
	v14 =	vor.u32 v41, v0;
	v1 =	vor.u32 v12, v1  }
0xa0: {  	v12 =	vor.u32 v40, v3;
	v4 =	vld.idx.msk [tilespmem:v4+s14+$0x0], $0xffff;
	v5 =	vor.u32 v41, v1  }
0xa1: {  	v9 =	vor.u32 v40, v2;
	v7 =	vld.idx.msk [tilespmem:v15+s14+$0x0], $0xffff;
	v15 =	vor.u32 v43, v11  }
0xa2: {  	v16 =	vld.idx.msk [tilespmem:v17+s14+$0x0], $0xffff;
	v17 =	vor.u32 v52, v10;
	v18 =	vor.u32 v43, v6  }
0xa3: {  	v59 =	vmov v19;
	v19 =	vor.u32 v52, v8  }
0xa4: {  	[tilespmem:v14+s18+$0x0] =	vst.idx.msk $0xffff, v13  }
0xa5: {  	v13 =	vor.u32 v25, v0;
	v12 =	vld.idx.msk [tilespmem:v12+s14+$0x0], $0xffff;
	[tilespmem:v5+s18+$0x0] =	vst.idx.msk $0xffff, v4  }
0xa6: {  	v4 =	vor.u32 v35, v3;
	v5 =	vld.idx.msk [tilespmem:v9+s14+$0x0], $0xffff;
	[tilespmem:v15+s18+$0x0] =	vst.idx.msk $0xffff, v7;
	v7 =	vor.u32 v25, v1  }
0xa7: {  	v14 =	vor.u32 v35, v2;
	[tilespmem:v18+s18+$0x0] =	vst.idx.msk $0xffff, v16;
	v15 =	vor.u32 v24, v11;
	v9 =	vld.idx.msk [tilespmem:v17+s14+$0x0], $0xffff  }
0xa8: {  	v18 =	vor.u32 v24, v6;
	v16 =	vld.idx.msk [tilespmem:v19+s14+$0x0], $0xffff;
	v17 =	vor.u32 v51, v10  }
0xa9: {  	v19 =	vor.u32 v51, v8  }
0xaa: {  	[tilespmem:v13+s18+$0x0] =	vst.idx.msk $0xffff, v12  }
0xab: {  	v12 =	vor.u32 v39, v0;
	v4 =	vld.idx.msk [tilespmem:v4+s14+$0x0], $0xffff;
	[tilespmem:v7+s18+$0x0] =	vst.idx.msk $0xffff, v5  }
0xac: {  	v7 =	vor.u32 v44, v3;
	v5 =	vld.idx.msk [tilespmem:v14+s14+$0x0], $0xffff;
	[tilespmem:v15+s18+$0x0] =	vst.idx.msk $0xffff, v9;
	v9 =	vor.u32 v39, v1  }
0xad: {  	[tilespmem:v18+s18+$0x0] =	vst.idx.msk $0xffff, v16;
	v14 =	vor.u32 v44, v2;
	v15 =	vor.u32 v63, v11;
	v13 =	vld.idx.msk [tilespmem:v17+s14+$0x0], $0xffff  }
0xae: {  	v18 =	vor.u32 v63, v6;
	v16 =	vld.idx.msk [tilespmem:v19+s14+$0x0], $0xffff;
	v17 =	vor.u32 v36, v10  }
0xaf: {  	v19 =	vor.u32 v36, v8  }
0xb0: {  	[tilespmem:v12+s18+$0x0] =	vst.idx.msk $0xffff, v4  }
0xb1: {  	v4 =	vld.idx.msk [tilespmem:v7+s14+$0x0], $0xffff;
	[tilespmem:v9+s18+$0x0] =	vst.idx.msk $0xffff, v5;
	v5 =	vor.u32 v62, v0  }
0xb2: {  	v12 =	vor.u32 v62, v1;
	v9 =	vor.u32 v37, v3;
	v7 =	vld.idx.msk [tilespmem:v14+s14+$0x0], $0xffff;
	[tilespmem:v15+s18+$0x0] =	vst.idx.msk $0xffff, v13  }
0xb3: {  	[tilespmem:v18+s18+$0x0] =	vst.idx.msk $0xffff, v16;
	v14 =	vor.u32 v37, v2;
	v15 =	vor.u32 v53, v11;
	v13 =	vld.idx.msk [tilespmem:v17+s14+$0x0], $0xffff  }
0xb4: {  	v18 =	vor.u32 v53, v6;
	v16 =	vld.idx.msk [tilespmem:v19+s14+$0x0], $0xffff;
	v17 =	vor.u32 v30, v10  }
0xb5: {  	v19 =	vor.u32 v30, v8  }
0xb6: {  	[tilespmem:v5+s18+$0x0] =	vst.idx.msk $0xffff, v4  }
0xb7: {  	v5 =	vor.u32 v57, v0;
	v4 =	vld.idx.msk [tilespmem:v9+s14+$0x0], $0xffff;
	[tilespmem:v12+s18+$0x0] =	vst.idx.msk $0xffff, v7  }
0xb8: {  	v9 =	vor.u32 v34, v3;
	v12 =	vor.u32 v57, v1;
	v7 =	vld.idx.msk [tilespmem:v14+s14+$0x0], $0xffff;
	[tilespmem:v15+s18+$0x0] =	vst.idx.msk $0xffff, v13  }
0xb9: {  	[tilespmem:v18+s18+$0x0] =	vst.idx.msk $0xffff, v16;
	v14 =	vor.u32 v34, v2;
	v15 =	vor.u32 v22, v11;
	v13 =	vld.idx.msk [tilespmem:v17+s14+$0x0], $0xffff  }
0xba: {  	v18 =	vor.u32 v22, v6;
	v16 =	vld.idx.msk [tilespmem:v19+s14+$0x0], $0xffff;
	v17 =	vor.u32 v23, v10  }
0xbb: {  	v19 =	vor.u32 v23, v8  }
0xbc: {  	[tilespmem:v5+s18+$0x0] =	vst.idx.msk $0xffff, v4  }
0xbd: {  	v5 =	vor.u32 v61, v0;
	v4 =	vld.idx.msk [tilespmem:v9+s14+$0x0], $0xffff;
	[tilespmem:v12+s18+$0x0] =	vst.idx.msk $0xffff, v7  }
0xbe: {  	v9 =	vor.u32 v49, v3;
	v12 =	vor.u32 v61, v1;
	v7 =	vld.idx.msk [tilespmem:v14+s14+$0x0], $0xffff;
	[tilespmem:v15+s18+$0x0] =	vst.idx.msk $0xffff, v13  }
0xbf: {  	[tilespmem:v18+s18+$0x0] =	vst.idx.msk $0xffff, v16;
	v14 =	vor.u32 v49, v2;
	v15 =	vor.u32 v50, v11;
	v13 =	vld.idx.msk [tilespmem:v17+s14+$0x0], $0xffff  }
0xc0: {  	v18 =	vor.u32 v50, v6;
	v16 =	vld.idx.msk [tilespmem:v19+s14+$0x0], $0xffff;
	v17 =	vor.u32 v20, v10  }
0xc1: {  	v19 =	vor.u32 v20, v8  }
0xc2: {  	[tilespmem:v5+s18+$0x0] =	vst.idx.msk $0xffff, v4  }
0xc3: {  	v5 =	vor.u32 v60, v0;
	v4 =	vld.idx.msk [tilespmem:v9+s14+$0x0], $0xffff;
	[tilespmem:v12+s18+$0x0] =	vst.idx.msk $0xffff, v7  }
0xc4: {  	v9 =	vor.u32 v59, v3;
	v12 =	vor.u32 v60, v1;
	v7 =	vld.idx.msk [tilespmem:v14+s14+$0x0], $0xffff;
	[tilespmem:v15+s18+$0x0] =	vst.idx.msk $0xffff, v13  }
0xc5: {  	[tilespmem:v18+s18+$0x0] =	vst.idx.msk $0xffff, v16;
	v14 =	vor.u32 v59, v2;
	v15 =	vor.u32 v29, v11;
	v13 =	vld.idx.msk [tilespmem:v17+s14+$0x0], $0xffff  }
0xc6: {  	v16 =	vor.u32 v46, v10;
	v18 =	vor.u32 v29, v6;
	v17 =	vld.idx.msk [tilespmem:v19+s14+$0x0], $0xffff  }
0xc7: {  	v19 =	vor.u32 v46, v8  }
0xc8: {  	[tilespmem:v5+s18+$0x0] =	vst.idx.msk $0xffff, v4  }
0xc9: {  	v5 =	vld.idx.msk [tilespmem:v9+s14+$0x0], $0xffff;
	[tilespmem:v12+s18+$0x0] =	vst.idx.msk $0xffff, v7;
	v7 =	vor.u32 v47, v0  }
0xca: {  	v9 =	vld.idx.msk [tilespmem:v14+s14+$0x0], $0xffff;
	[tilespmem:v15+s18+$0x0] =	vst.idx.msk $0xffff, v13;
	v13 =	vor.u32 v47, v1  }
0xcb: {  	[tilespmem:v18+s18+$0x0] =	vst.idx.msk $0xffff, v17;
	v14 =	vld.idx.msk [tilespmem:v16+s14+$0x0], $0xffff;
	v16 =	vor.u32 v21, v11  }
0xcc: {  	v20 =	vor.u32 v21, v6;
	v18 =	vld.idx.msk [tilespmem:v19+s14+$0x0], $0xffff;
	_ =	sdelay $0x1  }
0xcd: {  	v46 =	vld [tilespmem:$0x1FC50];
	[tilespmem:v7+s18+$0x0] =	vst.idx.msk $0xffff, v5  }
0xce: {  	[tilespmem:v13+s18+$0x0] =	vst.idx.msk $0xffff, v9  }
0xcf: {  	v12 =	vor.u32 v38, v3;
	[tilespmem:v16+s18+$0x0] =	vst.idx.msk $0xffff, v14  }
0xd0: {  	v15 =	vor.u32 v38, v2;
	[tilespmem:v20+s18+$0x0] =	vst.idx.msk $0xffff, v18  }
0xd1: {  	v19 =	vor.u32 v28, v10;
	v14 =	vor.u32 v27, v3;
	v18 =	vor.u32 v27, v2;
	v27 =	vld [tilespmem:$0x1FFC0]  }
0xd2: {  	v22 =	vor.u32 v28, v8  }
0xd3: {  	s3 =	simm.s32 $0x5;
	s7 =	simm.s32 $0x4  }
0xd4: {  	v45 =	vmovc v25;
	v25 =	vadd.s32 s3, v41;
	v17 =	vadd.s32 s7, v41;
	v12 =	vld.idx.msk [tilespmem:v12+s14+$0x0], $0xffff;
	v9 =	vor.u32 v54, v0  }
0xd5: {  	v32 =	vmovc v23;
	v23 =	vor.u32 v58, v10;
	v21 =	vshll.u32 v17, $0x9;
	v13 =	vld.idx.msk [tilespmem:v15+s14+$0x0], $0xffff;
	v15 =	vor.u32 v54, v1  }
0xd6: {  	v4 =	vand.u32 $0x1F, v17;
	v17 =	vshll.u32 v17, $0x7;
	v16 =	vld.idx.msk [tilespmem:v19+s14+$0x0], $0xffff;
	v19 =	vor.u32 v27, v11  }
0xd7: {  	v55 =	vmovc v24;
	v5 =	vand.u32 $0x3000, v21;
	v24 =	vor.u32 v46, v10;
	v20 =	vld.idx.msk [tilespmem:v22+s14+$0x0], $0xffff;
	v21 =	vor.u32 v27, v6  }
0xd8: {  	v29 =	vmovc v53;
	v53 =	vmovc v33;
	v17 =	vand.u32 $0x380, v17;
	v7 =	vor.u32 v42, v4;
	v22 =	vor.u32 v46, v8  }
0xd9: {  	v5 =	vor.u32 v17, v5;
	v17 =	vor.u32 v48, v3;
	v33 =	vld [tilespmem:$0x1FFE0];
	[tilespmem:v9+s18+$0x0] =	vst.idx.msk $0xffff, v12;
	v9 =	vand.u32 $0x1F, v25  }
0xda: {  	v12 =	vld.idx.msk [tilespmem:v14+s14+$0x0], $0xffff;
	[tilespmem:v15+s18+$0x0] =	vst.idx.msk $0xffff, v13;
	v13 =	vor.u32 v42, v9;
	v14 =	vor.u32 v26, v0  }
0xdb: {  	v15 =	vld.idx.msk [tilespmem:v18+s14+$0x0], $0xffff;
	v18 =	vor.u32 v48, v2;
	[tilespmem:v19+s18+$0x0] =	vst.idx.msk $0xffff, v16;
	v16 =	vor.u32 v26, v1  }
0xdc: {  	[tilespmem:v21+s18+$0x0] =	vst.idx.msk $0xffff, v20;
	v20 =	vor.u32 v31, v11;
	v21 =	vshll.u32 v25, $0x9;
	v19 =	vld.idx.msk [tilespmem:v24+s14+$0x0], $0xffff;
	v24 =	vshll.u32 v25, $0x7  }
0xdd: {  	v22 =	vld.idx.msk [tilespmem:v22+s14+$0x0], $0xffff;
	v25 =	vor.u32 v31, v6;
	v21 =	vand.u32 $0x3000, v21;
	v24 =	vand.u32 $0x380, v24  }
0xde: {  	v28 =	vor.u32 v58, v8;
	v27 =	vor.u32 v41, v5;
	v26 =	vld.idx.msk [tilespmem:v7+s14+$0x0], $0xffff;
	v7 =	vor.u32 v24, v21  }
0xdf: {  	v13 =	vld.idx.msk [tilespmem:v13+s14+$0x0], $0xffff;
	[tilespmem:v14+s18+$0x0] =	vst.idx.msk $0xffff, v12;
	v12 =	vor.u32 v41, v7  }
0xe0: {  	v14 =	vld.idx.msk [tilespmem:v17+s14+$0x0], $0xffff;
	[tilespmem:v16+s18+$0x0] =	vst.idx.msk $0xffff, v15;
	v16 =	vor.u32 v43, v0  }
0xe1: {  	v17 =	vld.idx.msk [tilespmem:v18+s14+$0x0], $0xffff;
	[tilespmem:v20+s18+$0x0] =	vst.idx.msk $0xffff, v19;
	v19 =	vor.u32 v43, v1  }
0xe2: {  	v21 =	vor.u32 v40, v4;
	[tilespmem:v25+s18+$0x0] =	vst.idx.msk $0xffff, v22;
	v20 =	vld.idx.msk [tilespmem:v23+s14+$0x0], $0xffff;
	v23 =	vor.u32 v56, v11  }
0xe3: {  	[tilespmem:v27+s18+$0x0] =	vst.idx.msk $0xffff, v26;
	v26 =	vor.u32 v56, v6;
	v24 =	vld.idx.msk [tilespmem:v28+s14+$0x0], $0xffff  }
0xe4: {  	v28 =	vld [tilespmem:$0x1FEB0];
	[tilespmem:v12+s18+$0x0] =	vst.idx.msk $0xffff, v13  }
0xe5: {  	v15 =	vor.u32 v40, v9;
	[tilespmem:v16+s18+$0x0] =	vst.idx.msk $0xffff, v14  }
0xe6: {  	v18 =	vor.u32 v52, v3;
	[tilespmem:v19+s18+$0x0] =	vst.idx.msk $0xffff, v17  }
0xe7: {  	v27 =	vor.u32 v45, v5;
	v22 =	vor.u32 v52, v2;
	v21 =	vld.idx.msk [tilespmem:v21+s14+$0x0], $0xffff;
	[tilespmem:v23+s18+$0x0] =	vst.idx.msk $0xffff, v20  }
0xe8: {  	[tilespmem:v26+s18+$0x0] =	vst.idx.msk $0xffff, v24  }
0xe9: {  	v25 =	vor.u32 v28, v10;
	v26 =	vld [tilespmem:$0x1FE80]  }
0xea: {  	v15 =	vld.idx.msk [tilespmem:v15+s14+$0x0], $0xffff;
	v12 =	vor.u32 v28, v8  }
0xeb: {  	v13 =	vor.u32 v35, v4;
	v14 =	vor.u32 v45, v7;
	v16 =	vld.idx.msk [tilespmem:v18+s14+$0x0], $0xffff  }
0xec: {  	v18 =	vor.u32 v55, v0;
	v19 =	vld.idx.msk [tilespmem:v22+s14+$0x0], $0xffff;
	[tilespmem:v27+s18+$0x0] =	vst.idx.msk $0xffff, v21  }
0xed: {  	v22 =	vor.u32 v55, v1;
	v56 =	vld [tilespmem:$0x1FDC0]  }
0xee: {  	v23 =	vld.idx.msk [tilespmem:v25+s14+$0x0], $0xffff;
	v25 =	vor.u32 v26, v11  }
0xef: {  	v20 =	vor.u32 v51, v3;
	v12 =	vld.idx.msk [tilespmem:v12+s14+$0x0], $0xffff;
	v26 =	vor.u32 v26, v6  }
0xf0: {  	v27 =	vor.u32 v39, v5;
	v13 =	vld.idx.msk [tilespmem:v13+s14+$0x0], $0xffff;
	[tilespmem:v14+s18+$0x0] =	vst.idx.msk $0xffff, v15  }
0xf1: {  	[tilespmem:v18+s18+$0x0] =	vst.idx.msk $0xffff, v16  }
0xf2: {  	v17 =	vor.u32 v35, v9;
	[tilespmem:v22+s18+$0x0] =	vst.idx.msk $0xffff, v19  }
0xf3: {  	[tilespmem:v25+s18+$0x0] =	vst.idx.msk $0xffff, v23  }
0xf4: {  	v24 =	vor.u32 v51, v2;
	v18 =	vld.idx.msk [tilespmem:v20+s14+$0x0], $0xffff;
	v20 =	vor.u32 v63, v0;
	[tilespmem:v26+s18+$0x0] =	vst.idx.msk $0xffff, v12  }
0xf5: {  	v21 =	vor.u32 v56, v10;
	v23 =	vor.u32 v63, v1;
	v63 =	vld [tilespmem:$0x1FDF0];
	[tilespmem:v27+s18+$0x0] =	vst.idx.msk $0xffff, v13  }
0xf6: {  	v14 =	vor.u32 v56, v8;
	v51 =	vld [tilespmem:$0x1FD90]  }
0xf7: {  	v15 =	vld.idx.msk [tilespmem:v17+s14+$0x0], $0xffff;
	v16 =	vor.u32 v44, v4;
	v17 =	vor.u32 v39, v7  }
0xf8: {  	v19 =	vor.u32 v44, v9  }
0xf9: {  	v22 =	vld.idx.msk [tilespmem:v24+s14+$0x0], $0xffff;
	v24 =	vor.u32 v36, v3  }
0xfa: {  	v21 =	vld.idx.msk [tilespmem:v21+s14+$0x0], $0xffff;
	v13 =	vor.u32 v36, v2;
	v12 =	vor.u32 v63, v11  }
0xfb: {  	v14 =	vld.idx.msk [tilespmem:v14+s14+$0x0], $0xffff;
	v25 =	vor.u32 v63, v6;
	v26 =	vor.u32 v51, v10  }
0xfc: {  	v16 =	vld.idx.msk [tilespmem:v16+s14+$0x0], $0xffff;
	[tilespmem:v17+s18+$0x0] =	vst.idx.msk $0xffff, v15;
	v15 =	vor.u32 v62, v5;
	v17 =	vor.u32 v51, v8  }
0xfd: {  	[tilespmem:v20+s18+$0x0] =	vst.idx.msk $0xffff, v18;
	v18 =	vor.u32 v62, v7;
	v19 =	vld.idx.msk [tilespmem:v19+s14+$0x0], $0xffff  }
0xfe: {  	[tilespmem:v23+s18+$0x0] =	vst.idx.msk $0xffff, v22;
	v22 =	vld.idx.msk [tilespmem:v24+s14+$0x0], $0xffff;
	v24 =	vor.u32 v29, v0  }
0xff: {  	[tilespmem:v12+s18+$0x0] =	vst.idx.msk $0xffff, v21;
	v12 =	vld.idx.msk [tilespmem:v13+s14+$0x0], $0xffff;
	v21 =	vor.u32 v29, v1  }
0x100: {  	v27 =	vor.u32 v33, v11;
	[tilespmem:v25+s18+$0x0] =	vst.idx.msk $0xffff, v14;
	v25 =	vld.idx.msk [tilespmem:v26+s14+$0x0], $0xffff  }
0x101: {  	v28 =	vor.u32 v33, v6;
	[tilespmem:v15+s18+$0x0] =	vst.idx.msk $0xffff, v16;
	v16 =	vld.idx.msk [tilespmem:v17+s14+$0x0], $0xffff  }
0x102: {  	v15 =	vld [tilespmem:$0x1FD30];
	[tilespmem:v18+s18+$0x0] =	vst.idx.msk $0xffff, v19  }
0x103: {  	v14 =	vld [tilespmem:$0x1FE70];
	[tilespmem:v24+s18+$0x0] =	vst.idx.msk $0xffff, v22  }
0x104: {  	v20 =	vor.u32 v37, v4;
	[tilespmem:v21+s18+$0x0] =	vst.idx.msk $0xffff, v12  }
0x105: {  	v23 =	vor.u32 v37, v9;
	v29 =	vld [tilespmem:$0x1FFA0];
	[tilespmem:v27+s18+$0x0] =	vst.idx.msk $0xffff, v25  }
0x106: {  	v13 =	vor.u32 v30, v3;
	v26 =	vor.u32 v30, v2;
	[tilespmem:v28+s18+$0x0] =	vst.idx.msk $0xffff, v16  }
0x107: {  	v17 =	vor.u32 v15, v10;
	v19 =	vor.u32 v15, v8;
	v15 =	vor.u32 v53, v10;
	v53 =	vld [tilespmem:$0x1FE40];
	_ =	sdelay $0x1  }
0x108: {  	v18 =	vld.idx.msk [tilespmem:v20+s14+$0x0], $0xffff;
	v20 =	vor.u32 v57, v5  }
0x109: {  	v23 =	vld.idx.msk [tilespmem:v23+s14+$0x0], $0xffff;
	v22 =	vor.u32 v57, v7  }
0x10a: {  	v13 =	vld.idx.msk [tilespmem:v13+s14+$0x0], $0xffff  }
0x10b: {  	v26 =	vld.idx.msk [tilespmem:v26+s14+$0x0], $0xffff;
	v21 =	vor.u32 v29, v0;
	v27 =	vor.u32 v29, v1;
	v29 =	vor.u32 v53, v10  }
0x10c: {  	v17 =	vld.idx.msk [tilespmem:v17+s14+$0x0], $0xffff;
	[tilespmem:$0x1FC20] =	vst v29  }
0x10d: {  	v30 =	vld [tilespmem:$0x1FD40];
	[tilespmem:v20+s18+$0x0] =	vst.idx.msk $0xffff, v18  }
0x10e: {  	v31 =	vld [tilespmem:$0x1FD50];
	[tilespmem:v22+s18+$0x0] =	vst.idx.msk $0xffff, v23  }
0x10f: {  	v36 =	vld [tilespmem:$0x1FE30]  }
0x110: {  	v24 =	vor.u32 v34, v4;
	_ =	sdelay $0x2  }
0x111: {  	v12 =	vor.u32 v34, v9;
	v28 =	vor.u32 v30, v11  }
0x112: {  	v18 =	vld.idx.msk [tilespmem:v19+s14+$0x0], $0xffff;
	v20 =	vor.u32 v30, v6;
	v23 =	vor.u32 v36, v10  }
0x113: {  	v22 =	vld.idx.msk [tilespmem:v24+s14+$0x0], $0xffff;
	[tilespmem:$0x1FC10] =	vst v23  }
0x114: {  	[tilespmem:v21+s18+$0x0] =	vst.idx.msk $0xffff, v13  }
0x115: {  	v23 =	vld [tilespmem:$0x1FD70];
	[tilespmem:v27+s18+$0x0] =	vst.idx.msk $0xffff, v26  }
0x116: {  	v25 =	vor.u32 v32, v3;
	v30 =	vld.idx.msk [tilespmem:v12+s14+$0x0], $0xffff;
	[tilespmem:v28+s18+$0x0] =	vst.idx.msk $0xffff, v17  }
0x117: {  	v16 =	vor.u32 v32, v2;
	v12 =	vld [tilespmem:$0x1FF10];
	[tilespmem:v20+s18+$0x0] =	vst.idx.msk $0xffff, v18  }
0x118: {  	v19 =	vor.u32 v31, v10;
	v18 =	vld [tilespmem:$0x1FD60]  }
0x119: {  	v29 =	vor.u32 v61, v5;
	v24 =	vor.u32 v31, v8  }
0x11a: {  	v31 =	vor.u32 v49, v4;
	v21 =	vor.u32 v61, v7  }
0x11b: {  	v25 =	vld.idx.msk [tilespmem:v25+s14+$0x0], $0xffff;
	v26 =	vor.u32 v50, v0  }
0x11c: {  	v17 =	vor.u32 v50, v1;
	v32 =	vld.idx.msk [tilespmem:v16+s14+$0x0], $0xffff  }
0x11d: {  	v19 =	vld.idx.msk [tilespmem:v19+s14+$0x0], $0xffff;
	v13 =	vor.u32 v18, v11  }
0x11e: {  	v16 =	vor.u32 v58, v3;
	[tilespmem:v29+s18+$0x0] =	vst.idx.msk $0xffff, v22;
	v24 =	vld.idx.msk [tilespmem:v24+s14+$0x0], $0xffff;
	v29 =	vor.u32 v18, v6  }
0x11f: {  	[tilespmem:v21+s18+$0x0] =	vst.idx.msk $0xffff, v30;
	v21 =	vld.idx.msk [tilespmem:v31+s14+$0x0], $0xffff;
	v31 =	vor.u32 v60, v5;
	v58 =	vor.u32 v12, v2  }
0x120: {  	[tilespmem:v26+s18+$0x0] =	vst.idx.msk $0xffff, v25  }
0x121: {  	v52 =	vmov v61;
	v61 =	vld [tilespmem:$0x1FFD0];
	[tilespmem:v17+s18+$0x0] =	vst.idx.msk $0xffff, v32  }
0x122: {  	v27 =	vor.u32 v49, v9;
	[tilespmem:v13+s18+$0x0] =	vst.idx.msk $0xffff, v19  }
0x123: {  	v28 =	vor.u32 v12, v3;
	v17 =	vld [tilespmem:$0x1FF20];
	[tilespmem:v29+s18+$0x0] =	vst.idx.msk $0xffff, v24  }
0x124: {  	v43 =	vmov v34;
	v34 =	vld.idx.msk [tilespmem:v58+s14+$0x0], $0xffff;
	[tilespmem:v31+s18+$0x0] =	vst.idx.msk $0xffff, v21  }
0x125: {  	s7 =	simm.s32 $0x6;
	v33 =	vor.u32 v23, v10;
	v58 =	vld [tilespmem:$0x1FD80]  }
0x126: {  	v20 =	vadd.s32 s7, v41  }
0x127: {  	v22 =	vshll.u32 v20, $0x9;
	v27 =	vld.idx.msk [tilespmem:v27+s14+$0x0], $0xffff;
	v18 =	vor.u32 v60, v7  }
0x128: {  	v30 =	vor.u32 v23, v8;
	v12 =	vand.u32 $0x1F, v20;
	v28 =	vld.idx.msk [tilespmem:v28+s14+$0x0], $0xffff;
	v19 =	vor.u32 v17, v0  }
0x129: {  	v13 =	vshll.u32 v20, $0x7;
	v20 =	vand.u32 $0x3000, v22;
	v22 =	vor.u32 v17, v1  }
0x12a: {  	v26 =	vor.u32 v42, v12;
	v24 =	vld.idx.msk [tilespmem:v33+s14+$0x0], $0xffff;
	v21 =	vor.u32 v58, v11;
	_ =	sdelay $0x1  }
0x12b: {  	[tilespmem:v18+s18+$0x0] =	vst.idx.msk $0xffff, v27  }
0x12c: {  	[tilespmem:v19+s18+$0x0] =	vst.idx.msk $0xffff, v28  }
0x12d: {  	v13 =	vand.u32 $0x380, v13;
	v30 =	vld.idx.msk [tilespmem:v30+s14+$0x0], $0xffff;
	[tilespmem:v22+s18+$0x0] =	vst.idx.msk $0xffff, v34  }
0x12e: {  	v13 =	vor.u32 v13, v20;
	v20 =	vld.idx.msk [tilespmem:v26+s14+$0x0], $0xffff;
	v26 =	vor.u32 v58, v6;
	[tilespmem:v21+s18+$0x0] =	vst.idx.msk $0xffff, v24  }
0x12f: {  	v22 =	vld [tilespmem:$0x1FEE0]  }
0x130: {  	v50 =	vor.u32 v59, v4  }
0x131: {  	v18 =	vor.u32 v41, v13;
	_ =	sdelay $0x1  }
0x132: {  	v23 =	vor.u32 v59, v9;
	[tilespmem:v26+s18+$0x0] =	vst.idx.msk $0xffff, v30  }
0x133: {  	v25 =	vor.u32 v61, v3;
	v24 =	vor.u32 v22, v0;
	v30 =	vor.u32 v22, v1;
	v22 =	vld [tilespmem:$0x1FC10]  }
0x134: {  	v29 =	vor.u32 v61, v2;
	v27 =	vld.idx.msk [tilespmem:v50+s14+$0x0], $0xffff  }
0x135: {  	v31 =	vor.u32 v36, v8;
	v21 =	vld [tilespmem:$0x1FEF0];
	[tilespmem:v18+s18+$0x0] =	vst.idx.msk $0xffff, v20  }
0x136: {  	v18 =	vld [tilespmem:$0x1FDA0]  }
0x137: {  	v23 =	vld.idx.msk [tilespmem:v23+s14+$0x0], $0xffff;
	v19 =	vor.u32 v40, v12;
	v28 =	vor.u32 v47, v5  }
0x138: {  	v61 =	vor.u32 v47, v7;
	v25 =	vld.idx.msk [tilespmem:v25+s14+$0x0], $0xffff  }
0x139: {  	v29 =	vld.idx.msk [tilespmem:v29+s14+$0x0], $0xffff  }
0x13a: {  	v20 =	vld.idx.msk [tilespmem:v31+s14+$0x0], $0xffff  }
0x13b: {  	v33 =	vld.idx.msk [tilespmem:v22+s14+$0x0], $0xffff;
	v22 =	vor.u32 v18, v11  }
0x13c: {  	v58 =	vld.idx.msk [tilespmem:v19+s14+$0x0], $0xffff;
	[tilespmem:v28+s18+$0x0] =	vst.idx.msk $0xffff, v27;
	v19 =	vor.u32 v18, v6  }
0x13d: {  	[tilespmem:v61+s18+$0x0] =	vst.idx.msk $0xffff, v23  }
0x13e: {  	[tilespmem:v24+s18+$0x0] =	vst.idx.msk $0xffff, v25  }
0x13f: {  	v34 =	vor.u32 v38, v4;
	v38 =	vor.u32 v38, v9;
	[tilespmem:v30+s18+$0x0] =	vst.idx.msk $0xffff, v29  }
0x140: {  	v24 =	vld [tilespmem:$0x1FCB0];
	[tilespmem:v22+s18+$0x0] =	vst.idx.msk $0xffff, v33  }
0x141: {  	v26 =	vor.u32 v21, v3;
	v22 =	vld [tilespmem:$0x1FFC0];
	[tilespmem:v19+s18+$0x0] =	vst.idx.msk $0xffff, v20  }
0x142: {  	v19 =	vld [tilespmem:$0x1FC20]  }
0x143: {  	v50 =	vor.u32 v21, v2  }
0x144: {  	v21 =	vor.u32 v45, v13;
	v61 =	vor.u32 v53, v8;
	v28 =	vld.idx.msk [tilespmem:v38+s14+$0x0], $0xffff  }
0x145: {  	v14 =	vor.u32 v14, v10;
	v20 =	vld [tilespmem:$0x1FDB0]  }
0x146: {  	v55 =	vmovc v49;
	v49 =	vmov v37;
	v32 =	vor.u32 v54, v5;
	v17 =	vor.u32 v46, v3;
	v23 =	vld.idx.msk [tilespmem:v26+s14+$0x0], $0xffff  }
0x147: {  	v27 =	vor.u32 v48, v4;
	v30 =	vor.u32 v54, v7;
	v18 =	vld.idx.msk [tilespmem:v34+s14+$0x0], $0xffff;
	v34 =	vor.u32 v35, v12  }
0x148: {  	v29 =	vor.u32 v24, v4;
	v31 =	vor.u32 v24, v9;
	v24 =	vld.idx.msk [tilespmem:v50+s14+$0x0], $0xffff;
	v33 =	vor.u32 v39, v13  }
0x149: {  	[tilespmem:v21+s18+$0x0] =	vst.idx.msk $0xffff, v58;
	v21 =	vld.idx.msk [tilespmem:v61+s14+$0x0], $0xffff;
	v26 =	vor.u32 v22, v0;
	v25 =	vor.u32 v22, v1  }
0x14a: {  	s28 =	simm.s32 $0x8;
	s0 =	simm.s32 $0x7;
	s7 =	sshll.u32 s25, $0x5;
	v48 =	vmovc v63;
	v22 =	vor.u32 v46, v2;
	v46 =	vmov v35;
	v20 =	vor.u32 v20, v11;
	v19 =	vld.idx.msk [tilespmem:v19+s14+$0x0], $0xffff  }
.LBB2_3:
0x14b: {  	_ =	sdelay $0x2  }
0x14c: {  	v34 =	vld.idx.msk [tilespmem:v34+s14+$0x0], $0xffff  }
0x14d: {  	v47 =	vld [tilespmem:$0x1FDB0]  }
0x14e: {  	v38 =	vld [tilespmem:$0x1FE60]  }
0x14f: {  	v37 =	vld [tilespmem:$0x1FCC0]  }
0x150: {  	v50 =	vld [tilespmem:$0x1FDD0]  }
0x151: {  	v61 =	vld [tilespmem:$0x1FCD0]  }
0x152: {  	v63 =	vld [tilespmem:$0x1FEC0]  }
0x153: {  	[tilespmem:v32+s18+$0x0] =	vst.idx.msk $0xffff, v18;
	v54 =	vld [tilespmem:$0x1FCE0]  }
0x154: {  	v29 =	vld.idx.msk [tilespmem:v29+s14+$0x0], $0xffff;
	[tilespmem:v30+s18+$0x0] =	vst.idx.msk $0xffff, v28  }
0x155: {  	v18 =	vmov v0;
	v0 =	vmov v5;
	v31 =	vld.idx.msk [tilespmem:v31+s14+$0x0], $0xffff;
	[tilespmem:v26+s18+$0x0] =	vst.idx.msk $0xffff, v23  }
0x156: {  	[tilespmem:v25+s18+$0x0] =	vst.idx.msk $0xffff, v24;
	v17 =	vld.idx.msk [tilespmem:v17+s14+$0x0], $0xffff;
	v36 =	vor.u32 v37, v0  }
0x157: {  	v35 =	vadd.s32 s0, v41;
	v22 =	vld.idx.msk [tilespmem:v22+s14+$0x0], $0xffff;
	[tilespmem:v20+s18+$0x0] =	vst.idx.msk $0xffff, v19;
	v58 =	vor.u32 v47, v6  }
0x158: {  	v5 =	vmov v13;
	v13 =	vand.u32 $0x1F, v35;
	v28 =	vor.u32 v38, v8;
	v15 =	vld.idx.msk [tilespmem:v15+s14+$0x0], $0xffff  }
0x159: {  	v30 =	vor.u32 v42, v13;
	v23 =	vor.u32 v37, v7;
	v37 =	vld [tilespmem:$0x1FED0]  }
0x15a: {  	v26 =	vor.u32 v63, v18;
	v53 =	vor.u32 v63, v1;
	[tilespmem:v33+s18+$0x0] =	vst.idx.msk $0xffff, v34;
	v63 =	vld [tilespmem:$0x1FF40]  }
0x15b: {  	v19 =	vshll.u32 v35, $0x9;
	v24 =	vor.u32 v50, v11;
	[tilespmem:v36+s18+$0x0] =	vst.idx.msk $0xffff, v29;
	v36 =	vld [tilespmem:$0x1FE70]  }
0x15c: {  	v20 =	vshll.u32 v35, $0x7;
	v25 =	vor.u32 v61, v9;
	[tilespmem:v58+s18+$0x0] =	vst.idx.msk $0xffff, v21;
	v29 =	vor.u32 v50, v6;
	v50 =	vld [tilespmem:$0x1FEA0]  }
0x15d: {  	v19 =	vand.u32 $0x3000, v19;
	v20 =	vand.u32 $0x380, v20;
	v28 =	vld.idx.msk [tilespmem:v28+s14+$0x0], $0xffff  }
0x15e: {  	v19 =	vor.u32 v20, v19;
	v20 =	vld.idx.msk [tilespmem:v30+s14+$0x0], $0xffff  }
0x15f: {  	v21 =	vor.u32 v37, v2;
	v27 =	vld.idx.msk [tilespmem:v27+s14+$0x0], $0xffff;
	[tilespmem:v23+s18+$0x0] =	vst.idx.msk $0xffff, v31  }
0x160: {  	v58 =	vor.u32 v54, v0;
	[tilespmem:v26+s18+$0x0] =	vst.idx.msk $0xffff, v17;
	v26 =	vor.u32 v54, v7;
	v54 =	vld [tilespmem:$0x1FEB0]  }
0x161: {  	v25 =	vld.idx.msk [tilespmem:v25+s14+$0x0], $0xffff  }
0x162: {  	v30 =	vor.u32 v41, v19;
	v31 =	vor.u32 v40, v13;
	v16 =	vld.idx.msk [tilespmem:v16+s14+$0x0], $0xffff;
	[tilespmem:v53+s18+$0x0] =	vst.idx.msk $0xffff, v22  }
0x163: {  	v17 =	vor.u32 v63, v4;
	v22 =	vor.u32 v63, v9;
	[tilespmem:v24+s18+$0x0] =	vst.idx.msk $0xffff, v15;
	v63 =	vld [tilespmem:$0x1FE80]  }
0x164: {  	v14 =	vld.idx.msk [tilespmem:v14+s14+$0x0], $0xffff  }
0x165: {  	v21 =	vld.idx.msk [tilespmem:v21+s14+$0x0], $0xffff  }
0x166: {  	v53 =	vor.u32 v50, v18;
	v24 =	vor.u32 v50, v1;
	v50 =	vld [tilespmem:$0x1FD40];
	[tilespmem:v29+s18+$0x0] =	vst.idx.msk $0xffff, v28  }
0x167: {  	v23 =	vor.u32 v36, v8;
	[tilespmem:v30+s18+$0x0] =	vst.idx.msk $0xffff, v20;
	v30 =	vld [tilespmem:$0x1FDE0]  }
0x168: {  	v29 =	vld.idx.msk [tilespmem:v31+s14+$0x0], $0xffff  }
0x169: {  	v31 =	vld [tilespmem:$0x1FE00]  }
0x16a: {  	[tilespmem:v58+s18+$0x0] =	vst.idx.msk $0xffff, v27;
	v58 =	vld [tilespmem:$0x1FF50]  }
0x16b: {  	v15 =	vor.u32 v54, v3;
	v17 =	vld.idx.msk [tilespmem:v17+s14+$0x0], $0xffff  }
0x16c: {  	v20 =	vor.u32 v54, v2;
	v23 =	vld.idx.msk [tilespmem:v23+s14+$0x0], $0xffff;
	v27 =	vor.u32 v30, v6  }
0x16d: {  	[tilespmem:v53+s18+$0x0] =	vst.idx.msk $0xffff, v16;
	v53 =	vld [tilespmem:$0x1FD50];
	v28 =	vor.u32 v30, v11;
	v30 =	vor.u32 v45, v19  }
0x16e: {  	[tilespmem:v26+s18+$0x0] =	vst.idx.msk $0xffff, v25;
	v10 =	vor.u32 v31, v10;
	v8 =	vor.u32 v31, v8;
	v31 =	vld [tilespmem:$0x1FF30]  }
0x16f: {  	v22 =	vld.idx.msk [tilespmem:v22+s14+$0x0], $0xffff  }
0x170: {  	v15 =	vld.idx.msk [tilespmem:v15+s14+$0x0], $0xffff;
	[tilespmem:v24+s18+$0x0] =	vst.idx.msk $0xffff, v21  }
0x171: {  	v20 =	vld.idx.msk [tilespmem:v20+s14+$0x0], $0xffff;
	[tilespmem:v27+s18+$0x0] =	vst.idx.msk $0xffff, v23  }
0x172: {  	v25 =	vor.u32 v46, v13;
	[tilespmem:v30+s18+$0x0] =	vst.idx.msk $0xffff, v29;
	v29 =	vld [tilespmem:$0x1FE10]  }
0x173: {  	v16 =	vor.u32 v58, v4;
	v21 =	vor.u32 v58, v9;
	v26 =	vor.u32 v31, v0;
	v27 =	vld.idx.msk [tilespmem:v8+s14+$0x0], $0xffff  }
0x174: {  	v23 =	vor.u32 v56, v2;
	v31 =	vor.u32 v31, v7;
	v8 =	vmovc v2;
	v2 =	vmov v9;
	v9 =	vld [tilespmem:$0x1FF60]  }
0x175: {  	v24 =	vor.u32 v63, v18;
	v30 =	vld [tilespmem:$0x1FF70]  }
0x176: {  	v58 =	vld [tilespmem:$0x1FE30];
	[tilespmem:v28+s18+$0x0] =	vst.idx.msk $0xffff, v14;
	v14 =	vor.u32 v56, v3;
	v28 =	vor.u32 v63, v1  }
0x177: {  	v10 =	vld.idx.msk [tilespmem:v10+s14+$0x0], $0xffff  }
0x178: {  	v25 =	vld.idx.msk [tilespmem:v25+s14+$0x0], $0xffff;
	v11 =	vor.u32 v29, v11;
	[tilespmem:v26+s18+$0x0] =	vst.idx.msk $0xffff, v17;
	v6 =	vor.u32 v29, v6  }
0x179: {  	v17 =	vor.u32 v44, v12;
	[tilespmem:v31+s18+$0x0] =	vst.idx.msk $0xffff, v22;
	v16 =	vld.idx.msk [tilespmem:v16+s14+$0x0], $0xffff;
	v29 =	vor.u32 v9, v0  }
0x17a: {  	v21 =	vld.idx.msk [tilespmem:v21+s14+$0x0], $0xffff;
	[tilespmem:v24+s18+$0x0] =	vst.idx.msk $0xffff, v15;
	v15 =	vor.u32 v30, v4  }
0x17b: {  	[tilespmem:v28+s18+$0x0] =	vst.idx.msk $0xffff, v20;
	v28 =	vor.u32 v48, v18;
	v14 =	vld.idx.msk [tilespmem:v14+s14+$0x0], $0xffff  }
0x17c: {  	v63 =	vld [tilespmem:$0x1FE40];
	v26 =	vor.u32 v39, v19  }
0x17d: {  	v22 =	vor.u32 v44, v13;
	v24 =	vor.u32 v9, v7;
	v23 =	vld.idx.msk [tilespmem:v23+s14+$0x0], $0xffff;
	[tilespmem:v11+s18+$0x0] =	vst.idx.msk $0xffff, v10  }
0x17e: {  	v20 =	vor.u32 v30, v2;
	v9 =	vmov v13;
	v13 =	vld.idx.msk [tilespmem:v17+s14+$0x0], $0xffff;
	[tilespmem:v29+s18+$0x0] =	vst.idx.msk $0xffff, v16  }
0x17f: {  	v11 =	vor.u32 v51, v3;
	[tilespmem:v6+s18+$0x0] =	vst.idx.msk $0xffff, v27;
	v15 =	vld.idx.msk [tilespmem:v15+s14+$0x0], $0xffff  }
0x180: {  	v30 =	vor.u32 v48, v1;
	[tilespmem:v28+s18+$0x0] =	vst.idx.msk $0xffff, v14;
	v14 =	vld [tilespmem:$0x1FF90]  }
0x181: {  	v10 =	vmov v3;
	v3 =	vld [tilespmem:$0x1FF80];
	[tilespmem:v26+s18+$0x0] =	vst.idx.msk $0xffff, v25;
	v25 =	vor.u32 v62, v5  }
0x182: {  	v22 =	vld.idx.msk [tilespmem:v22+s14+$0x0], $0xffff;
	[tilespmem:v24+s18+$0x0] =	vst.idx.msk $0xffff, v21  }
0x183: {  	v6 =	vmovc v1;
	v1 =	vmov v7;
	v7 =	vmov v19;
	v17 =	vor.u32 v51, v8;
	v20 =	vld.idx.msk [tilespmem:v20+s14+$0x0], $0xffff  }
0x184: {  	v19 =	vor.u32 v62, v7;
	v11 =	vld.idx.msk [tilespmem:v11+s14+$0x0], $0xffff  }
0x185: {  	[tilespmem:v30+s18+$0x0] =	vst.idx.msk $0xffff, v23;
	v26 =	vor.u32 v14, v4;
	v23 =	vor.u32 v14, v2;
	v14 =	vld [tilespmem:$0x1FFE0]  }
0x186: {  	v16 =	vor.u32 v49, v12;
	[tilespmem:v25+s18+$0x0] =	vst.idx.msk $0xffff, v13;
	v25 =	vld [tilespmem:$0x1FD30]  }
0x187: {  	v31 =	vld [tilespmem:$0x1FFB0];
	v21 =	vor.u32 v49, v9  }
0x188: {  	v24 =	vor.u32 v3, v0;
	v17 =	vld.idx.msk [tilespmem:v17+s14+$0x0], $0xffff  }
0x189: {  	v27 =	vor.u32 v3, v1;
	[tilespmem:v19+s18+$0x0] =	vst.idx.msk $0xffff, v22;
	v19 =	vld [tilespmem:$0x1FFA0]  }
0x18a: {  	v44 =	vld [tilespmem:$0x1FF00];
	v28 =	vor.u32 v14, v18  }
0x18b: {  	v3 =	vmovc v4;
	v4 =	vmov v12;
	v16 =	vld.idx.msk [tilespmem:v16+s14+$0x0], $0xffff;
	v12 =	vor.u32 v25, v10;
	v13 =	vor.u32 v14, v6  }
0x18c: {  	v21 =	vld.idx.msk [tilespmem:v21+s14+$0x0], $0xffff;
	v22 =	vor.u32 v25, v8  }
0x18d: {  	[tilespmem:v24+s18+$0x0] =	vst.idx.msk $0xffff, v15;
	v15 =	vor.u32 v38, v10;
	v38 =	vld [tilespmem:$0x1FD70];
	v25 =	vor.u32 v57, v5  }
0x18e: {  	v24 =	vor.u32 v43, v4;
	[tilespmem:v27+s18+$0x0] =	vst.idx.msk $0xffff, v20;
	v26 =	vld.idx.msk [tilespmem:v26+s14+$0x0], $0xffff;
	v27 =	vor.u32 v19, v0  }
0x18f: {  	v30 =	vor.u32 v57, v7;
	v23 =	vld.idx.msk [tilespmem:v23+s14+$0x0], $0xffff;
	[tilespmem:v28+s18+$0x0] =	vst.idx.msk $0xffff, v11;
	v11 =	vor.u32 v31, v3  }
0x190: {  	[tilespmem:v13+s18+$0x0] =	vst.idx.msk $0xffff, v17;
	v17 =	vor.u32 v50, v18;
	v12 =	vld.idx.msk [tilespmem:v12+s14+$0x0], $0xffff  }
0x191: {  	v20 =	vor.u32 v43, v9;
	v22 =	vld.idx.msk [tilespmem:v22+s14+$0x0], $0xffff  }
0x192: {  	v28 =	vor.u32 v19, v1;
	[tilespmem:v25+s18+$0x0] =	vst.idx.msk $0xffff, v16;
	v25 =	vor.u32 v50, v6;
	v50 =	vld [tilespmem:$0x1FD60]  }
0x193: {  	v13 =	vor.u32 v31, v2;
	v24 =	vld.idx.msk [tilespmem:v24+s14+$0x0], $0xffff;
	[tilespmem:v27+s18+$0x0] =	vst.idx.msk $0xffff, v26  }
0x194: {  	v16 =	vor.u32 v53, v10;
	[tilespmem:v30+s18+$0x0] =	vst.idx.msk $0xffff, v21;
	v11 =	vld.idx.msk [tilespmem:v11+s14+$0x0], $0xffff  }
0x195: {  	v30 =	vor.u32 v53, v8;
	[tilespmem:v17+s18+$0x0] =	vst.idx.msk $0xffff, v12;
	v12 =	vld [tilespmem:$0x1FF10]  }
0x196: {  	v54 =	vor.u32 v52, v5;
	v33 =	vor.u32 v52, v7;
	v35 =	vor.u32 v44, v1;
	v20 =	vld.idx.msk [tilespmem:v20+s14+$0x0], $0xffff  }
0x197: {  	v27 =	vor.u32 v55, v4;
	[tilespmem:v28+s18+$0x0] =	vst.idx.msk $0xffff, v23;
	v28 =	vor.u32 v44, v0;
	v44 =	vld [tilespmem:$0x1FFD0]  }
0x198: {  	v23 =	vor.u32 v55, v9;
	v13 =	vld.idx.msk [tilespmem:v13+s14+$0x0], $0xffff  }
0x199: {  	v14 =	vor.u32 v36, v10;
	[tilespmem:v25+s18+$0x0] =	vst.idx.msk $0xffff, v22;
	v36 =	vld.idx.msk [tilespmem:v16+s14+$0x0], $0xffff  }
0x19a: {  	v25 =	vor.u32 v50, v18;
	v30 =	vld.idx.msk [tilespmem:v30+s14+$0x0], $0xffff;
	v34 =	vor.u32 v12, v3  }
0x19b: {  	[tilespmem:v54+s18+$0x0] =	vst.idx.msk $0xffff, v24;
	v24 =	vor.u32 v50, v6;
	v50 =	vld [tilespmem:$0x1FF20];
	v22 =	vor.u32 v12, v2  }
0x19c: {  	v29 =	vadd.s32 s28, v41;
	v32 =	vor.u32 v38, v8;
	[tilespmem:v33+s18+$0x0] =	vst.idx.msk $0xffff, v20;
	v27 =	vld.idx.msk [tilespmem:v27+s14+$0x0], $0xffff  }
0x19d: {  	v31 =	vshll.u32 v29, $0x9;
	v26 =	vor.u32 v38, v10;
	v20 =	vor.u32 v44, v3;
	v23 =	vld.idx.msk [tilespmem:v23+s14+$0x0], $0xffff  }
0x19e: {  	[tilespmem:v28+s18+$0x0] =	vst.idx.msk $0xffff, v11;
	v11 =	vshll.u32 v29, $0x7;
	v12 =	vand.u32 $0x1F, v29;
	v29 =	vor.u32 v44, v2;
	v44 =	vld [tilespmem:$0x1FD80]  }
0x19f: {  	v38 =	vor.u32 v60, v7;
	[tilespmem:v35+s18+$0x0] =	vst.idx.msk $0xffff, v13;
	v33 =	vor.u32 v42, v12;
	v34 =	vld.idx.msk [tilespmem:v34+s14+$0x0], $0xffff  }
0x1a0: {  	v16 =	vor.u32 v37, v3;
	v37 =	vor.u32 v60, v5;
	v28 =	vor.u32 v59, v4;
	v22 =	vld.idx.msk [tilespmem:v22+s14+$0x0], $0xffff  }
0x1a1: {  	v54 =	vmov v39;
	v39 =	vor.u32 v50, v0;
	[tilespmem:v25+s18+$0x0] =	vst.idx.msk $0xffff, v36;
	v25 =	vor.u32 v50, v1;
	v50 =	vld [tilespmem:$0x1FC80]  }
0x1a2: {  	[tilespmem:v24+s18+$0x0] =	vst.idx.msk $0xffff, v30;
	v26 =	vld.idx.msk [tilespmem:v26+s14+$0x0], $0xffff  }
0x1a3: {  	v35 =	vor.u32 v59, v9;
	v13 =	vand.u32 $0x3000, v31;
	v31 =	vld.idx.msk [tilespmem:v32+s14+$0x0], $0xffff  }
0x1a4: {  	v21 =	vor.u32 v58, v10;
	v24 =	vand.u32 $0x380, v11;
	v30 =	vor.u32 v44, v18;
	v11 =	vmovc v18;
	v18 =	vld.idx.msk [tilespmem:v33+s14+$0x0], $0xffff  }
0x1a5: {  	v13 =	vor.u32 v24, v13;
	[tilespmem:v37+s18+$0x0] =	vst.idx.msk $0xffff, v27;
	v24 =	vor.u32 v44, v6;
	v44 =	vld [tilespmem:$0x1FC90]  }
0x1a6: {  	[tilespmem:v38+s18+$0x0] =	vst.idx.msk $0xffff, v23;
	v27 =	vor.u32 v41, v13;
	v28 =	vld.idx.msk [tilespmem:v28+s14+$0x0], $0xffff  }
0x1a7: {  	v23 =	vor.u32 v58, v8;
	v58 =	vor.u32 v50, v5;
	v36 =	vor.u32 v50, v7;
	v50 =	vld [tilespmem:$0x1FEE0]  }
0x1a8: {  	v35 =	vld.idx.msk [tilespmem:v35+s14+$0x0], $0xffff;
	[tilespmem:v39+s18+$0x0] =	vst.idx.msk $0xffff, v34  }
0x1a9: {  	v20 =	vld.idx.msk [tilespmem:v20+s14+$0x0], $0xffff;
	[tilespmem:v30+s18+$0x0] =	vst.idx.msk $0xffff, v26  }
0x1aa: {  	v32 =	vor.u32 v40, v12;
	[tilespmem:v25+s18+$0x0] =	vst.idx.msk $0xffff, v22;
	v21 =	vld.idx.msk [tilespmem:v21+s14+$0x0], $0xffff  }
0x1ab: {  	v34 =	vor.u32 v44, v4;
	[tilespmem:v27+s18+$0x0] =	vst.idx.msk $0xffff, v18;
	v18 =	vld [tilespmem:$0x1FDA0]  }
0x1ac: {  	v37 =	vld.idx.msk [tilespmem:v29+s14+$0x0], $0xffff;
	v25 =	vor.u32 v50, v0  }
0x1ad: {  	v29 =	vld [tilespmem:$0x1FEF0];
	[tilespmem:v24+s18+$0x0] =	vst.idx.msk $0xffff, v31  }
0x1ae: {  	v22 =	vor.u32 v44, v9;
	v44 =	vmov v40;
	v40 =	vld.idx.msk [tilespmem:v23+s14+$0x0], $0xffff  }
0x1af: {  	v41 =	vld.idx.msk [tilespmem:v32+s14+$0x0], $0xffff;
	[tilespmem:v58+s18+$0x0] =	vst.idx.msk $0xffff, v28  }
0x1b0: {  	v39 =	vor.u32 v18, v11;
	v58 =	vor.u32 v18, v6;
	v18 =	vld.idx.msk [tilespmem:v34+s14+$0x0], $0xffff  }
0x1b1: {  	[tilespmem:v25+s18+$0x0] =	vst.idx.msk $0xffff, v20;
	v20 =	vld [tilespmem:$0x1FCB0]  }
0x1b2: {  	v23 =	vld [tilespmem:$0x1FCA0];
	v38 =	vor.u32 v50, v1;
	v26 =	vor.u32 v29, v3  }
0x1b3: {  	v53 =	vld [tilespmem:$0x1FC50];
	v24 =	vor.u32 v29, v2  }
0x1b4: {  	[tilespmem:v36+s18+$0x0] =	vst.idx.msk $0xffff, v35  }
0x1b5: {  	v19 =	vor.u32 v63, v10;
	v27 =	vor.u32 v61, v4;
	v61 =	vor.u32 v45, v13;
	v28 =	vld.idx.msk [tilespmem:v22+s14+$0x0], $0xffff  }
0x1b6: {  	p1 =	slt.u32 s28, $0x1E;
	v63 =	vor.u32 v63, v8;
	v29 =	vor.u32 v20, v4;
	v31 =	vor.u32 v20, v9;
	v20 =	vld [tilespmem:$0x1FFC0]  }
.Ltmp2:
0x1b7: {  	v32 =	vor.u32 v23, v5;
	v30 =	vor.u32 v23, v7;
	[tilespmem:v38+s18+$0x0] =	vst.idx.msk $0xffff, v37;
	v23 =	vld.idx.msk [tilespmem:v26+s14+$0x0], $0xffff;
	(pc) =	sbr.rel @p1 .LBB2_3-.Ltmp2, $4  }
0x1b8: {  	v17 =	vor.u32 v53, v3;
	v33 =	vor.u32 v54, v13;
	v24 =	vld.idx.msk [tilespmem:v24+s14+$0x0], $0xffff;
	[tilespmem:v39+s18+$0x0] =	vst.idx.msk $0xffff, v21  }
0x1b9: {  	v50 =	vmov v42;
	v22 =	vor.u32 v53, v2;
	[tilespmem:v58+s18+$0x0] =	vst.idx.msk $0xffff, v40;
	v40 =	vmov v44;
	v44 =	vld [tilespmem:$0x1FD20]  }
0x1ba: {  	v42 =	vmovc v50;
	v34 =	vor.u32 v46, v12;
	v39 =	vmov v54;
	v19 =	vld.idx.msk [tilespmem:v19+s14+$0x0], $0xffff;
	[tilespmem:v61+s18+$0x0] =	vst.idx.msk $0xffff, v41;
	v41 =	vlaneseq.u32  }
0x1bb: {  	s0 =	sadd.s32 $0x1, s28;
	s28 =	sadd.s32 $0x2, s28;
	v21 =	vld.idx.msk [tilespmem:v63+s14+$0x0], $0xffff;
	v26 =	vor.u32 v20, v0;
	v25 =	vor.u32 v20, v1;
	v20 =	vor.u32 v47, v11  }
0x1bc: {  	v35 =	vadd.s32 s0, v41  }
0x1bd: {  	v53 =	vand.u32 $0x1F, v35  }
0x1be: {  	v36 =	vor.u32 v42, v53;
	_ =	sdelay $0x1  }
0x1bf: {  	v37 =	vshll.u32 v35, $0x9;
	v35 =	vshll.u32 v35, $0x7  }
0x1c0: {  	v37 =	vand.u32 $0x3000, v37;
	v35 =	vand.u32 $0x380, v35  }
0x1c1: {  	v47 =	vor.u32 v35, v37  }
0x1c2: {  	v61 =	vor.u32 v41, v47;
	v58 =	vld.idx.msk [tilespmem:v36+s14+$0x0], $0xffff  }
0x1c3: {  	v63 =	vor.u32 v40, v53;
	_ =	sdelay $0x3  }
0x1c4: {  	[tilespmem:v61+s18+$0x0] =	vst.idx.msk $0xffff, v58  }
0x1c5: {  	v45 =	vor.u32 v45, v47;
	v35 =	vld.idx.msk [tilespmem:v63+s14+$0x0], $0xffff  }
0x1c6: {  	v58 =	vor.u32 v46, v53;
	_ =	sdelay $0x3  }
0x1c7: {  	v34 =	vld.idx.msk [tilespmem:v34+s14+$0x0], $0xffff;
	[tilespmem:v45+s18+$0x0] =	vst.idx.msk $0xffff, v35  }
0x1c8: {  	v61 =	vor.u32 v44, v12;
	v63 =	vor.u32 v39, v47;
	v35 =	vld.idx.msk [tilespmem:v58+s14+$0x0], $0xffff  }
0x1c9: {  	v38 =	vor.u32 v44, v53;
	_ =	sdelay $0x2  }
0x1ca: {  	[tilespmem:v33+s18+$0x0] =	vst.idx.msk $0xffff, v34  }
0x1cb: {  	v33 =	vld.idx.msk [tilespmem:v61+s14+$0x0], $0xffff;
	v45 =	vor.u32 v62, v13;
	[tilespmem:v63+s18+$0x0] =	vst.idx.msk $0xffff, v35  }
0x1cc: {  	v46 =	vor.u32 v49, v12;
	v58 =	vor.u32 v62, v47;
	v35 =	vld.idx.msk [tilespmem:v38+s14+$0x0], $0xffff  }
0x1cd: {  	v61 =	vor.u32 v49, v53;
	_ =	sdelay $0x2  }
0x1ce: {  	[tilespmem:v45+s18+$0x0] =	vst.idx.msk $0xffff, v33  }
0x1cf: {  	v62 =	vor.u32 v57, v13;
	v33 =	vld.idx.msk [tilespmem:v46+s14+$0x0], $0xffff;
	[tilespmem:v58+s18+$0x0] =	vst.idx.msk $0xffff, v35  }
0x1d0: {  	v45 =	vor.u32 v57, v47;
	v63 =	vor.u32 v43, v12;
	v35 =	vld.idx.msk [tilespmem:v61+s14+$0x0], $0xffff  }
0x1d1: {  	v46 =	vor.u32 v43, v53;
	_ =	sdelay $0x2  }
0x1d2: {  	[tilespmem:v62+s18+$0x0] =	vst.idx.msk $0xffff, v33  }
0x1d3: {  	v49 =	vor.u32 v52, v13;
	v33 =	vld.idx.msk [tilespmem:v63+s14+$0x0], $0xffff;
	[tilespmem:v45+s18+$0x0] =	vst.idx.msk $0xffff, v35  }
0x1d4: {  	v57 =	vor.u32 v55, v12;
	v58 =	vor.u32 v52, v47;
	v35 =	vld.idx.msk [tilespmem:v46+s14+$0x0], $0xffff  }
0x1d5: {  	v61 =	vor.u32 v55, v53;
	_ =	sdelay $0x2  }
0x1d6: {  	[tilespmem:v49+s18+$0x0] =	vst.idx.msk $0xffff, v33  }
0x1d7: {  	v62 =	vor.u32 v60, v13;
	v33 =	vld.idx.msk [tilespmem:v57+s14+$0x0], $0xffff;
	[tilespmem:v58+s18+$0x0] =	vst.idx.msk $0xffff, v35  }
0x1d8: {  	v43 =	vor.u32 v60, v47;
	v35 =	vld.idx.msk [tilespmem:v61+s14+$0x0], $0xffff;
	_ =	sdelay $0x3  }
0x1d9: {  	[tilespmem:v62+s18+$0x0] =	vst.idx.msk $0xffff, v33  }
0x1da: {  	[tilespmem:v43+s18+$0x0] =	vst.idx.msk $0xffff, v35  }
0x1db: {  	v63 =	vor.u32 v59, v12;
	v37 =	vld [tilespmem:$0x1FC80]  }
0x1dc: {  	v45 =	vor.u32 v59, v53;
	_ =	sdelay $0x3  }
0x1dd: {  	v33 =	vld.idx.msk [tilespmem:v63+s14+$0x0], $0xffff;
	v46 =	vor.u32 v37, v13  }
0x1de: {  	v35 =	vld.idx.msk [tilespmem:v45+s14+$0x0], $0xffff;
	v37 =	vor.u32 v37, v47  }
0x1df: {  	v49 =	vld [tilespmem:$0x1FC90];
	_ =	sdelay $0x2  }
0x1e0: {  	[tilespmem:v46+s18+$0x0] =	vst.idx.msk $0xffff, v33  }
0x1e1: {  	[tilespmem:v37+s18+$0x0] =	vst.idx.msk $0xffff, v35  }
0x1e2: {  	v52 =	vor.u32 v49, v12;
	v37 =	vld [tilespmem:$0x1FCA0]  }
0x1e3: {  	v57 =	vld [tilespmem:$0x1FCB0];
	[tilespmem:v32+s18+$0x0] =	vst.idx.msk $0xffff, v18  }
0x1e4: {  	v38 =	vor.u32 v49, v53;
	[tilespmem:v30+s18+$0x0] =	vst.idx.msk $0xffff, v28  }
0x1e5: {  	v59 =	vld [tilespmem:$0x1FCC0];
	_ =	sdelay $0x1  }
0x1e6: {  	v33 =	vld.idx.msk [tilespmem:v52+s14+$0x0], $0xffff;
	v55 =	vor.u32 v37, v13;
	_ =	sdelay $0x1  }
0x1e7: {  	v35 =	vld.idx.msk [tilespmem:v38+s14+$0x0], $0xffff;
	v37 =	vor.u32 v37, v47  }
0x1e8: {  	v18 =	vld.idx.msk [tilespmem:v29+s14+$0x0], $0xffff;
	v28 =	vor.u32 v59, v5  }
0x1e9: {  	v29 =	vld.idx.msk [tilespmem:v31+s14+$0x0], $0xffff;
	v30 =	vor.u32 v59, v7  }
0x1ea: {  	[tilespmem:v55+s18+$0x0] =	vst.idx.msk $0xffff, v33  }
0x1eb: {  	v60 =	vld [tilespmem:$0x1FCD0]  }
0x1ec: {  	[tilespmem:v37+s18+$0x0] =	vst.idx.msk $0xffff, v35  }
0x1ed: {  	v58 =	vor.u32 v57, v12;
	[tilespmem:v28+s18+$0x0] =	vst.idx.msk $0xffff, v18  }
0x1ee: {  	v38 =	vor.u32 v57, v53;
	[tilespmem:v30+s18+$0x0] =	vst.idx.msk $0xffff, v29  }
0x1ef: {  	v55 =	vld [tilespmem:$0x1FCE0]  }
0x1f0: {  	v31 =	vor.u32 v60, v9;
	_ =	sdelay $0x1  }
0x1f1: {  	v46 =	vmov v47;
	v62 =	vor.u32 v59, v13;
	v61 =	vld.idx.msk [tilespmem:v58+s14+$0x0], $0xffff  }
0x1f2: {  	v49 =	vor.u32 v59, v46;
	v35 =	vld.idx.msk [tilespmem:v38+s14+$0x0], $0xffff  }
0x1f3: {  	v18 =	vld.idx.msk [tilespmem:v27+s14+$0x0], $0xffff;
	v27 =	vor.u32 v55, v5  }
0x1f4: {  	v30 =	vor.u32 v55, v7;
	v28 =	vld.idx.msk [tilespmem:v31+s14+$0x0], $0xffff  }
0x1f5: {  	v59 =	vld [tilespmem:$0x1FF40]  }
0x1f6: {  	[tilespmem:v62+s18+$0x0] =	vst.idx.msk $0xffff, v61  }
0x1f7: {  	[tilespmem:v49+s18+$0x0] =	vst.idx.msk $0xffff, v35  }
0x1f8: {  	v63 =	vor.u32 v60, v12;
	[tilespmem:v27+s18+$0x0] =	vst.idx.msk $0xffff, v18  }
0x1f9: {  	v52 =	vor.u32 v60, v53;
	[tilespmem:v30+s18+$0x0] =	vst.idx.msk $0xffff, v28  }
0x1fa: {  	v29 =	vor.u32 v59, v4;
	v62 =	vld [tilespmem:$0x1FF30]  }
0x1fb: {  	v31 =	vor.u32 v59, v9;
	_ =	sdelay $0x1  }
0x1fc: {  	v57 =	vor.u32 v55, v13;
	v32 =	vld.idx.msk [tilespmem:v63+s14+$0x0], $0xffff  }
0x1fd: {  	v45 =	vor.u32 v55, v46;
	v58 =	vld.idx.msk [tilespmem:v52+s14+$0x0], $0xffff  }
0x1fe: {  	v18 =	vld.idx.msk [tilespmem:v29+s14+$0x0], $0xffff;
	v27 =	vor.u32 v62, v5  }
0x1ff: {  	v28 =	vld.idx.msk [tilespmem:v31+s14+$0x0], $0xffff;
	v30 =	vor.u32 v62, v7  }
0x200: {  	v52 =	vld [tilespmem:$0x1FF50]  }
0x201: {  	[tilespmem:v57+s18+$0x0] =	vst.idx.msk $0xffff, v32  }
0x202: {  	[tilespmem:v45+s18+$0x0] =	vst.idx.msk $0xffff, v58  }
0x203: {  	v43 =	vor.u32 v59, v12;
	[tilespmem:v27+s18+$0x0] =	vst.idx.msk $0xffff, v18  }
0x204: {  	v49 =	vor.u32 v59, v53;
	[tilespmem:v30+s18+$0x0] =	vst.idx.msk $0xffff, v28  }
0x205: {  	v29 =	vor.u32 v52, v4;
	v61 =	vld [tilespmem:$0x1FF60]  }
0x206: {  	v31 =	vor.u32 v52, v9;
	_ =	sdelay $0x1  }
0x207: {  	v32 =	vld.idx.msk [tilespmem:v43+s14+$0x0], $0xffff;
	v55 =	vor.u32 v62, v13  }
0x208: {  	v34 =	vld.idx.msk [tilespmem:v49+s14+$0x0], $0xffff;
	v58 =	vor.u32 v62, v46  }
0x209: {  	v18 =	vld.idx.msk [tilespmem:v29+s14+$0x0], $0xffff;
	v27 =	vor.u32 v61, v5  }
0x20a: {  	v28 =	vld.idx.msk [tilespmem:v31+s14+$0x0], $0xffff;
	v30 =	vor.u32 v61, v7  }
0x20b: {  	v63 =	vld [tilespmem:$0x1FF70]  }
0x20c: {  	[tilespmem:v55+s18+$0x0] =	vst.idx.msk $0xffff, v32  }
0x20d: {  	[tilespmem:v58+s18+$0x0] =	vst.idx.msk $0xffff, v34  }
0x20e: {  	v57 =	vor.u32 v52, v12;
	[tilespmem:v27+s18+$0x0] =	vst.idx.msk $0xffff, v18  }
0x20f: {  	v60 =	vor.u32 v52, v53;
	[tilespmem:v30+s18+$0x0] =	vst.idx.msk $0xffff, v28  }
0x210: {  	v47 =	vmov v53;
	v29 =	vor.u32 v63, v4;
	v58 =	vor.u32 v63, v53;
	v53 =	vld [tilespmem:$0x1FF80]  }
0x211: {  	v31 =	vor.u32 v63, v9;
	_ =	sdelay $0x1  }
0x212: {  	v32 =	vld.idx.msk [tilespmem:v57+s14+$0x0], $0xffff;
	v45 =	vor.u32 v61, v13  }
0x213: {  	v34 =	vld.idx.msk [tilespmem:v60+s14+$0x0], $0xffff;
	v57 =	vor.u32 v61, v46  }
0x214: {  	v18 =	vld.idx.msk [tilespmem:v29+s14+$0x0], $0xffff;
	v27 =	vor.u32 v53, v5  }
0x215: {  	v28 =	vld.idx.msk [tilespmem:v31+s14+$0x0], $0xffff;
	v30 =	vor.u32 v53, v7  }
0x216: {  	v52 =	vld [tilespmem:$0x1FF90]  }
0x217: {  	v49 =	vor.u32 v63, v12;
	[tilespmem:v45+s18+$0x0] =	vst.idx.msk $0xffff, v32  }
0x218: {  	[tilespmem:v57+s18+$0x0] =	vst.idx.msk $0xffff, v34  }
0x219: {  	[tilespmem:v27+s18+$0x0] =	vst.idx.msk $0xffff, v18  }
0x21a: {  	[tilespmem:v30+s18+$0x0] =	vst.idx.msk $0xffff, v28  }
0x21b: {  	v29 =	vor.u32 v52, v4;
	v45 =	vld [tilespmem:$0x1FFA0]  }
0x21c: {  	v32 =	vld.idx.msk [tilespmem:v49+s14+$0x0], $0xffff;
	v60 =	vor.u32 v53, v13  }
0x21d: {  	v34 =	vld.idx.msk [tilespmem:v58+s14+$0x0], $0xffff;
	v63 =	vor.u32 v53, v46;
	_ =	sdelay $0x2  }
0x21e: {  	v31 =	vor.u32 v52, v9;
	v18 =	vld.idx.msk [tilespmem:v29+s14+$0x0], $0xffff;
	v27 =	vor.u32 v45, v5  }
0x21f: {  	[tilespmem:v60+s18+$0x0] =	vst.idx.msk $0xffff, v32  }
0x220: {  	v58 =	vld [tilespmem:$0x1FFB0];
	[tilespmem:v63+s18+$0x0] =	vst.idx.msk $0xffff, v34  }
0x221: {  	v61 =	vor.u32 v52, v12;
	[tilespmem:v26+s18+$0x0] =	vst.idx.msk $0xffff, v23  }
0x222: {  	v43 =	vor.u32 v52, v47;
	[tilespmem:v25+s18+$0x0] =	vst.idx.msk $0xffff, v24  }
0x223: {  	v28 =	vld.idx.msk [tilespmem:v31+s14+$0x0], $0xffff;
	v30 =	vor.u32 v45, v7;
	[tilespmem:v27+s18+$0x0] =	vst.idx.msk $0xffff, v18  }
0x224: {  	v36 =	vld [tilespmem:$0x1FDB0];
	_ =	sdelay $0x1  }
0x225: {  	v32 =	vld.idx.msk [tilespmem:v61+s14+$0x0], $0xffff;
	v49 =	vor.u32 v45, v13  }
0x226: {  	v23 =	vld.idx.msk [tilespmem:v43+s14+$0x0], $0xffff;
	v55 =	vor.u32 v45, v46  }
0x227: {  	v29 =	vor.u32 v58, v4;
	[tilespmem:v30+s18+$0x0] =	vst.idx.msk $0xffff, v28  }
0x228: {  	v31 =	vor.u32 v58, v9;
	v37 =	vld [tilespmem:$0x1FF00];
	v57 =	vor.u32 v36, v6;
	_ =	sdelay $0x1  }
0x229: {  	[tilespmem:v49+s18+$0x0] =	vst.idx.msk $0xffff, v32  }
0x22a: {  	v61 =	vld [tilespmem:$0x1FF10];
	[tilespmem:v55+s18+$0x0] =	vst.idx.msk $0xffff, v23  }
0x22b: {  	v26 =	vor.u32 v58, v12;
	v25 =	vld.idx.msk [tilespmem:v29+s14+$0x0], $0xffff;
	[tilespmem:v20+s18+$0x0] =	vst.idx.msk $0xffff, v19  }
0x22c: {  	v24 =	vor.u32 v58, v47;
	v28 =	vld.idx.msk [tilespmem:v31+s14+$0x0], $0xffff;
	v27 =	vor.u32 v37, v5;
	[tilespmem:v57+s18+$0x0] =	vst.idx.msk $0xffff, v21  }
0x22d: {  	v30 =	vor.u32 v37, v7;
	v55 =	vld [tilespmem:$0x1FEC0];
	_ =	sdelay $0x1  }
0x22e: {  	v17 =	vld.idx.msk [tilespmem:v17+s14+$0x0], $0xffff  }
0x22f: {  	v26 =	vld.idx.msk [tilespmem:v26+s14+$0x0], $0xffff;
	v31 =	vor.u32 v37, v13  }
0x230: {  	v38 =	vld.idx.msk [tilespmem:v24+s14+$0x0], $0xffff;
	v24 =	vor.u32 v37, v46;
	[tilespmem:v27+s18+$0x0] =	vst.idx.msk $0xffff, v25  }
0x231: {  	v22 =	vld.idx.msk [tilespmem:v22+s14+$0x0], $0xffff;
	v29 =	vor.u32 v61, v4;
	[tilespmem:v30+s18+$0x0] =	vst.idx.msk $0xffff, v28;
	v49 =	vor.u32 v55, v0  }
0x232: {  	v23 =	vor.u32 v61, v9;
	v33 =	vld [tilespmem:$0x1FF20];
	v25 =	vor.u32 v55, v1  }
0x233: {  	v35 =	vld [tilespmem:$0x1FE60]  }
0x234: {  	[tilespmem:v31+s18+$0x0] =	vst.idx.msk $0xffff, v26  }
0x235: {  	v43 =	vld [tilespmem:$0x1FFD0];
	[tilespmem:v24+s18+$0x0] =	vst.idx.msk $0xffff, v38  }
0x236: {  	v20 =	vor.u32 v61, v12;
	v28 =	vld.idx.msk [tilespmem:v29+s14+$0x0], $0xffff;
	[tilespmem:v49+s18+$0x0] =	vst.idx.msk $0xffff, v17  }
0x237: {  	v21 =	vor.u32 v61, v47;
	v23 =	vld.idx.msk [tilespmem:v23+s14+$0x0], $0xffff;
	v29 =	vor.u32 v33, v5;
	[tilespmem:v25+s18+$0x0] =	vst.idx.msk $0xffff, v22  }
0x238: {  	v27 =	vor.u32 v35, v8;
	v30 =	vor.u32 v33, v7;
	v31 =	vld [tilespmem:$0x1FDD0];
	_ =	sdelay $0x1  }
0x239: {  	v15 =	vld.idx.msk [tilespmem:v15+s14+$0x0], $0xffff  }
0x23a: {  	v20 =	vld.idx.msk [tilespmem:v20+s14+$0x0], $0xffff;
	v24 =	vor.u32 v33, v13;
	v57 =	vor.u32 v43, v9  }
0x23b: {  	v38 =	vld.idx.msk [tilespmem:v21+s14+$0x0], $0xffff;
	v21 =	vor.u32 v33, v46;
	[tilespmem:v29+s18+$0x0] =	vst.idx.msk $0xffff, v28  }
0x23c: {  	v27 =	vld.idx.msk [tilespmem:v27+s14+$0x0], $0xffff;
	[tilespmem:v30+s18+$0x0] =	vst.idx.msk $0xffff, v23;
	v22 =	vor.u32 v31, v11  }
0x23d: {  	v26 =	vor.u32 v43, v4;
	v34 =	vld [tilespmem:$0x1FED0];
	v28 =	vor.u32 v31, v6  }
0x23e: {  	v60 =	vld [tilespmem:$0x1FEE0]  }
0x23f: {  	v19 =	vld.idx.msk [tilespmem:v57+s14+$0x0], $0xffff;
	[tilespmem:v24+s18+$0x0] =	vst.idx.msk $0xffff, v20  }
0x240: {  	v57 =	vld [tilespmem:$0x1FEF0];
	[tilespmem:v21+s18+$0x0] =	vst.idx.msk $0xffff, v38  }
0x241: {  	v37 =	vor.u32 v43, v12;
	[tilespmem:v22+s18+$0x0] =	vst.idx.msk $0xffff, v15  }
0x242: {  	v25 =	vor.u32 v43, v47;
	v26 =	vld.idx.msk [tilespmem:v26+s14+$0x0], $0xffff;
	[tilespmem:v28+s18+$0x0] =	vst.idx.msk $0xffff, v27  }
0x243: {  	v29 =	vor.u32 v60, v5;
	v33 =	vld [tilespmem:$0x1FEA0]  }
0x244: {  	v23 =	vor.u32 v34, v2;
	v24 =	vor.u32 v60, v7;
	_ =	sdelay $0x1  }
0x245: {  	v17 =	vld.idx.msk [tilespmem:v37+s14+$0x0], $0xffff;
	v21 =	vor.u32 v60, v13  }
0x246: {  	v63 =	vld.idx.msk [tilespmem:v25+s14+$0x0], $0xffff;
	v25 =	vor.u32 v60, v46  }
0x247: {  	v16 =	vld.idx.msk [tilespmem:v16+s14+$0x0], $0xffff;
	[tilespmem:v29+s18+$0x0] =	vst.idx.msk $0xffff, v26;
	v27 =	vor.u32 v33, v0  }
0x248: {  	v23 =	vld.idx.msk [tilespmem:v23+s14+$0x0], $0xffff;
	[tilespmem:v24+s18+$0x0] =	vst.idx.msk $0xffff, v19;
	v26 =	vor.u32 v33, v1  }
0x249: {  	v37 =	vld [tilespmem:$0x1FE70]  }
0x24a: {  	v20 =	vor.u32 v57, v4;
	v38 =	vld [tilespmem:$0x1FFC0];
	[tilespmem:v21+s18+$0x0] =	vst.idx.msk $0xffff, v17  }
0x24b: {  	v49 =	vor.u32 v57, v9;
	v30 =	vld [tilespmem:$0x1FC50];
	[tilespmem:v25+s18+$0x0] =	vst.idx.msk $0xffff, v63  }
0x24c: {  	v22 =	vor.u32 v57, v12;
	[tilespmem:v27+s18+$0x0] =	vst.idx.msk $0xffff, v16  }
0x24d: {  	v28 =	vor.u32 v57, v47;
	[tilespmem:v26+s18+$0x0] =	vst.idx.msk $0xffff, v23  }
0x24e: {  	v29 =	vld [tilespmem:$0x1FDE0]  }
0x24f: {  	v20 =	vld.idx.msk [tilespmem:v20+s14+$0x0], $0xffff;
	v19 =	vor.u32 v37, v8;
	v24 =	vor.u32 v38, v5  }
0x250: {  	v18 =	vld.idx.msk [tilespmem:v49+s14+$0x0], $0xffff;
	v21 =	vor.u32 v38, v7  }
0x251: {  	v22 =	vld.idx.msk [tilespmem:v22+s14+$0x0], $0xffff;
	v25 =	vor.u32 v38, v13  }
0x252: {  	v27 =	vld.idx.msk [tilespmem:v28+s14+$0x0], $0xffff;
	v28 =	vor.u32 v38, v46  }
0x253: {  	v14 =	vld.idx.msk [tilespmem:v14+s14+$0x0], $0xffff;
	v17 =	vor.u32 v30, v4;
	v23 =	vor.u32 v29, v11  }
0x254: {  	v49 =	vor.u32 v30, v9;
	[tilespmem:v24+s18+$0x0] =	vst.idx.msk $0xffff, v20;
	v19 =	vld.idx.msk [tilespmem:v19+s14+$0x0], $0xffff;
	v24 =	vor.u32 v29, v6  }
0x255: {  	v63 =	vor.u32 v30, v12;
	v26 =	vor.u32 v30, v47;
	v30 =	vld [tilespmem:$0x1FEB0];
	[tilespmem:v21+s18+$0x0] =	vst.idx.msk $0xffff, v18  }
0x256: {  	[tilespmem:v25+s18+$0x0] =	vst.idx.msk $0xffff, v22  }
0x257: {  	[tilespmem:v28+s18+$0x0] =	vst.idx.msk $0xffff, v27  }
0x258: {  	[tilespmem:v23+s18+$0x0] =	vst.idx.msk $0xffff, v14  }
0x259: {  	v15 =	vld.idx.msk [tilespmem:v49+s14+$0x0], $0xffff;
	[tilespmem:v24+s18+$0x0] =	vst.idx.msk $0xffff, v19  }
0x25a: {  	v20 =	vor.u32 v30, v3;
	v49 =	vld [tilespmem:$0x1FE80]  }
0x25b: {  	v17 =	vld.idx.msk [tilespmem:v17+s14+$0x0], $0xffff;
	v21 =	vor.u32 v55, v5;
	v32 =	vor.u32 v30, v2  }
0x25c: {  	v25 =	vor.u32 v55, v7  }
0x25d: {  	v16 =	vld.idx.msk [tilespmem:v63+s14+$0x0], $0xffff;
	v28 =	vor.u32 v55, v13  }
0x25e: {  	v23 =	vld.idx.msk [tilespmem:v26+s14+$0x0], $0xffff;
	v26 =	vor.u32 v55, v46  }
0x25f: {  	v22 =	vor.u32 v34, v4;
	v20 =	vld.idx.msk [tilespmem:v20+s14+$0x0], $0xffff;
	v19 =	vor.u32 v49, v0  }
0x260: {  	v27 =	vor.u32 v34, v9;
	[tilespmem:v21+s18+$0x0] =	vst.idx.msk $0xffff, v17;
	v17 =	vld.idx.msk [tilespmem:v32+s14+$0x0], $0xffff;
	v18 =	vor.u32 v49, v1  }
0x261: {  	v63 =	vld [tilespmem:$0x1FE00];
	[tilespmem:v25+s18+$0x0] =	vst.idx.msk $0xffff, v15  }
0x262: {  	v14 =	vor.u32 v34, v12;
	[tilespmem:v28+s18+$0x0] =	vst.idx.msk $0xffff, v16  }
0x263: {  	v24 =	vor.u32 v34, v47;
	[tilespmem:v26+s18+$0x0] =	vst.idx.msk $0xffff, v23  }
0x264: {  	v21 =	vor.u32 v33, v5;
	v32 =	vld.idx.msk [tilespmem:v22+s14+$0x0], $0xffff;
	[tilespmem:v19+s18+$0x0] =	vst.idx.msk $0xffff, v20  }
0x265: {  	v16 =	vor.u32 v30, v4;
	v22 =	vld.idx.msk [tilespmem:v27+s14+$0x0], $0xffff;
	[tilespmem:v18+s18+$0x0] =	vst.idx.msk $0xffff, v17  }
0x266: {  	v25 =	vor.u32 v33, v7;
	v10 =	vor.u32 v63, v10;
	v27 =	vld [tilespmem:$0x1FE10]  }
0x267: {  	v23 =	vor.u32 v30, v9;
	v14 =	vld.idx.msk [tilespmem:v14+s14+$0x0], $0xffff;
	v26 =	vor.u32 v33, v13  }
0x268: {  	v19 =	vld.idx.msk [tilespmem:v24+s14+$0x0], $0xffff;
	v20 =	vor.u32 v30, v12;
	v24 =	vor.u32 v33, v46  }
0x269: {  	v8 =	vor.u32 v63, v8;
	[tilespmem:v21+s18+$0x0] =	vst.idx.msk $0xffff, v32  }
0x26a: {  	v33 =	vor.u32 v56, v2;
	v21 =	vor.u32 v49, v5;
	v16 =	vld.idx.msk [tilespmem:v16+s14+$0x0], $0xffff  }
0x26b: {  	v17 =	vor.u32 v30, v47;
	v10 =	vld.idx.msk [tilespmem:v10+s14+$0x0], $0xffff;
	[tilespmem:v25+s18+$0x0] =	vst.idx.msk $0xffff, v22;
	v11 =	vor.u32 v27, v11  }
0x26c: {  	v15 =	vor.u32 v56, v3;
	[tilespmem:v26+s18+$0x0] =	vst.idx.msk $0xffff, v14;
	v22 =	vld.idx.msk [tilespmem:v23+s14+$0x0], $0xffff;
	v23 =	vor.u32 v49, v7  }
0x26d: {  	[tilespmem:v24+s18+$0x0] =	vst.idx.msk $0xffff, v19;
	v20 =	vld.idx.msk [tilespmem:v20+s14+$0x0], $0xffff;
	v24 =	vor.u32 v49, v13  }
0x26e: {  	v8 =	vld.idx.msk [tilespmem:v8+s14+$0x0], $0xffff;
	v32 =	vor.u32 v27, v6  }
0x26f: {  	v18 =	vld.idx.msk [tilespmem:v33+s14+$0x0], $0xffff;
	[tilespmem:v21+s18+$0x0] =	vst.idx.msk $0xffff, v16;
	v21 =	vor.u32 v48, v1  }
0x270: {  	[tilespmem:v11+s18+$0x0] =	vst.idx.msk $0xffff, v10;
	v10 =	vld.idx.msk [tilespmem:v17+s14+$0x0], $0xffff;
	v17 =	vor.u32 v49, v46  }
0x271: {  	v14 =	vor.u32 v56, v4;
	v15 =	vld.idx.msk [tilespmem:v15+s14+$0x0], $0xffff;
	[tilespmem:v23+s18+$0x0] =	vst.idx.msk $0xffff, v22;
	v49 =	vor.u32 v48, v0  }
0x272: {  	[tilespmem:v24+s18+$0x0] =	vst.idx.msk $0xffff, v20  }
0x273: {  	v19 =	vor.u32 v56, v9;
	[tilespmem:v32+s18+$0x0] =	vst.idx.msk $0xffff, v8  }
0x274: {  	v22 =	vor.u32 v51, v2;
	[tilespmem:v21+s18+$0x0] =	vst.idx.msk $0xffff, v18  }
0x275: {  	v11 =	vor.u32 v56, v12;
	[tilespmem:v17+s18+$0x0] =	vst.idx.msk $0xffff, v10  }
0x276: {  	v14 =	vld.idx.msk [tilespmem:v14+s14+$0x0], $0xffff;
	v32 =	vor.u32 v56, v47;
	[tilespmem:v49+s18+$0x0] =	vst.idx.msk $0xffff, v15  }
0x277: {  	v33 =	vor.u32 v51, v3;
	v23 =	vor.u32 v48, v5;
	v25 =	vld [tilespmem:$0x1FFE0]  }
0x278: {  	v19 =	vld.idx.msk [tilespmem:v19+s14+$0x0], $0xffff  }
0x279: {  	v24 =	vor.u32 v48, v7;
	v22 =	vld.idx.msk [tilespmem:v22+s14+$0x0], $0xffff  }
0x27a: {  	v11 =	vld.idx.msk [tilespmem:v11+s14+$0x0], $0xffff;
	v17 =	vor.u32 v48, v13  }
0x27b: {  	v56 =	vor.u32 v48, v46;
	v49 =	vld.idx.msk [tilespmem:v32+s14+$0x0], $0xffff  }
0x27c: {  	v16 =	vld.idx.msk [tilespmem:v33+s14+$0x0], $0xffff;
	[tilespmem:v23+s18+$0x0] =	vst.idx.msk $0xffff, v14;
	v32 =	vor.u32 v25, v0  }
0x27d: {  	v20 =	vor.u32 v51, v4;
	v26 =	vld [tilespmem:$0x1FD30];
	v23 =	vor.u32 v25, v1  }
0x27e: {  	[tilespmem:v24+s18+$0x0] =	vst.idx.msk $0xffff, v19  }
0x27f: {  	v10 =	vor.u32 v51, v9;
	[tilespmem:v17+s18+$0x0] =	vst.idx.msk $0xffff, v11  }
0x280: {  	v8 =	vor.u32 v51, v12;
	[tilespmem:v56+s18+$0x0] =	vst.idx.msk $0xffff, v49  }
0x281: {  	v21 =	vor.u32 v51, v47;
	[tilespmem:v32+s18+$0x0] =	vst.idx.msk $0xffff, v16  }
0x282: {  	v20 =	vld.idx.msk [tilespmem:v20+s14+$0x0], $0xffff;
	v14 =	vor.u32 v26, v3;
	[tilespmem:v23+s18+$0x0] =	vst.idx.msk $0xffff, v22  }
0x283: {  	v24 =	vor.u32 v25, v5;
	v33 =	vor.u32 v26, v2;
	v28 =	vld [tilespmem:$0x1FD40]  }
0x284: {  	v10 =	vld.idx.msk [tilespmem:v10+s14+$0x0], $0xffff  }
0x285: {  	v48 =	vor.u32 v25, v7;
	v8 =	vld.idx.msk [tilespmem:v8+s14+$0x0], $0xffff;
	v11 =	vor.u32 v26, v4  }
0x286: {  	v51 =	vor.u32 v25, v13;
	v56 =	vld.idx.msk [tilespmem:v21+s14+$0x0], $0xffff  }
0x287: {  	v21 =	vor.u32 v25, v46;
	v14 =	vld.idx.msk [tilespmem:v14+s14+$0x0], $0xffff  }
0x288: {  	v49 =	vor.u32 v26, v9;
	v19 =	vld.idx.msk [tilespmem:v33+s14+$0x0], $0xffff;
	[tilespmem:v24+s18+$0x0] =	vst.idx.msk $0xffff, v20;
	v22 =	vor.u32 v28, v0  }
0x289: {  	v32 =	vor.u32 v26, v12;
	v23 =	vor.u32 v26, v47;
	v26 =	vld [tilespmem:$0x1FD50];
	v24 =	vor.u32 v28, v1  }
0x28a: {  	[tilespmem:v48+s18+$0x0] =	vst.idx.msk $0xffff, v10;
	v11 =	vld.idx.msk [tilespmem:v11+s14+$0x0], $0xffff;
	v48 =	vor.u32 v28, v5  }
0x28b: {  	[tilespmem:v51+s18+$0x0] =	vst.idx.msk $0xffff, v8  }
0x28c: {  	[tilespmem:v21+s18+$0x0] =	vst.idx.msk $0xffff, v56  }
0x28d: {  	v6 =	vld.idx.msk [tilespmem:v49+s14+$0x0], $0xffff;
	v49 =	vor.u32 v28, v7;
	v21 =	vor.u32 v28, v13;
	[tilespmem:v22+s18+$0x0] =	vst.idx.msk $0xffff, v14  }
0x28e: {  	v51 =	vld.idx.msk [tilespmem:v23+s14+$0x0], $0xffff;
	v23 =	vor.u32 v28, v46;
	v20 =	vor.u32 v26, v3;
	[tilespmem:v24+s18+$0x0] =	vst.idx.msk $0xffff, v19  }
0x28f: {  	v33 =	vor.u32 v26, v2;
	v8 =	vor.u32 v26, v4;
	v28 =	vld [tilespmem:$0x1FD60];
	[tilespmem:v48+s18+$0x0] =	vst.idx.msk $0xffff, v11  }
0x290: {  	v16 =	vor.u32 v26, v9;
	v22 =	vor.u32 v26, v12;
	v24 =	vor.u32 v26, v47;
	v26 =	vld [tilespmem:$0x1FD70];
	_ =	sdelay $0x1  }
0x291: {  	v18 =	vld.idx.msk [tilespmem:v32+s14+$0x0], $0xffff;
	_ =	sdelay $0x1  }
0x292: {  	v20 =	vld.idx.msk [tilespmem:v20+s14+$0x0], $0xffff;
	v56 =	vor.u32 v28, v0  }
0x293: {  	v10 =	vld.idx.msk [tilespmem:v33+s14+$0x0], $0xffff;
	v33 =	vor.u32 v28, v1;
	v32 =	vor.u32 v26, v3  }
0x294: {  	[tilespmem:v49+s18+$0x0] =	vst.idx.msk $0xffff, v6;
	v8 =	vld.idx.msk [tilespmem:v8+s14+$0x0], $0xffff;
	v49 =	vor.u32 v28, v5  }
0x295: {  	[tilespmem:v21+s18+$0x0] =	vst.idx.msk $0xffff, v18  }
0x296: {  	[tilespmem:v23+s18+$0x0] =	vst.idx.msk $0xffff, v51  }
0x297: {  	v21 =	vor.u32 v28, v7;
	[tilespmem:v56+s18+$0x0] =	vst.idx.msk $0xffff, v20;
	v20 =	vld.idx.msk [tilespmem:v24+s14+$0x0], $0xffff  }
0x298: {  	v23 =	vor.u32 v28, v13;
	v48 =	vor.u32 v26, v2;
	[tilespmem:v33+s18+$0x0] =	vst.idx.msk $0xffff, v10;
	v11 =	vld.idx.msk [tilespmem:v32+s14+$0x0], $0xffff  }
0x299: {  	v18 =	vor.u32 v26, v4;
	v24 =	vor.u32 v28, v46;
	v28 =	vld [tilespmem:$0x1FD80];
	[tilespmem:v49+s18+$0x0] =	vst.idx.msk $0xffff, v8  }
0x29a: {  	v14 =	vor.u32 v26, v9;
	v51 =	vor.u32 v26, v12;
	v32 =	vor.u32 v26, v47;
	v26 =	vld [tilespmem:$0x1FE30]  }
0x29b: {  	v16 =	vld.idx.msk [tilespmem:v16+s14+$0x0], $0xffff  }
0x29c: {  	v22 =	vld.idx.msk [tilespmem:v22+s14+$0x0], $0xffff;
	_ =	sdelay $0x1  }
0x29d: {  	v56 =	vor.u32 v28, v0  }
0x29e: {  	v6 =	vld.idx.msk [tilespmem:v48+s14+$0x0], $0xffff;
	v48 =	vor.u32 v28, v1;
	v33 =	vor.u32 v26, v3  }
0x29f: {  	[tilespmem:v21+s18+$0x0] =	vst.idx.msk $0xffff, v16;
	v18 =	vld.idx.msk [tilespmem:v18+s14+$0x0], $0xffff;
	v21 =	vor.u32 v28, v5  }
0x2a0: {  	[tilespmem:v23+s18+$0x0] =	vst.idx.msk $0xffff, v22  }
0x2a1: {  	[tilespmem:v24+s18+$0x0] =	vst.idx.msk $0xffff, v20  }
0x2a2: {  	v23 =	vor.u32 v28, v7;
	[tilespmem:v56+s18+$0x0] =	vst.idx.msk $0xffff, v11  }
0x2a3: {  	v24 =	vor.u32 v28, v13;
	v49 =	vor.u32 v26, v2;
	[tilespmem:v48+s18+$0x0] =	vst.idx.msk $0xffff, v6;
	v8 =	vld.idx.msk [tilespmem:v33+s14+$0x0], $0xffff  }
0x2a4: {  	v22 =	vor.u32 v26, v4;
	v56 =	vor.u32 v28, v46;
	v28 =	vld [tilespmem:$0x1FDA0];
	[tilespmem:v21+s18+$0x0] =	vst.idx.msk $0xffff, v18  }
0x2a5: {  	v20 =	vor.u32 v26, v9;
	v10 =	vor.u32 v26, v12;
	v33 =	vor.u32 v26, v47;
	v26 =	vld [tilespmem:$0x1FE40]  }
0x2a6: {  	v14 =	vld.idx.msk [tilespmem:v14+s14+$0x0], $0xffff  }
0x2a7: {  	v19 =	vld.idx.msk [tilespmem:v51+s14+$0x0], $0xffff  }
0x2a8: {  	v51 =	vld.idx.msk [tilespmem:v32+s14+$0x0], $0xffff  }
0x2a9: {  	v32 =	vor.u32 v28, v0  }
0x2aa: {  	v16 =	vld.idx.msk [tilespmem:v49+s14+$0x0], $0xffff;
	v21 =	vor.u32 v28, v1;
	v48 =	vor.u32 v26, v3  }
0x2ab: {  	[tilespmem:v23+s18+$0x0] =	vst.idx.msk $0xffff, v14;
	v22 =	vld.idx.msk [tilespmem:v22+s14+$0x0], $0xffff;
	v23 =	vor.u32 v28, v5;
	v14 =	vor.u32 v26, v2  }
0x2ac: {  	[tilespmem:v24+s18+$0x0] =	vst.idx.msk $0xffff, v19;
	v20 =	vld.idx.msk [tilespmem:v20+s14+$0x0], $0xffff;
	v24 =	vor.u32 v28, v7;
	v19 =	vor.u32 v26, v4  }
0x2ad: {  	v10 =	vld.idx.msk [tilespmem:v10+s14+$0x0], $0xffff;
	[tilespmem:v56+s18+$0x0] =	vst.idx.msk $0xffff, v51;
	v51 =	vor.u32 v28, v13;
	v49 =	vor.u32 v26, v9  }
0x2ae: {  	v56 =	vor.u32 v26, v12;
	[tilespmem:v32+s18+$0x0] =	vst.idx.msk $0xffff, v8;
	v32 =	vld.idx.msk [tilespmem:v33+s14+$0x0], $0xffff;
	v33 =	vor.u32 v28, v46  }
0x2af: {  	[tilespmem:v21+s18+$0x0] =	vst.idx.msk $0xffff, v16;
	v21 =	vor.u32 v26, v47;
	v18 =	vld.idx.msk [tilespmem:v48+s14+$0x0], $0xffff;
	v48 =	vor.u32 v36, v0  }
0x2b0: {  	[tilespmem:v23+s18+$0x0] =	vst.idx.msk $0xffff, v22;
	v22 =	vor.u32 v35, v3;
	v23 =	vor.u32 v36, v1;
	v14 =	vld.idx.msk [tilespmem:v14+s14+$0x0], $0xffff  }
0x2b1: {  	[tilespmem:v24+s18+$0x0] =	vst.idx.msk $0xffff, v20;
	v20 =	vor.u32 v35, v2;
	v24 =	vor.u32 v36, v5;
	v19 =	vld.idx.msk [tilespmem:v19+s14+$0x0], $0xffff  }
0x2b2: {  	[tilespmem:v51+s18+$0x0] =	vst.idx.msk $0xffff, v10;
	v10 =	vor.u32 v35, v4;
	v11 =	vld.idx.msk [tilespmem:v49+s14+$0x0], $0xffff;
	v49 =	vor.u32 v36, v7  }
0x2b3: {  	v51 =	vor.u32 v35, v9;
	v6 =	vld.idx.msk [tilespmem:v56+s14+$0x0], $0xffff;
	v56 =	vor.u32 v36, v13;
	[tilespmem:v33+s18+$0x0] =	vst.idx.msk $0xffff, v32  }
0x2b4: {  	v16 =	vor.u32 v35, v12;
	[tilespmem:v48+s18+$0x0] =	vst.idx.msk $0xffff, v18;
	v32 =	vld.idx.msk [tilespmem:v21+s14+$0x0], $0xffff;
	v21 =	vor.u32 v36, v46  }
0x2b5: {  	v33 =	vor.u32 v31, v0;
	[tilespmem:v23+s18+$0x0] =	vst.idx.msk $0xffff, v14;
	v23 =	vor.u32 v35, v47;
	v22 =	vld.idx.msk [tilespmem:v22+s14+$0x0], $0xffff  }
0x2b6: {  	[tilespmem:v24+s18+$0x0] =	vst.idx.msk $0xffff, v19;
	v35 =	vor.u32 v37, v3;
	v24 =	vor.u32 v31, v1;
	v20 =	vld.idx.msk [tilespmem:v20+s14+$0x0], $0xffff  }
0x2b7: {  	[tilespmem:v49+s18+$0x0] =	vst.idx.msk $0xffff, v11;
	v36 =	vor.u32 v37, v2;
	v48 =	vor.u32 v31, v5;
	v10 =	vld.idx.msk [tilespmem:v10+s14+$0x0], $0xffff  }
0x2b8: {  	[tilespmem:v56+s18+$0x0] =	vst.idx.msk $0xffff, v6;
	v49 =	vor.u32 v37, v4;
	v8 =	vld.idx.msk [tilespmem:v51+s14+$0x0], $0xffff;
	v51 =	vor.u32 v31, v7  }
0x2b9: {  	v56 =	vor.u32 v37, v9;
	v16 =	vld.idx.msk [tilespmem:v16+s14+$0x0], $0xffff;
	[tilespmem:v21+s18+$0x0] =	vst.idx.msk $0xffff, v32;
	v21 =	vor.u32 v31, v13  }
0x2ba: {  	v32 =	vor.u32 v37, v12;
	[tilespmem:v33+s18+$0x0] =	vst.idx.msk $0xffff, v22;
	v22 =	vld.idx.msk [tilespmem:v23+s14+$0x0], $0xffff;
	v23 =	vor.u32 v31, v46  }
0x2bb: {  	[tilespmem:v24+s18+$0x0] =	vst.idx.msk $0xffff, v20;
	v20 =	vor.u32 v29, v0;
	v24 =	vor.u32 v37, v47;
	v19 =	vld.idx.msk [tilespmem:v35+s14+$0x0], $0xffff  }
0x2bc: {  	[tilespmem:v48+s18+$0x0] =	vst.idx.msk $0xffff, v10;
	v33 =	vor.u32 v63, v3;
	v10 =	vld.idx.msk [tilespmem:v36+s14+$0x0], $0xffff;
	v35 =	vor.u32 v29, v1  }
0x2bd: {  	v2 =	vor.u32 v63, v2;
	[tilespmem:v51+s18+$0x0] =	vst.idx.msk $0xffff, v8;
	v6 =	vld.idx.msk [tilespmem:v49+s14+$0x0], $0xffff;
	v36 =	vor.u32 v29, v5  }
0x2be: {  	v4 =	vor.u32 v63, v4;
	v37 =	vor.u32 v29, v7;
	v15 =	vld.idx.msk [tilespmem:v56+s14+$0x0], $0xffff;
	[tilespmem:v21+s18+$0x0] =	vst.idx.msk $0xffff, v16  }
0x2bf: {  	v48 =	vor.u32 v63, v9;
	v49 =	vor.u32 v29, v13;
	[tilespmem:v23+s18+$0x0] =	vst.idx.msk $0xffff, v22;
	v14 =	vld.idx.msk [tilespmem:v32+s14+$0x0], $0xffff  }
0x2c0: {  	v56 =	vor.u32 v63, v12;
	v32 =	vor.u32 v29, v46;
	[tilespmem:v20+s18+$0x0] =	vst.idx.msk $0xffff, v19;
	v51 =	vld.idx.msk [tilespmem:v24+s14+$0x0], $0xffff  }
0x2c1: {  	[tilespmem:v35+s18+$0x0] =	vst.idx.msk $0xffff, v10;
	v35 =	vor.u32 v63, v47;
	v3 =	vld.idx.msk [tilespmem:v33+s14+$0x0], $0xffff;
	v33 =	vor.u32 v27, v0  }
0x2c2: {  	[tilespmem:v36+s18+$0x0] =	vst.idx.msk $0xffff, v6;
	v36 =	vor.u32 v27, v1;
	v2 =	vld.idx.msk [tilespmem:v2+s14+$0x0], $0xffff  }
0x2c3: {  	[tilespmem:v37+s18+$0x0] =	vst.idx.msk $0xffff, v15;
	v37 =	vor.u32 v27, v5;
	v4 =	vld.idx.msk [tilespmem:v4+s14+$0x0], $0xffff  }
0x2c4: {  	v47 =	vld.idx.msk [tilespmem:v48+s14+$0x0], $0xffff;
	v48 =	vor.u32 v27, v7;
	[tilespmem:v49+s18+$0x0] =	vst.idx.msk $0xffff, v14  }
0x2c5: {  	[tilespmem:v32+s18+$0x0] =	vst.idx.msk $0xffff, v51;
	v49 =	vld.idx.msk [tilespmem:v56+s14+$0x0], $0xffff;
	v51 =	vor.u32 v27, v13  }
0x2c6: {  	v63 =	vor.u32 v27, v46;
	[tilespmem:v33+s18+$0x0] =	vst.idx.msk $0xffff, v3;
	v56 =	vld.idx.msk [tilespmem:v35+s14+$0x0], $0xffff  }
0x2c7: {  	[tilespmem:v36+s18+$0x0] =	vst.idx.msk $0xffff, v2  }
0x2c8: {  	[tilespmem:v37+s18+$0x0] =	vst.idx.msk $0xffff, v4  }
0x2c9: {  	s3 =	sshll.u32 s25, $0x11;
	[tilespmem:v48+s18+$0x0] =	vst.idx.msk $0xffff, v47  }
0x2ca: {  	s28 =	sor.u32 s6, s3;
	s3 =	rddreg [dreg:$0x2];
	[tilespmem:v51+s18+$0x0] =	vst.idx.msk $0xffff, v49  }
0x2cb: {  	s0 =	sadd.s32 s3, s28;
	[tilespmem:v63+s18+$0x0] =	vst.idx.msk $0xffff, v56  }
0x2cc: {  	[hbm4b:s0+s4] =	stream.linear.scatter [tilespmem:s18], [sflag:$0x5], $0x1000, $0x38;
	[tilespmem:$0x10400] =	vst v63  }
0x2cd: {  	p1 =	sne.s32 s25, $0x63;
	s3 =	simm.s32 $0x9400;
	s0 =	sadd.s32 s28, s19  }
0x2ce: {  	[hbm4b:s0+s4] =	stream.linear.scatter [tilespmem:s3], [sflag:$0x5], $0x1000, $0x38;
	[tilespmem:$0x10400] =	vst v63  }
.Ltmp3:
0x2cf: {  	_ = 	snop;
	(pc) =	sbr.rel @p1 .LBB2_6-.Ltmp3, $4  }
0x2d0: {  	s0 =	sadd.s32 s28, s20;
	s3 =	simm.s32 $0xA400  }
0x2d1: {  	v35 =	vld [tilespmem:$0x1FF50];
	[hbm4b:s0+s4] =	stream.linear.scatter [tilespmem:s3], [sflag:$0x5], $0x1000, $0x38  }
0x2d2: {  	v28 =	vmovc v53;
	v21 =	vmovc v58;
	v29 =	vmov v62;
	v22 =	vmov v52;
	v23 =	vmov v45;
	v31 =	vld [tilespmem:$0x1FF60];
	s0 =	sadd.s32 s28, s21;
	s3 =	simm.s32 $0xB400  }
0x2d3: {  	v45 =	vmovc v34;
	v46 =	vmovc v60;
	v27 =	vmov v38;
	v47 =	vmov v57;
	v49 =	vmov v59;
	v24 =	vld [tilespmem:$0x1FF70];
	[hbm4b:s0+s4] =	stream.linear.scatter [tilespmem:s3], [sflag:$0x5], $0x1000, $0x38  }
.Ltmp4:
0x2d4: {  	(pc) =	sbr.rel .LBB2_7-.Ltmp4, $4  }
0x2d5: {  	_ = 	snop  }
0x2d6: {  	_ =	swait.ge [sflag:s29], $0x4000  }
0x2d7: {  	[sflag:s29] =	ssyncset.done $0x0  }
0x2d8: {  	[sflag:s29] =	ssyncadd.s32 $0xFFFFC000  }
.LBB2_6:
0x2d9: {  	s0 =	sadd.s32 $0x20, s7  }
0x2da: {  	s3 =	sand.u32 $0x1F80, s0  }
0x2db: {  	s3 =	sor.u32 s8, s3  }
0x2dc: {  	s0 =	sand.u32 $0x60, s0;
	s3 =	sshll.u32 s3, $0x7  }
0x2dd: {  	s0 =	sor.u32 s0, s3  }
0x2de: {  	s3 =	sadd.s32 s1, s0  }
0x2df: {  	[tilespmem:s4], [sflag:$0x1] =	stream.linear.gather [hbm4b:s3+s4], $0x80, $0x38;
	[tilespmem:$0x10400] =	vst v63  }
0x2e0: {  	s12 =	simm.s32 $0x80;
	s3 =	sadd.s32 s0, s9  }
0x2e1: {  	[tilespmem:s12], [sflag:$0x1] =	stream.linear.gather [hbm4b:s3+s4], $0x80, $0x38;
	[tilespmem:$0x10400] =	vst v63  }
0x2e2: {  	s3 =	sadd.s32 s0, s10;
	s12 =	simm.s32 $0x100  }
0x2e3: {  	[tilespmem:s12], [sflag:$0x1] =	stream.linear.gather [hbm4b:s3+s4], $0x80, $0x38;
	[tilespmem:$0x10400] =	vst v63  }
0x2e4: {  	s0 =	sadd.s32 s0, s11;
	s3 =	simm.s32 $0x180  }
0x2e5: {  	[tilespmem:s3], [sflag:$0x1] =	stream.linear.gather [hbm4b:s0+s4], $0x80, $0x38;
	[tilespmem:$0x10400] =	vst v63  }
0x2e6: {  	_ =	swait.ge [sflag:s29], $0x4000  }
0x2e7: {  	[sflag:s29] =	ssyncset.done $0x0  }
.Ltmp5:
0x2e8: {  	[sflag:s29] =	ssyncadd.s32 $0xFFFFC000;
	(pc) =	sbr.rel @p0 .LBB2_8-.Ltmp5, $4  }
0x2e9: {  	_ =	swait.ge [sflag:s13], $0x200  }
0x2ea: {  	[sflag:s13] =	ssyncset.done $0x0  }
0x2eb: {  	s12 =	simm.s32 $0x280;
	[sflag:s13] =	ssyncadd.s32 $0xFFFFFE00  }
0x2ec: {  	[tilespmem:s14], [sflag:$0x3] =	stream.indirect.gather [hbm4b:s5+s31], $0x20, s4, s31, $0xb8;
	[tilespmem:$0x10400] =	vst v63  }
.LBB2_7:
0x2ed: {  	_ =	swait.ge [sflag:s30], $0x4000  }
0x2ee: {  	[sflag:s30] =	ssyncset.done $0x0  }
0x2ef: {  	[sflag:s30] =	ssyncadd.s32 $0xFFFFC000  }
.LBB2_8:
0x2f0: {  	s0 =	simm.s32 $0x0  }
0x2f1: {  	s3 =	simm.s32 $0x1;
	v0 =	vadd.s32 s0, v41  }
0x2f2: {  	v1 =	vadd.s32 s3, v41;
	v10 =	vand.u32 $0x1F, v0  }
0x2f3: {  	v8 =	vand.u32 $0x1F, v1;
	v2 =	vor.u32 v42, v10  }
0x2f4: {  	v4 =	vor.u32 v42, v8  }
0x2f5: {  	v3 =	vshll.u32 v0, $0x9;
	v0 =	vshll.u32 v0, $0x7;
	v5 =	vshll.u32 v1, $0x9  }
0x2f6: {  	v1 =	vshll.u32 v1, $0x7;
	v3 =	vand.u32 $0x3000, v3;
	v0 =	vand.u32 $0x380, v0  }
0x2f7: {  	v1 =	vand.u32 $0x380, v1;
	v11 =	vor.u32 v0, v3;
	v0 =	vand.u32 $0x3000, v5  }
0x2f8: {  	v3 =	vor.u32 v41, v11;
	v6 =	vor.u32 v1, v0;
	v2 =	vld.idx.msk [tilespmem:v2+s17+$0x0], $0xffff  }
0x2f9: {  	v1 =	vld.idx.msk [tilespmem:v4+s17+$0x0], $0xffff;
	v4 =	vor.u32 v41, v6;
	_ =	sdelay $0x3  }
0x2fa: {  	[tilespmem:v3+s2+$0x0] =	vst.idx.msk $0xffff, v2  }
0x2fb: {  	v0 =	vor.u32 v40, v10;
	v56 =	vld [tilespmem:$0x1FCF0];
	[tilespmem:v4+s2+$0x0] =	vst.idx.msk $0xffff, v1  }
0x2fc: {  	v5 =	vor.u32 v40, v8;
	v58 =	vld [tilespmem:$0x1FC60];
	_ =	sdelay $0x3  }
0x2fd: {  	v0 =	vld.idx.msk [tilespmem:v0+s17+$0x0], $0xffff;
	v2 =	vor.u32 v56, v11  }
0x2fe: {  	v3 =	vld.idx.msk [tilespmem:v5+s17+$0x0], $0xffff;
	v4 =	vor.u32 v56, v6;
	v1 =	vor.u32 v58, v10  }
0x2ff: {  	v5 =	vor.u32 v58, v8;
	_ =	sdelay $0x2  }
0x300: {  	[tilespmem:v2+s2+$0x0] =	vst.idx.msk $0xffff, v0  }
0x301: {  	v0 =	vor.u32 v39, v11;
	[tilespmem:v4+s2+$0x0] =	vst.idx.msk $0xffff, v3;
	v1 =	vld.idx.msk [tilespmem:v1+s17+$0x0], $0xffff  }
0x302: {  	v4 =	vor.u32 v39, v6;
	v2 =	vld.idx.msk [tilespmem:v5+s17+$0x0], $0xffff;
	_ =	sdelay $0x3  }
0x303: {  	[tilespmem:v0+s2+$0x0] =	vst.idx.msk $0xffff, v1  }
0x304: {  	[tilespmem:v4+s2+$0x0] =	vst.idx.msk $0xffff, v2  }
0x305: {  	v3 =	vor.u32 v44, v10;
	v33 =	vld [tilespmem:$0x1FD00]  }
0x306: {  	v5 =	vor.u32 v44, v8;
	_ =	sdelay $0x3  }
0x307: {  	v0 =	vld.idx.msk [tilespmem:v3+s17+$0x0], $0xffff;
	v1 =	vor.u32 v33, v11  }
0x308: {  	v2 =	vld.idx.msk [tilespmem:v5+s17+$0x0], $0xffff;
	v4 =	vor.u32 v33, v6  }
0x309: {  	v59 =	vld [tilespmem:$0x1FE20];
	_ =	sdelay $0x2  }
0x30a: {  	[tilespmem:v1+s2+$0x0] =	vst.idx.msk $0xffff, v0  }
0x30b: {  	[tilespmem:v4+s2+$0x0] =	vst.idx.msk $0xffff, v2  }
0x30c: {  	v3 =	vor.u32 v59, v10;
	v34 =	vld [tilespmem:$0x1FD10]  }
0x30d: {  	v5 =	vor.u32 v59, v8;
	_ =	sdelay $0x3  }
0x30e: {  	v0 =	vld.idx.msk [tilespmem:v3+s17+$0x0], $0xffff;
	v1 =	vor.u32 v34, v11  }
0x30f: {  	v2 =	vld.idx.msk [tilespmem:v5+s17+$0x0], $0xffff;
	v4 =	vor.u32 v34, v6  }
0x310: {  	v37 =	vld [tilespmem:$0x1FC30];
	_ =	sdelay $0x2  }
0x311: {  	[tilespmem:v1+s2+$0x0] =	vst.idx.msk $0xffff, v0  }
0x312: {  	[tilespmem:v4+s2+$0x0] =	vst.idx.msk $0xffff, v2  }
0x313: {  	v3 =	vor.u32 v37, v10;
	v62 =	vld [tilespmem:$0x1FE50]  }
0x314: {  	v5 =	vor.u32 v37, v8;
	_ =	sdelay $0x3  }
0x315: {  	v0 =	vld.idx.msk [tilespmem:v3+s17+$0x0], $0xffff;
	v1 =	vor.u32 v62, v11  }
0x316: {  	v2 =	vld.idx.msk [tilespmem:v5+s17+$0x0], $0xffff;
	v4 =	vor.u32 v62, v6  }
0x317: {  	v57 =	vld [tilespmem:$0x1FC40];
	_ =	sdelay $0x2  }
0x318: {  	[tilespmem:v1+s2+$0x0] =	vst.idx.msk $0xffff, v0  }
0x319: {  	[tilespmem:v4+s2+$0x0] =	vst.idx.msk $0xffff, v2  }
0x31a: {  	v3 =	vor.u32 v57, v10;
	v52 =	vld [tilespmem:$0x1FE90]  }
0x31b: {  	v5 =	vor.u32 v57, v8;
	_ =	sdelay $0x3  }
0x31c: {  	v0 =	vld.idx.msk [tilespmem:v3+s17+$0x0], $0xffff;
	v1 =	vor.u32 v52, v11  }
0x31d: {  	v2 =	vld.idx.msk [tilespmem:v5+s17+$0x0], $0xffff;
	v4 =	vor.u32 v52, v6  }
0x31e: {  	v36 =	vld [tilespmem:$0x1FC70];
	_ =	sdelay $0x2  }
0x31f: {  	[tilespmem:v1+s2+$0x0] =	vst.idx.msk $0xffff, v0  }
0x320: {  	[tilespmem:v4+s2+$0x0] =	vst.idx.msk $0xffff, v2  }
0x321: {  	v3 =	vor.u32 v36, v10;
	v60 =	vld [tilespmem:$0x1FC80]  }
0x322: {  	v5 =	vor.u32 v36, v8;
	_ =	sdelay $0x3  }
0x323: {  	v0 =	vld.idx.msk [tilespmem:v3+s17+$0x0], $0xffff;
	v1 =	vor.u32 v60, v11  }
0x324: {  	v2 =	vld.idx.msk [tilespmem:v5+s17+$0x0], $0xffff;
	v4 =	vor.u32 v60, v6  }
0x325: {  	v48 =	vld [tilespmem:$0x1FC90];
	_ =	sdelay $0x2  }
0x326: {  	[tilespmem:v1+s2+$0x0] =	vst.idx.msk $0xffff, v0  }
0x327: {  	[tilespmem:v4+s2+$0x0] =	vst.idx.msk $0xffff, v2  }
0x328: {  	v3 =	vor.u32 v48, v10;
	v53 =	vld [tilespmem:$0x1FCA0]  }
0x329: {  	v5 =	vor.u32 v48, v8;
	_ =	sdelay $0x3  }
0x32a: {  	v0 =	vld.idx.msk [tilespmem:v3+s17+$0x0], $0xffff;
	v1 =	vor.u32 v53, v11  }
0x32b: {  	v4 =	vld.idx.msk [tilespmem:v5+s17+$0x0], $0xffff;
	v7 =	vor.u32 v53, v6  }
0x32c: {  	v63 =	vld [tilespmem:$0x1FCB0];
	_ =	sdelay $0x2  }
0x32d: {  	[tilespmem:v1+s2+$0x0] =	vst.idx.msk $0xffff, v0  }
0x32e: {  	[tilespmem:v7+s2+$0x0] =	vst.idx.msk $0xffff, v4  }
0x32f: {  	v5 =	vor.u32 v63, v10;
	v26 =	vld [tilespmem:$0x1FCC0]  }
0x330: {  	v9 =	vor.u32 v63, v8;
	_ =	sdelay $0x3  }
0x331: {  	v5 =	vld.idx.msk [tilespmem:v5+s17+$0x0], $0xffff;
	v7 =	vor.u32 v26, v11  }
0x332: {  	v9 =	vld.idx.msk [tilespmem:v9+s17+$0x0], $0xffff;
	v16 =	vor.u32 v26, v6  }
0x333: {  	s3 =	simm.s32 $0x2;
	v30 =	vld [tilespmem:$0x1FCD0]  }
0x334: {  	v2 =	vadd.s32 s3, v41;
	s3 =	simm.s32 $0x3  }
0x335: {  	v3 =	vand.u32 $0x1F, v2;
	v12 =	vshll.u32 v2, $0x9;
	v14 =	vadd.s32 s3, v41  }
0x336: {  	v15 =	vshll.u32 v2, $0x7;
	v13 =	vor.u32 v42, v3;
	v2 =	vand.u32 $0x1F, v14;
	[tilespmem:v7+s2+$0x0] =	vst.idx.msk $0xffff, v5  }
0x337: {  	v4 =	vor.u32 v42, v2;
	[tilespmem:v16+s2+$0x0] =	vst.idx.msk $0xffff, v9  }
0x338: {  	v12 =	vand.u32 $0x3000, v12;
	v0 =	vand.u32 $0x380, v15;
	v15 =	vor.u32 v30, v10;
	v51 =	vld [tilespmem:$0x1FCE0]  }
0x339: {  	v1 =	vshll.u32 v14, $0x9;
	v14 =	vshll.u32 v14, $0x7;
	v17 =	vor.u32 v30, v8  }
0x33a: {  	v0 =	vor.u32 v0, v12;
	v1 =	vand.u32 $0x3000, v1;
	v12 =	vand.u32 $0x380, v14  }
0x33b: {  	v13 =	vld.idx.msk [tilespmem:v13+s17+$0x0], $0xffff;
	v14 =	vor.u32 v41, v0;
	v1 =	vor.u32 v12, v1  }
0x33c: {  	v12 =	vor.u32 v40, v3;
	v4 =	vld.idx.msk [tilespmem:v4+s17+$0x0], $0xffff;
	v5 =	vor.u32 v41, v1  }
0x33d: {  	v9 =	vor.u32 v40, v2;
	v7 =	vld.idx.msk [tilespmem:v15+s17+$0x0], $0xffff;
	v15 =	vor.u32 v51, v11  }
0x33e: {  	v16 =	vld.idx.msk [tilespmem:v17+s17+$0x0], $0xffff;
	v17 =	vor.u32 v49, v10;
	v18 =	vor.u32 v51, v6  }
0x33f: {  	v19 =	vor.u32 v49, v8  }
0x340: {  	[tilespmem:v14+s2+$0x0] =	vst.idx.msk $0xffff, v13  }
0x341: {  	v13 =	vor.u32 v56, v0;
	v12 =	vld.idx.msk [tilespmem:v12+s17+$0x0], $0xffff;
	[tilespmem:v5+s2+$0x0] =	vst.idx.msk $0xffff, v4  }
0x342: {  	v4 =	vor.u32 v58, v3;
	v5 =	vld.idx.msk [tilespmem:v9+s17+$0x0], $0xffff;
	[tilespmem:v15+s2+$0x0] =	vst.idx.msk $0xffff, v7;
	v7 =	vor.u32 v56, v1  }
0x343: {  	v14 =	vor.u32 v58, v2;
	[tilespmem:v18+s2+$0x0] =	vst.idx.msk $0xffff, v16;
	v15 =	vor.u32 v29, v11;
	v9 =	vld.idx.msk [tilespmem:v17+s17+$0x0], $0xffff  }
0x344: {  	v18 =	vor.u32 v29, v6;
	v16 =	vld.idx.msk [tilespmem:v19+s17+$0x0], $0xffff;
	v17 =	vor.u32 v35, v10  }
0x345: {  	v19 =	vor.u32 v35, v8  }
0x346: {  	[tilespmem:v13+s2+$0x0] =	vst.idx.msk $0xffff, v12  }
0x347: {  	v12 =	vor.u32 v39, v0;
	v4 =	vld.idx.msk [tilespmem:v4+s17+$0x0], $0xffff;
	[tilespmem:v7+s2+$0x0] =	vst.idx.msk $0xffff, v5  }
0x348: {  	v7 =	vor.u32 v44, v3;
	v5 =	vld.idx.msk [tilespmem:v14+s17+$0x0], $0xffff;
	[tilespmem:v15+s2+$0x0] =	vst.idx.msk $0xffff, v9;
	v9 =	vor.u32 v39, v1  }
0x349: {  	[tilespmem:v18+s2+$0x0] =	vst.idx.msk $0xffff, v16;
	v14 =	vor.u32 v44, v2;
	v15 =	vor.u32 v31, v11;
	v13 =	vld.idx.msk [tilespmem:v17+s17+$0x0], $0xffff  }
0x34a: {  	v18 =	vor.u32 v31, v6;
	v16 =	vld.idx.msk [tilespmem:v19+s17+$0x0], $0xffff;
	v17 =	vor.u32 v24, v10  }
0x34b: {  	v19 =	vor.u32 v24, v8  }
0x34c: {  	[tilespmem:v12+s2+$0x0] =	vst.idx.msk $0xffff, v4  }
0x34d: {  	v4 =	vld.idx.msk [tilespmem:v7+s17+$0x0], $0xffff;
	[tilespmem:v9+s2+$0x0] =	vst.idx.msk $0xffff, v5;
	v5 =	vor.u32 v33, v0  }
0x34e: {  	v12 =	vor.u32 v33, v1;
	v9 =	vor.u32 v59, v3;
	v7 =	vld.idx.msk [tilespmem:v14+s17+$0x0], $0xffff;
	[tilespmem:v15+s2+$0x0] =	vst.idx.msk $0xffff, v13  }
0x34f: {  	[tilespmem:v18+s2+$0x0] =	vst.idx.msk $0xffff, v16;
	v14 =	vor.u32 v59, v2;
	v15 =	vor.u32 v28, v11;
	v13 =	vld.idx.msk [tilespmem:v17+s17+$0x0], $0xffff  }
0x350: {  	v18 =	vor.u32 v28, v6;
	v16 =	vld.idx.msk [tilespmem:v19+s17+$0x0], $0xffff;
	v17 =	vor.u32 v22, v10  }
0x351: {  	v19 =	vor.u32 v22, v8  }
0x352: {  	[tilespmem:v5+s2+$0x0] =	vst.idx.msk $0xffff, v4  }
0x353: {  	v5 =	vor.u32 v34, v0;
	v4 =	vld.idx.msk [tilespmem:v9+s17+$0x0], $0xffff;
	[tilespmem:v12+s2+$0x0] =	vst.idx.msk $0xffff, v7  }
0x354: {  	v12 =	vor.u32 v34, v1;
	v7 =	vld.idx.msk [tilespmem:v14+s17+$0x0], $0xffff;
	[tilespmem:v15+s2+$0x0] =	vst.idx.msk $0xffff, v13  }
0x355: {  	[tilespmem:v18+s2+$0x0] =	vst.idx.msk $0xffff, v16;
	v15 =	vor.u32 v23, v11;
	v13 =	vld.idx.msk [tilespmem:v17+s17+$0x0], $0xffff  }
0x356: {  	v18 =	vor.u32 v23, v6;
	v16 =	vld.idx.msk [tilespmem:v19+s17+$0x0], $0xffff;
	_ =	sdelay $0x1  }
0x357: {  	[tilespmem:v5+s2+$0x0] =	vst.idx.msk $0xffff, v4  }
0x358: {  	[tilespmem:v12+s2+$0x0] =	vst.idx.msk $0xffff, v7  }
0x359: {  	v9 =	vor.u32 v37, v3;
	[tilespmem:v15+s2+$0x0] =	vst.idx.msk $0xffff, v13  }
0x35a: {  	v14 =	vor.u32 v37, v2;
	[tilespmem:v18+s2+$0x0] =	vst.idx.msk $0xffff, v16  }
0x35b: {  	v17 =	vor.u32 v21, v10;
	v38 =	vld [tilespmem:$0x1FF00]  }
0x35c: {  	v19 =	vor.u32 v21, v8;
	_ =	sdelay $0x1  }
0x35d: {  	v5 =	vor.u32 v62, v0;
	v4 =	vld.idx.msk [tilespmem:v9+s17+$0x0], $0xffff  }
0x35e: {  	v12 =	vor.u32 v62, v1;
	v7 =	vld.idx.msk [tilespmem:v14+s17+$0x0], $0xffff  }
0x35f: {  	v13 =	vld.idx.msk [tilespmem:v17+s17+$0x0], $0xffff;
	v15 =	vor.u32 v38, v11  }
0x360: {  	v16 =	vld.idx.msk [tilespmem:v19+s17+$0x0], $0xffff;
	v18 =	vor.u32 v38, v6;
	_ =	sdelay $0x1  }
0x361: {  	[tilespmem:v5+s2+$0x0] =	vst.idx.msk $0xffff, v4  }
0x362: {  	[tilespmem:v12+s2+$0x0] =	vst.idx.msk $0xffff, v7  }
0x363: {  	v9 =	vor.u32 v57, v3;
	[tilespmem:v15+s2+$0x0] =	vst.idx.msk $0xffff, v13  }
0x364: {  	v14 =	vor.u32 v57, v2;
	[tilespmem:v18+s2+$0x0] =	vst.idx.msk $0xffff, v16  }
0x365: {  	v17 =	vor.u32 v61, v10;
	v37 =	vld [tilespmem:$0x1FF20]  }
0x366: {  	v19 =	vor.u32 v61, v8;
	_ =	sdelay $0x1  }
0x367: {  	v5 =	vor.u32 v52, v0;
	v4 =	vld.idx.msk [tilespmem:v9+s17+$0x0], $0xffff  }
0x368: {  	v9 =	vor.u32 v36, v3;
	v12 =	vor.u32 v52, v1;
	v7 =	vld.idx.msk [tilespmem:v14+s17+$0x0], $0xffff  }
0x369: {  	v14 =	vor.u32 v36, v2;
	v13 =	vld.idx.msk [tilespmem:v17+s17+$0x0], $0xffff;
	v15 =	vor.u32 v37, v11  }
0x36a: {  	v16 =	vor.u32 v43, v10;
	v17 =	vld.idx.msk [tilespmem:v19+s17+$0x0], $0xffff;
	v18 =	vor.u32 v37, v6  }
0x36b: {  	v19 =	vor.u32 v43, v8  }
0x36c: {  	[tilespmem:v5+s2+$0x0] =	vst.idx.msk $0xffff, v4  }
0x36d: {  	[tilespmem:v12+s2+$0x0] =	vst.idx.msk $0xffff, v7;
	v7 =	vor.u32 v60, v0;
	v5 =	vld.idx.msk [tilespmem:v9+s17+$0x0], $0xffff  }
0x36e: {  	v12 =	vor.u32 v48, v3;
	v9 =	vld.idx.msk [tilespmem:v14+s17+$0x0], $0xffff;
	[tilespmem:v15+s2+$0x0] =	vst.idx.msk $0xffff, v13;
	v13 =	vor.u32 v60, v1  }
0x36f: {  	[tilespmem:v18+s2+$0x0] =	vst.idx.msk $0xffff, v17;
	v15 =	vor.u32 v48, v2;
	v14 =	vld.idx.msk [tilespmem:v16+s17+$0x0], $0xffff;
	v16 =	vor.u32 v46, v11  }
0x370: {  	v20 =	vor.u32 v46, v6;
	v18 =	vld.idx.msk [tilespmem:v19+s17+$0x0], $0xffff;
	v19 =	vor.u32 v47, v10  }
0x371: {  	s3 =	simm.s32 $0x4;
	v43 =	vmov v22;
	v22 =	vor.u32 v47, v8;
	v29 =	vld [tilespmem:$0x1FC50]  }
0x372: {  	v17 =	vadd.s32 s3, v41;
	[tilespmem:v7+s2+$0x0] =	vst.idx.msk $0xffff, v5  }
0x373: {  	v21 =	vshll.u32 v17, $0x9;
	v12 =	vld.idx.msk [tilespmem:v12+s17+$0x0], $0xffff;
	[tilespmem:v13+s2+$0x0] =	vst.idx.msk $0xffff, v9;
	v9 =	vor.u32 v53, v0  }
0x374: {  	v13 =	vld.idx.msk [tilespmem:v15+s17+$0x0], $0xffff;
	[tilespmem:v16+s2+$0x0] =	vst.idx.msk $0xffff, v14;
	v14 =	vor.u32 v63, v3;
	v15 =	vor.u32 v53, v1  }
0x375: {  	[tilespmem:v20+s2+$0x0] =	vst.idx.msk $0xffff, v18;
	v18 =	vor.u32 v63, v2;
	v16 =	vld.idx.msk [tilespmem:v19+s17+$0x0], $0xffff;
	v19 =	vor.u32 v27, v11  }
0x376: {  	v32 =	vmovc v24;
	v5 =	vand.u32 $0x3000, v21;
	v21 =	vor.u32 v27, v6;
	v24 =	vor.u32 v29, v10;
	v20 =	vld.idx.msk [tilespmem:v22+s17+$0x0], $0xffff  }
0x377: {  	v22 =	vor.u32 v29, v8  }
0x378: {  	s3 =	simm.s32 $0x5;
	[tilespmem:v9+s2+$0x0] =	vst.idx.msk $0xffff, v12  }
0x379: {  	v4 =	vand.u32 $0x1F, v17;
	v25 =	vadd.s32 s3, v41;
	v12 =	vld.idx.msk [tilespmem:v14+s17+$0x0], $0xffff;
	[tilespmem:v15+s2+$0x0] =	vst.idx.msk $0xffff, v13;
	v14 =	vor.u32 v26, v0  }
0x37a: {  	v7 =	vor.u32 v42, v4;
	v15 =	vld.idx.msk [tilespmem:v18+s17+$0x0], $0xffff;
	[tilespmem:v19+s2+$0x0] =	vst.idx.msk $0xffff, v16;
	v16 =	vor.u32 v26, v1  }
0x37b: {  	v9 =	vand.u32 $0x1F, v25;
	[tilespmem:v21+s2+$0x0] =	vst.idx.msk $0xffff, v20;
	v20 =	vor.u32 v55, v11;
	v19 =	vld.idx.msk [tilespmem:v24+s17+$0x0], $0xffff  }
0x37c: {  	v21 =	vshll.u32 v25, $0x9;
	v24 =	vshll.u32 v25, $0x7;
	v22 =	vld.idx.msk [tilespmem:v22+s17+$0x0], $0xffff;
	v25 =	vor.u32 v55, v6  }
0x37d: {  	v17 =	vshll.u32 v17, $0x7  }
0x37e: {  	v17 =	vand.u32 $0x380, v17;
	v13 =	vor.u32 v42, v9;
	[tilespmem:v14+s2+$0x0] =	vst.idx.msk $0xffff, v12  }
0x37f: {  	v5 =	vor.u32 v17, v5;
	v17 =	vor.u32 v30, v3;
	[tilespmem:v16+s2+$0x0] =	vst.idx.msk $0xffff, v15  }
0x380: {  	v18 =	vor.u32 v30, v2;
	[tilespmem:v20+s2+$0x0] =	vst.idx.msk $0xffff, v19  }
0x381: {  	v23 =	vor.u32 v45, v10;
	v27 =	vor.u32 v41, v5;
	v26 =	vld.idx.msk [tilespmem:v7+s17+$0x0], $0xffff;
	[tilespmem:v25+s2+$0x0] =	vst.idx.msk $0xffff, v22  }
0x382: {  	v21 =	vand.u32 $0x3000, v21;
	v55 =	vmovc v28;
	v28 =	vor.u32 v45, v8;
	v24 =	vand.u32 $0x380, v24;
	v30 =	vld [tilespmem:$0x1FEA0]  }
0x383: {  	v7 =	vor.u32 v24, v21;
	v13 =	vld.idx.msk [tilespmem:v13+s17+$0x0], $0xffff  }
0x384: {  	v12 =	vor.u32 v41, v7;
	v14 =	vld.idx.msk [tilespmem:v17+s17+$0x0], $0xffff  }
0x385: {  	v16 =	vor.u32 v51, v0;
	v17 =	vld.idx.msk [tilespmem:v18+s17+$0x0], $0xffff  }
0x386: {  	v19 =	vor.u32 v51, v1;
	v20 =	vld.idx.msk [tilespmem:v23+s17+$0x0], $0xffff  }
0x387: {  	[tilespmem:v27+s2+$0x0] =	vst.idx.msk $0xffff, v26;
	v24 =	vld.idx.msk [tilespmem:v28+s17+$0x0], $0xffff;
	v23 =	vor.u32 v30, v11  }
0x388: {  	v21 =	vor.u32 v40, v4;
	v31 =	vld [tilespmem:$0x1FEB0];
	v26 =	vor.u32 v30, v6  }
0x389: {  	[tilespmem:v12+s2+$0x0] =	vst.idx.msk $0xffff, v13  }
0x38a: {  	v15 =	vor.u32 v40, v9;
	[tilespmem:v16+s2+$0x0] =	vst.idx.msk $0xffff, v14  }
0x38b: {  	v18 =	vor.u32 v49, v3;
	[tilespmem:v19+s2+$0x0] =	vst.idx.msk $0xffff, v17  }
0x38c: {  	v22 =	vor.u32 v49, v2;
	v28 =	vld [tilespmem:$0x1FF30];
	[tilespmem:v23+s2+$0x0] =	vst.idx.msk $0xffff, v20  }
0x38d: {  	v27 =	vor.u32 v56, v5;
	v21 =	vld.idx.msk [tilespmem:v21+s17+$0x0], $0xffff;
	v25 =	vor.u32 v31, v10;
	[tilespmem:v26+s2+$0x0] =	vst.idx.msk $0xffff, v24  }
0x38e: {  	v20 =	vor.u32 v35, v3;
	v24 =	vor.u32 v35, v2;
	v35 =	vld [tilespmem:$0x1FE80]  }
0x38f: {  	v15 =	vld.idx.msk [tilespmem:v15+s17+$0x0], $0xffff;
	v12 =	vor.u32 v31, v8  }
0x390: {  	v14 =	vor.u32 v56, v7;
	v16 =	vld.idx.msk [tilespmem:v18+s17+$0x0], $0xffff  }
0x391: {  	v19 =	vld.idx.msk [tilespmem:v22+s17+$0x0], $0xffff;
	v18 =	vor.u32 v28, v0  }
0x392: {  	v22 =	vor.u32 v28, v1;
	v23 =	vld.idx.msk [tilespmem:v25+s17+$0x0], $0xffff;
	[tilespmem:v27+s2+$0x0] =	vst.idx.msk $0xffff, v21  }
0x393: {  	v28 =	vld [tilespmem:$0x1FDC0];
	v25 =	vor.u32 v35, v11  }
0x394: {  	v12 =	vld.idx.msk [tilespmem:v12+s17+$0x0], $0xffff;
	v26 =	vor.u32 v35, v6  }
0x395: {  	[tilespmem:v14+s2+$0x0] =	vst.idx.msk $0xffff, v15  }
0x396: {  	v13 =	vor.u32 v58, v4;
	[tilespmem:v18+s2+$0x0] =	vst.idx.msk $0xffff, v16  }
0x397: {  	v17 =	vor.u32 v58, v9;
	[tilespmem:v22+s2+$0x0] =	vst.idx.msk $0xffff, v19  }
0x398: {  	v21 =	vor.u32 v28, v10;
	v14 =	vor.u32 v28, v8;
	v28 =	vld [tilespmem:$0x1FF60];
	[tilespmem:v25+s2+$0x0] =	vst.idx.msk $0xffff, v23  }
0x399: {  	[tilespmem:v26+s2+$0x0] =	vst.idx.msk $0xffff, v12  }
0x39a: {  	v25 =	vld [tilespmem:$0x1FDF0]  }
0x39b: {  	v27 =	vor.u32 v39, v5;
	v13 =	vld.idx.msk [tilespmem:v13+s17+$0x0], $0xffff  }
0x39c: {  	v15 =	vld.idx.msk [tilespmem:v17+s17+$0x0], $0xffff;
	v17 =	vor.u32 v39, v7  }
0x39d: {  	v18 =	vld.idx.msk [tilespmem:v20+s17+$0x0], $0xffff;
	v20 =	vor.u32 v28, v0  }
0x39e: {  	v22 =	vld.idx.msk [tilespmem:v24+s17+$0x0], $0xffff;
	v23 =	vor.u32 v28, v1  }
0x39f: {  	v16 =	vor.u32 v44, v4;
	v21 =	vld.idx.msk [tilespmem:v21+s17+$0x0], $0xffff;
	v12 =	vor.u32 v25, v11  }
0x3a0: {  	[tilespmem:v27+s2+$0x0] =	vst.idx.msk $0xffff, v13;
	v14 =	vld.idx.msk [tilespmem:v14+s17+$0x0], $0xffff;
	v25 =	vor.u32 v25, v6  }
0x3a1: {  	v27 =	vld [tilespmem:$0x1FD90];
	[tilespmem:v17+s2+$0x0] =	vst.idx.msk $0xffff, v15  }
0x3a2: {  	v19 =	vor.u32 v44, v9;
	[tilespmem:v20+s2+$0x0] =	vst.idx.msk $0xffff, v18  }
0x3a3: {  	v24 =	vor.u32 v32, v3;
	[tilespmem:v23+s2+$0x0] =	vst.idx.msk $0xffff, v22  }
0x3a4: {  	v13 =	vor.u32 v32, v2;
	v16 =	vld.idx.msk [tilespmem:v16+s17+$0x0], $0xffff;
	v15 =	vor.u32 v33, v5;
	[tilespmem:v12+s2+$0x0] =	vst.idx.msk $0xffff, v21  }
0x3a5: {  	[tilespmem:v25+s2+$0x0] =	vst.idx.msk $0xffff, v14  }
0x3a6: {  	v20 =	vor.u32 v59, v4;
	v23 =	vor.u32 v59, v9;
	v26 =	vor.u32 v27, v10;
	v59 =	vld [tilespmem:$0x1FFE0]  }
0x3a7: {  	v19 =	vld.idx.msk [tilespmem:v19+s17+$0x0], $0xffff;
	v18 =	vor.u32 v33, v7;
	v17 =	vor.u32 v27, v8  }
0x3a8: {  	v22 =	vld.idx.msk [tilespmem:v24+s17+$0x0], $0xffff;
	v24 =	vor.u32 v55, v0  }
0x3a9: {  	v12 =	vld.idx.msk [tilespmem:v13+s17+$0x0], $0xffff;
	[tilespmem:v15+s2+$0x0] =	vst.idx.msk $0xffff, v16  }
0x3aa: {  	v21 =	vor.u32 v55, v1;
	v15 =	vld [tilespmem:$0x1FD30]  }
0x3ab: {  	v25 =	vld.idx.msk [tilespmem:v26+s17+$0x0], $0xffff;
	v27 =	vor.u32 v59, v11  }
0x3ac: {  	v16 =	vld.idx.msk [tilespmem:v17+s17+$0x0], $0xffff;
	[tilespmem:v18+s2+$0x0] =	vst.idx.msk $0xffff, v19;
	v28 =	vor.u32 v59, v6  }
0x3ad: {  	v55 =	vld [tilespmem:$0x1FE70];
	[tilespmem:v24+s2+$0x0] =	vst.idx.msk $0xffff, v22  }
0x3ae: {  	v39 =	vld [tilespmem:$0x1FC30]  }
0x3af: {  	v17 =	vor.u32 v15, v10;
	v19 =	vor.u32 v15, v8;
	v15 =	vld [tilespmem:$0x1FE60];
	[tilespmem:v21+s2+$0x0] =	vst.idx.msk $0xffff, v12  }
0x3b0: {  	v13 =	vor.u32 v43, v3;
	v26 =	vor.u32 v43, v2;
	v43 =	vld [tilespmem:$0x1FFA0];
	[tilespmem:v27+s2+$0x0] =	vst.idx.msk $0xffff, v25  }
0x3b1: {  	v49 =	vld [tilespmem:$0x1FFB0];
	[tilespmem:v28+s2+$0x0] =	vst.idx.msk $0xffff, v16  }
0x3b2: {  	v33 =	vld [tilespmem:$0x1FE40]  }
0x3b3: {  	v51 =	vld [tilespmem:$0x1FD40]  }
0x3b4: {  	v18 =	vld.idx.msk [tilespmem:v20+s17+$0x0], $0xffff;
	v20 =	vor.u32 v34, v5  }
0x3b5: {  	v23 =	vld.idx.msk [tilespmem:v23+s17+$0x0], $0xffff;
	v22 =	vor.u32 v34, v7  }
0x3b6: {  	v13 =	vld.idx.msk [tilespmem:v13+s17+$0x0], $0xffff;
	v21 =	vor.u32 v43, v0  }
0x3b7: {  	v14 =	vor.u32 v55, v10;
	v26 =	vld.idx.msk [tilespmem:v26+s17+$0x0], $0xffff;
	v27 =	vor.u32 v43, v1;
	v55 =	vor.u32 v33, v10  }
0x3b8: {  	v24 =	vor.u32 v39, v4;
	v17 =	vld.idx.msk [tilespmem:v17+s17+$0x0], $0xffff;
	v28 =	vor.u32 v51, v11;
	[tilespmem:$0x1FC00] =	vst v55  }
0x3b9: {  	v12 =	vor.u32 v39, v9;
	[tilespmem:v20+s2+$0x0] =	vst.idx.msk $0xffff, v18;
	v18 =	vld.idx.msk [tilespmem:v19+s17+$0x0], $0xffff;
	v20 =	vor.u32 v51, v6  }
0x3ba: {  	v34 =	vld [tilespmem:$0x1FD50];
	[tilespmem:v22+s2+$0x0] =	vst.idx.msk $0xffff, v23  }
0x3bb: {  	v51 =	vld [tilespmem:$0x1FE30];
	[tilespmem:v21+s2+$0x0] =	vst.idx.msk $0xffff, v13  }
0x3bc: {  	v25 =	vor.u32 v49, v3;
	v16 =	vor.u32 v49, v2;
	v35 =	vld [tilespmem:$0x1FD70];
	[tilespmem:v27+s2+$0x0] =	vst.idx.msk $0xffff, v26  }
0x3bd: {  	v49 =	vmov v29;
	v29 =	vor.u32 v62, v5;
	v22 =	vld.idx.msk [tilespmem:v24+s17+$0x0], $0xffff;
	[tilespmem:v28+s2+$0x0] =	vst.idx.msk $0xffff, v17  }
0x3be: {  	v31 =	vor.u32 v57, v4;
	v30 =	vld.idx.msk [tilespmem:v12+s17+$0x0], $0xffff;
	v21 =	vor.u32 v62, v7;
	[tilespmem:v20+s2+$0x0] =	vst.idx.msk $0xffff, v18  }
0x3bf: {  	v19 =	vor.u32 v34, v10;
	v43 =	vld [tilespmem:$0x1FD60]  }
0x3c0: {  	v24 =	vor.u32 v34, v8  }
0x3c1: {  	v25 =	vld.idx.msk [tilespmem:v25+s17+$0x0], $0xffff;
	v26 =	vor.u32 v38, v0  }
0x3c2: {  	v17 =	vor.u32 v38, v1;
	v32 =	vld.idx.msk [tilespmem:v16+s17+$0x0], $0xffff;
	[tilespmem:v29+s2+$0x0] =	vst.idx.msk $0xffff, v22  }
0x3c3: {  	[tilespmem:v21+s2+$0x0] =	vst.idx.msk $0xffff, v30;
	v21 =	vld.idx.msk [tilespmem:v31+s17+$0x0], $0xffff;
	v31 =	vor.u32 v52, v5  }
0x3c4: {  	v27 =	vor.u32 v57, v9;
	v19 =	vld.idx.msk [tilespmem:v19+s17+$0x0], $0xffff;
	v18 =	vor.u32 v43, v11  }
0x3c5: {  	v28 =	vor.u32 v61, v3;
	v24 =	vld.idx.msk [tilespmem:v24+s17+$0x0], $0xffff;
	v29 =	vor.u32 v43, v6  }
0x3c6: {  	[tilespmem:v26+s2+$0x0] =	vst.idx.msk $0xffff, v25  }
0x3c7: {  	s3 =	simm.s32 $0x6;
	v55 =	vor.u32 v61, v2;
	v61 =	vld [tilespmem:$0x1FFD0];
	[tilespmem:v17+s2+$0x0] =	vst.idx.msk $0xffff, v32  }
0x3c8: {  	v20 =	vadd.s32 s3, v41;
	v13 =	vor.u32 v35, v10;
	[tilespmem:v31+s2+$0x0] =	vst.idx.msk $0xffff, v21  }
0x3c9: {  	v12 =	vand.u32 $0x1F, v20;
	v27 =	vld.idx.msk [tilespmem:v27+s17+$0x0], $0xffff;
	[tilespmem:v18+s2+$0x0] =	vst.idx.msk $0xffff, v19  }
0x3ca: {  	v39 =	vor.u32 v52, v7;
	v26 =	vor.u32 v42, v12;
	v28 =	vld.idx.msk [tilespmem:v28+s17+$0x0], $0xffff;
	[tilespmem:v29+s2+$0x0] =	vst.idx.msk $0xffff, v24  }
0x3cb: {  	v38 =	vor.u32 v36, v4;
	v30 =	vor.u32 v35, v8;
	v19 =	vor.u32 v37, v0;
	v31 =	vld [tilespmem:$0x1FD80]  }
0x3cc: {  	v22 =	vshll.u32 v20, $0x9;
	v17 =	vshll.u32 v20, $0x7;
	v34 =	vld.idx.msk [tilespmem:v55+s17+$0x0], $0xffff;
	v18 =	vor.u32 v36, v9  }
0x3cd: {  	v20 =	vand.u32 $0x3000, v22;
	v22 =	vor.u32 v37, v1;
	v24 =	vld.idx.msk [tilespmem:v13+s17+$0x0], $0xffff;
	v13 =	vand.u32 $0x380, v17  }
0x3ce: {  	v29 =	vor.u32 v61, v2;
	v13 =	vor.u32 v13, v20  }
0x3cf: {  	v25 =	vor.u32 v61, v3;
	[tilespmem:v39+s2+$0x0] =	vst.idx.msk $0xffff, v27;
	v20 =	vld.idx.msk [tilespmem:v26+s17+$0x0], $0xffff;
	v27 =	vor.u32 v41, v13  }
0x3d0: {  	v30 =	vld.idx.msk [tilespmem:v30+s17+$0x0], $0xffff;
	[tilespmem:v19+s2+$0x0] =	vst.idx.msk $0xffff, v28;
	v19 =	vor.u32 v40, v12;
	v21 =	vor.u32 v31, v11  }
0x3d1: {  	v23 =	vor.u32 v51, v10;
	v18 =	vld.idx.msk [tilespmem:v18+s17+$0x0], $0xffff;
	v26 =	vor.u32 v31, v6  }
0x3d2: {  	[tilespmem:v22+s2+$0x0] =	vst.idx.msk $0xffff, v34;
	v28 =	vor.u32 v60, v5;
	v31 =	vld.idx.msk [tilespmem:v38+s17+$0x0], $0xffff  }
0x3d3: {  	v29 =	vld.idx.msk [tilespmem:v29+s17+$0x0], $0xffff  }
0x3d4: {  	v16 =	vor.u32 v45, v3;
	v43 =	vor.u32 v51, v8;
	v25 =	vld.idx.msk [tilespmem:v25+s17+$0x0], $0xffff;
	[tilespmem:v27+s2+$0x0] =	vst.idx.msk $0xffff, v20  }
0x3d5: {  	v45 =	vor.u32 v60, v7;
	v22 =	vor.u32 v48, v4;
	v38 =	vld.idx.msk [tilespmem:v19+s17+$0x0], $0xffff;
	[tilespmem:v21+s2+$0x0] =	vst.idx.msk $0xffff, v24  }
0x3d6: {  	[tilespmem:v26+s2+$0x0] =	vst.idx.msk $0xffff, v30;
	v35 =	vld.idx.msk [tilespmem:v23+s17+$0x0], $0xffff  }
0x3d7: {  	v23 =	vld [tilespmem:$0x1FDA0];
	[tilespmem:v28+s2+$0x0] =	vst.idx.msk $0xffff, v31  }
0x3d8: {  	v19 =	vld [tilespmem:$0x1FCD0]  }
0x3d9: {  	v37 =	vld.idx.msk [tilespmem:v43+s17+$0x0], $0xffff  }
0x3da: {  	v24 =	vor.u32 v46, v0;
	[tilespmem:v45+s2+$0x0] =	vst.idx.msk $0xffff, v18;
	v18 =	vld.idx.msk [tilespmem:v22+s17+$0x0], $0xffff  }
0x3db: {  	v30 =	vor.u32 v46, v1;
	v22 =	vld [tilespmem:$0x1FFC0]  }
0x3dc: {  	v20 =	vor.u32 v47, v2;
	v46 =	vmov v57;
	v57 =	vld [tilespmem:$0x1FC30];
	v36 =	vor.u32 v23, v11  }
0x3dd: {  	v26 =	vor.u32 v47, v3;
	v47 =	vld [tilespmem:$0x1FD10];
	v27 =	vor.u32 v19, v4;
	v19 =	vor.u32 v23, v6  }
0x3de: {  	v55 =	vld [tilespmem:$0x1FE20]  }
0x3df: {  	v43 =	vld [tilespmem:$0x1FD00];
	[tilespmem:v24+s2+$0x0] =	vst.idx.msk $0xffff, v25  }
0x3e0: {  	[tilespmem:v30+s2+$0x0] =	vst.idx.msk $0xffff, v29  }
0x3e1: {  	[tilespmem:v36+s2+$0x0] =	vst.idx.msk $0xffff, v35  }
0x3e2: {  	[tilespmem:v19+s2+$0x0] =	vst.idx.msk $0xffff, v37  }
0x3e3: {  	v21 =	vor.u32 v48, v9;
	v19 =	vld [tilespmem:$0x1FC00];
	_ =	sdelay $0x1  }
0x3e4: {  	v51 =	vor.u32 v33, v8;
	v24 =	vld.idx.msk [tilespmem:v20+s17+$0x0], $0xffff  }
0x3e5: {  	v15 =	vor.u32 v15, v10;
	v39 =	vor.u32 v56, v13;
	v20 =	vld [tilespmem:$0x1FDB0]  }
0x3e6: {  	v32 =	vor.u32 v53, v5;
	v17 =	vor.u32 v49, v3;
	v34 =	vor.u32 v58, v12  }
0x3e7: {  	v33 =	vor.u32 v54, v13;
	v60 =	vmov v58;
	v31 =	vor.u32 v63, v9;
	v28 =	vld.idx.msk [tilespmem:v21+s17+$0x0], $0xffff  }
0x3e8: {  	v48 =	vmovc v40;
	v45 =	vmov v52;
	v29 =	vor.u32 v63, v4;
	v30 =	vor.u32 v53, v7;
	v23 =	vld.idx.msk [tilespmem:v26+s17+$0x0], $0xffff  }
0x3e9: {  	v26 =	vor.u32 v22, v0;
	v25 =	vor.u32 v22, v1;
	v22 =	vor.u32 v49, v2;
	v21 =	vld.idx.msk [tilespmem:v51+s17+$0x0], $0xffff  }
0x3ea: {  	s0 =	simm.s32 $0x8;
	s3 =	simm.s32 $0x7;
	v52 =	vmov v62;
	[tilespmem:v39+s2+$0x0] =	vst.idx.msk $0xffff, v38;
	v39 =	vmov v54;
	v20 =	vor.u32 v20, v11;
	v19 =	vld.idx.msk [tilespmem:v19+s17+$0x0], $0xffff  }
.LBB2_9:
0x3eb: {  	_ =	sdelay $0x1  }
0x3ec: {  	v34 =	vld.idx.msk [tilespmem:v34+s17+$0x0], $0xffff  }
0x3ed: {  	v63 =	vld [tilespmem:$0x1FDB0]  }
0x3ee: {  	v38 =	vld [tilespmem:$0x1FE60]  }
0x3ef: {  	v37 =	vld [tilespmem:$0x1FCC0]  }
0x3f0: {  	v40 =	vld [tilespmem:$0x1FDD0]  }
0x3f1: {  	v49 =	vld [tilespmem:$0x1FCD0]  }
0x3f2: {  	v51 =	vld [tilespmem:$0x1FEC0]  }
0x3f3: {  	v61 =	vld [tilespmem:$0x1FED0]  }
0x3f4: {  	[tilespmem:v32+s2+$0x0] =	vst.idx.msk $0xffff, v18;
	v58 =	vld [tilespmem:$0x1FCE0]  }
0x3f5: {  	v29 =	vld.idx.msk [tilespmem:v29+s17+$0x0], $0xffff;
	[tilespmem:v30+s2+$0x0] =	vst.idx.msk $0xffff, v28  }
0x3f6: {  	v31 =	vld.idx.msk [tilespmem:v31+s17+$0x0], $0xffff;
	[tilespmem:v26+s2+$0x0] =	vst.idx.msk $0xffff, v23  }
0x3f7: {  	v18 =	vmov v0;
	v0 =	vmov v5;
	[tilespmem:v25+s2+$0x0] =	vst.idx.msk $0xffff, v24;
	v17 =	vld.idx.msk [tilespmem:v17+s17+$0x0], $0xffff  }
0x3f8: {  	v22 =	vld.idx.msk [tilespmem:v22+s17+$0x0], $0xffff;
	[tilespmem:v20+s2+$0x0] =	vst.idx.msk $0xffff, v19;
	v36 =	vor.u32 v37, v0  }
0x3f9: {  	v35 =	vadd.s32 s3, v41;
	v62 =	vor.u32 v63, v6;
	v15 =	vld.idx.msk [tilespmem:v15+s17+$0x0], $0xffff  }
0x3fa: {  	v5 =	vmov v13;
	v13 =	vand.u32 $0x1F, v35;
	v28 =	vor.u32 v38, v8;
	[tilespmem:v33+s2+$0x0] =	vst.idx.msk $0xffff, v34;
	v34 =	vld [tilespmem:$0x1FE70]  }
0x3fb: {  	v30 =	vor.u32 v42, v13;
	v26 =	vor.u32 v51, v18;
	v53 =	vor.u32 v51, v1;
	v51 =	vld [tilespmem:$0x1FEA0]  }
0x3fc: {  	v23 =	vor.u32 v37, v7;
	v37 =	vld [tilespmem:$0x1FDC0]  }
0x3fd: {  	v24 =	vor.u32 v40, v11;
	[tilespmem:v36+s2+$0x0] =	vst.idx.msk $0xffff, v29;
	v29 =	vor.u32 v40, v6;
	v40 =	vld [tilespmem:$0x1FF40]  }
0x3fe: {  	v19 =	vshll.u32 v35, $0x9;
	v20 =	vshll.u32 v35, $0x7;
	v25 =	vor.u32 v49, v9;
	[tilespmem:v62+s2+$0x0] =	vst.idx.msk $0xffff, v21;
	v36 =	vld [tilespmem:$0x1FE80]  }
0x3ff: {  	v19 =	vand.u32 $0x3000, v19;
	v20 =	vand.u32 $0x380, v20;
	v28 =	vld.idx.msk [tilespmem:v28+s17+$0x0], $0xffff  }
0x400: {  	v19 =	vor.u32 v20, v19;
	v20 =	vld.idx.msk [tilespmem:v30+s17+$0x0], $0xffff  }
0x401: {  	v21 =	vor.u32 v61, v2;
	v62 =	vor.u32 v58, v0;
	v27 =	vld.idx.msk [tilespmem:v27+s17+$0x0], $0xffff;
	[tilespmem:v23+s2+$0x0] =	vst.idx.msk $0xffff, v31  }
0x402: {  	v30 =	vor.u32 v41, v19;
	[tilespmem:v26+s2+$0x0] =	vst.idx.msk $0xffff, v17;
	v26 =	vor.u32 v58, v7;
	v58 =	vld [tilespmem:$0x1FEB0]  }
0x403: {  	v31 =	vor.u32 v48, v13;
	v25 =	vld.idx.msk [tilespmem:v25+s17+$0x0], $0xffff  }
0x404: {  	v16 =	vld.idx.msk [tilespmem:v16+s17+$0x0], $0xffff;
	[tilespmem:v53+s2+$0x0] =	vst.idx.msk $0xffff, v22  }
0x405: {  	v53 =	vor.u32 v51, v18;
	[tilespmem:v24+s2+$0x0] =	vst.idx.msk $0xffff, v15;
	v24 =	vor.u32 v51, v1;
	v51 =	vld [tilespmem:$0x1FF00]  }
0x406: {  	v21 =	vld.idx.msk [tilespmem:v21+s17+$0x0], $0xffff;
	[tilespmem:v29+s2+$0x0] =	vst.idx.msk $0xffff, v28  }
0x407: {  	v23 =	vor.u32 v34, v8;
	[tilespmem:v30+s2+$0x0] =	vst.idx.msk $0xffff, v20;
	v30 =	vld [tilespmem:$0x1FDE0]  }
0x408: {  	v29 =	vld.idx.msk [tilespmem:v31+s17+$0x0], $0xffff  }
0x409: {  	v31 =	vld [tilespmem:$0x1FE00]  }
0x40a: {  	v14 =	vld.idx.msk [tilespmem:v14+s17+$0x0], $0xffff;
	v17 =	vor.u32 v40, v4  }
0x40b: {  	v22 =	vor.u32 v40, v9;
	v40 =	vld [tilespmem:$0x1FD40]  }
0x40c: {  	[tilespmem:v62+s2+$0x0] =	vst.idx.msk $0xffff, v27;
	v20 =	vor.u32 v58, v2;
	v23 =	vld.idx.msk [tilespmem:v23+s17+$0x0], $0xffff;
	v27 =	vor.u32 v30, v6  }
0x40d: {  	v15 =	vor.u32 v58, v3;
	v62 =	vld [tilespmem:$0x1FF50];
	v28 =	vor.u32 v30, v11;
	v30 =	vor.u32 v56, v19  }
0x40e: {  	[tilespmem:v26+s2+$0x0] =	vst.idx.msk $0xffff, v25;
	v10 =	vor.u32 v31, v10;
	v8 =	vor.u32 v31, v8;
	v31 =	vld [tilespmem:$0x1FF30]  }
0x40f: {  	v17 =	vld.idx.msk [tilespmem:v17+s17+$0x0], $0xffff;
	[tilespmem:v53+s2+$0x0] =	vst.idx.msk $0xffff, v16  }
0x410: {  	v22 =	vld.idx.msk [tilespmem:v22+s17+$0x0], $0xffff;
	[tilespmem:v24+s2+$0x0] =	vst.idx.msk $0xffff, v21  }
0x411: {  	v20 =	vld.idx.msk [tilespmem:v20+s17+$0x0], $0xffff;
	[tilespmem:v27+s2+$0x0] =	vst.idx.msk $0xffff, v23  }
0x412: {  	[tilespmem:v30+s2+$0x0] =	vst.idx.msk $0xffff, v29;
	v29 =	vld [tilespmem:$0x1FE10]  }
0x413: {  	v25 =	vor.u32 v60, v13;
	v15 =	vld.idx.msk [tilespmem:v15+s17+$0x0], $0xffff;
	v26 =	vor.u32 v31, v0  }
0x414: {  	v24 =	vor.u32 v36, v18;
	v16 =	vor.u32 v62, v4;
	v21 =	vor.u32 v62, v9;
	v27 =	vld.idx.msk [tilespmem:v8+s17+$0x0], $0xffff  }
0x415: {  	[tilespmem:v28+s2+$0x0] =	vst.idx.msk $0xffff, v14;
	v23 =	vor.u32 v37, v2;
	v8 =	vmov v2;
	v2 =	vmov v9;
	v9 =	vld [tilespmem:$0x1FF60]  }
0x416: {  	v14 =	vor.u32 v37, v3;
	v10 =	vld.idx.msk [tilespmem:v10+s17+$0x0], $0xffff  }
0x417: {  	v30 =	vld [tilespmem:$0x1FF70];
	v11 =	vor.u32 v29, v11  }
0x418: {  	v31 =	vor.u32 v31, v7;
	v25 =	vld.idx.msk [tilespmem:v25+s17+$0x0], $0xffff;
	[tilespmem:v26+s2+$0x0] =	vst.idx.msk $0xffff, v17  }
0x419: {  	v28 =	vor.u32 v36, v1;
	v6 =	vor.u32 v29, v6;
	v16 =	vld.idx.msk [tilespmem:v16+s17+$0x0], $0xffff  }
0x41a: {  	v29 =	vor.u32 v9, v0;
	[tilespmem:v24+s2+$0x0] =	vst.idx.msk $0xffff, v15;
	v24 =	vor.u32 v9, v7;
	v9 =	vld [tilespmem:$0x1FDF0]  }
0x41b: {  	v14 =	vld.idx.msk [tilespmem:v14+s17+$0x0], $0xffff  }
0x41c: {  	v17 =	vor.u32 v44, v12;
	v26 =	vor.u32 v39, v19;
	[tilespmem:v11+s2+$0x0] =	vst.idx.msk $0xffff, v10;
	v10 =	vld [tilespmem:$0x1FD90]  }
0x41d: {  	v58 =	vld [tilespmem:$0x1FD50];
	[tilespmem:v31+s2+$0x0] =	vst.idx.msk $0xffff, v22;
	v22 =	vor.u32 v44, v13  }
0x41e: {  	v53 =	vld [tilespmem:$0x1FE40];
	v15 =	vor.u32 v30, v4  }
0x41f: {  	v21 =	vld.idx.msk [tilespmem:v21+s17+$0x0], $0xffff;
	[tilespmem:v28+s2+$0x0] =	vst.idx.msk $0xffff, v20;
	v20 =	vor.u32 v30, v2  }
0x420: {  	v23 =	vld.idx.msk [tilespmem:v23+s17+$0x0], $0xffff;
	[tilespmem:v6+s2+$0x0] =	vst.idx.msk $0xffff, v27;
	v28 =	vor.u32 v9, v18;
	v30 =	vor.u32 v9, v1  }
0x421: {  	v9 =	vmov v13;
	v13 =	vld.idx.msk [tilespmem:v17+s17+$0x0], $0xffff;
	[tilespmem:v26+s2+$0x0] =	vst.idx.msk $0xffff, v25;
	v11 =	vor.u32 v10, v3  }
0x422: {  	v25 =	vor.u32 v43, v5;
	[tilespmem:v29+s2+$0x0] =	vst.idx.msk $0xffff, v16;
	v22 =	vld.idx.msk [tilespmem:v22+s17+$0x0], $0xffff  }
0x423: {  	v15 =	vld.idx.msk [tilespmem:v15+s17+$0x0], $0xffff  }
0x424: {  	v17 =	vor.u32 v10, v8;
	v10 =	vmov v3;
	v3 =	vld [tilespmem:$0x1FF80]  }
0x425: {  	v6 =	vmov v1;
	v1 =	vmov v7;
	v7 =	vmov v19;
	[tilespmem:v28+s2+$0x0] =	vst.idx.msk $0xffff, v14;
	v14 =	vld [tilespmem:$0x1FF90]  }
0x426: {  	v19 =	vor.u32 v43, v7;
	v11 =	vld.idx.msk [tilespmem:v11+s17+$0x0], $0xffff  }
0x427: {  	[tilespmem:v25+s2+$0x0] =	vst.idx.msk $0xffff, v13;
	v25 =	vld [tilespmem:$0x1FD30]  }
0x428: {  	v37 =	vld [tilespmem:$0x1FD70];
	v16 =	vor.u32 v55, v12;
	[tilespmem:v24+s2+$0x0] =	vst.idx.msk $0xffff, v21  }
0x429: {  	v21 =	vor.u32 v55, v9;
	v20 =	vld.idx.msk [tilespmem:v20+s17+$0x0], $0xffff;
	[tilespmem:v30+s2+$0x0] =	vst.idx.msk $0xffff, v23;
	v24 =	vor.u32 v3, v0  }
0x42a: {  	v27 =	vor.u32 v3, v1;
	v17 =	vld.idx.msk [tilespmem:v17+s17+$0x0], $0xffff;
	v26 =	vor.u32 v14, v4  }
0x42b: {  	v28 =	vor.u32 v59, v18;
	[tilespmem:v19+s2+$0x0] =	vst.idx.msk $0xffff, v22;
	v19 =	vld [tilespmem:$0x1FFA0];
	v23 =	vor.u32 v14, v2  }
0x42c: {  	v31 =	vld [tilespmem:$0x1FFB0];
	v3 =	vmovc v4;
	v13 =	vor.u32 v59, v6;
	v4 =	vmov v12;
	v12 =	vor.u32 v25, v10  }
0x42d: {  	v16 =	vld.idx.msk [tilespmem:v16+s17+$0x0], $0xffff;
	v22 =	vor.u32 v25, v8  }
0x42e: {  	v21 =	vld.idx.msk [tilespmem:v21+s17+$0x0], $0xffff;
	v25 =	vor.u32 v47, v5;
	[tilespmem:v24+s2+$0x0] =	vst.idx.msk $0xffff, v15  }
0x42f: {  	v30 =	vor.u32 v47, v7;
	v24 =	vor.u32 v57, v4;
	[tilespmem:v27+s2+$0x0] =	vst.idx.msk $0xffff, v20;
	v26 =	vld.idx.msk [tilespmem:v26+s17+$0x0], $0xffff  }
0x430: {  	v20 =	vor.u32 v57, v9;
	v27 =	vor.u32 v19, v0;
	v23 =	vld.idx.msk [tilespmem:v23+s17+$0x0], $0xffff;
	[tilespmem:v28+s2+$0x0] =	vst.idx.msk $0xffff, v11  }
0x431: {  	v28 =	vor.u32 v19, v1;
	[tilespmem:v13+s2+$0x0] =	vst.idx.msk $0xffff, v17;
	v12 =	vld.idx.msk [tilespmem:v12+s17+$0x0], $0xffff  }
0x432: {  	v11 =	vor.u32 v31, v3;
	v13 =	vor.u32 v31, v2;
	v22 =	vld.idx.msk [tilespmem:v22+s17+$0x0], $0xffff  }
0x433: {  	v17 =	vor.u32 v40, v18;
	[tilespmem:v25+s2+$0x0] =	vst.idx.msk $0xffff, v16;
	v25 =	vor.u32 v40, v6;
	v40 =	vld [tilespmem:$0x1FE30]  }
0x434: {  	[tilespmem:v30+s2+$0x0] =	vst.idx.msk $0xffff, v21;
	v24 =	vld.idx.msk [tilespmem:v24+s17+$0x0], $0xffff  }
0x435: {  	v35 =	vor.u32 v51, v1;
	v16 =	vor.u32 v58, v10;
	v20 =	vld.idx.msk [tilespmem:v20+s17+$0x0], $0xffff;
	[tilespmem:v27+s2+$0x0] =	vst.idx.msk $0xffff, v26  }
0x436: {  	v30 =	vor.u32 v58, v8;
	[tilespmem:v28+s2+$0x0] =	vst.idx.msk $0xffff, v23;
	v28 =	vor.u32 v51, v0;
	v51 =	vld [tilespmem:$0x1FD60]  }
0x437: {  	v62 =	vor.u32 v52, v5;
	v11 =	vld.idx.msk [tilespmem:v11+s17+$0x0], $0xffff  }
0x438: {  	v27 =	vor.u32 v46, v4;
	v13 =	vld.idx.msk [tilespmem:v13+s17+$0x0], $0xffff  }
0x439: {  	[tilespmem:v17+s2+$0x0] =	vst.idx.msk $0xffff, v12;
	v12 =	vld [tilespmem:$0x1FF10]  }
0x43a: {  	v33 =	vor.u32 v52, v7;
	[tilespmem:v25+s2+$0x0] =	vst.idx.msk $0xffff, v22;
	v36 =	vld.idx.msk [tilespmem:v16+s17+$0x0], $0xffff  }
0x43b: {  	v30 =	vld.idx.msk [tilespmem:v30+s17+$0x0], $0xffff  }
0x43c: {  	v23 =	vor.u32 v46, v9;
	[tilespmem:v62+s2+$0x0] =	vst.idx.msk $0xffff, v24;
	v62 =	vld [tilespmem:$0x1FFD0]  }
0x43d: {  	v29 =	vadd.s32 s0, v41;
	v27 =	vld.idx.msk [tilespmem:v27+s17+$0x0], $0xffff  }
0x43e: {  	[tilespmem:v28+s2+$0x0] =	vst.idx.msk $0xffff, v11;
	v11 =	vld [tilespmem:$0x1FC70];
	v58 =	vor.u32 v12, v3;
	v22 =	vor.u32 v12, v2;
	v12 =	vand.u32 $0x1F, v29  }
0x43f: {  	v32 =	vor.u32 v37, v8;
	[tilespmem:v33+s2+$0x0] =	vst.idx.msk $0xffff, v20;
	v33 =	vor.u32 v42, v12;
	v42 =	vld [tilespmem:$0x1FF20]  }
0x440: {  	v31 =	vshll.u32 v29, $0x9;
	v16 =	vor.u32 v61, v3;
	v25 =	vor.u32 v51, v18;
	v61 =	vld [tilespmem:$0x1FC50]  }
0x441: {  	v26 =	vor.u32 v37, v10;
	v37 =	vor.u32 v45, v5;
	v24 =	vor.u32 v51, v6;
	v23 =	vld.idx.msk [tilespmem:v23+s17+$0x0], $0xffff  }
0x442: {  	v51 =	vshll.u32 v29, $0x7;
	v20 =	vor.u32 v62, v3;
	v29 =	vor.u32 v62, v2;
	v62 =	vld [tilespmem:$0x1FD80]  }
0x443: {  	v14 =	vor.u32 v34, v10;
	[tilespmem:v35+s2+$0x0] =	vst.idx.msk $0xffff, v13;
	v28 =	vor.u32 v11, v4;
	v34 =	vld.idx.msk [tilespmem:v58+s17+$0x0], $0xffff  }
0x444: {  	v22 =	vld.idx.msk [tilespmem:v22+s17+$0x0], $0xffff;
	v58 =	vor.u32 v42, v0  }
0x445: {  	v15 =	vor.u32 v38, v10;
	[tilespmem:v25+s2+$0x0] =	vst.idx.msk $0xffff, v36;
	v25 =	vor.u32 v42, v1;
	v42 =	vld [tilespmem:$0x1FC80]  }
0x446: {  	v13 =	vand.u32 $0x3000, v31;
	v35 =	vor.u32 v11, v9;
	[tilespmem:v24+s2+$0x0] =	vst.idx.msk $0xffff, v30;
	v26 =	vld.idx.msk [tilespmem:v26+s17+$0x0], $0xffff  }
0x447: {  	v11 =	vmov v18;
	v24 =	vand.u32 $0x380, v51;
	v30 =	vor.u32 v62, v18;
	v18 =	vld.idx.msk [tilespmem:v33+s17+$0x0], $0xffff;
	[tilespmem:v37+s2+$0x0] =	vst.idx.msk $0xffff, v27  }
0x448: {  	v38 =	vor.u32 v45, v7;
	v21 =	vor.u32 v40, v10;
	v13 =	vor.u32 v24, v13;
	v28 =	vld.idx.msk [tilespmem:v28+s17+$0x0], $0xffff  }
0x449: {  	v27 =	vor.u32 v41, v13;
	[tilespmem:v58+s2+$0x0] =	vst.idx.msk $0xffff, v34;
	v58 =	vld [tilespmem:$0x1FC90]  }
0x44a: {  	v51 =	vor.u32 v42, v5;
	v36 =	vor.u32 v42, v7;
	v42 =	vld [tilespmem:$0x1FEE0]  }
0x44b: {  	v31 =	vld.idx.msk [tilespmem:v32+s17+$0x0], $0xffff  }
0x44c: {  	v20 =	vld.idx.msk [tilespmem:v20+s17+$0x0], $0xffff;
	[tilespmem:v30+s2+$0x0] =	vst.idx.msk $0xffff, v26  }
0x44d: {  	[tilespmem:v38+s2+$0x0] =	vst.idx.msk $0xffff, v23;
	v32 =	vor.u32 v48, v12;
	v21 =	vld.idx.msk [tilespmem:v21+s17+$0x0], $0xffff  }
0x44e: {  	v24 =	vor.u32 v62, v6;
	[tilespmem:v27+s2+$0x0] =	vst.idx.msk $0xffff, v18;
	v18 =	vld [tilespmem:$0x1FDA0];
	v62 =	vor.u32 v58, v4  }
0x44f: {  	v35 =	vld.idx.msk [tilespmem:v35+s17+$0x0], $0xffff;
	[tilespmem:v25+s2+$0x0] =	vst.idx.msk $0xffff, v22;
	v25 =	vor.u32 v42, v0  }
0x450: {  	v23 =	vor.u32 v40, v8;
	v37 =	vld.idx.msk [tilespmem:v29+s17+$0x0], $0xffff  }
0x451: {  	v29 =	vld [tilespmem:$0x1FEF0]  }
0x452: {  	v41 =	vld.idx.msk [tilespmem:v32+s17+$0x0], $0xffff;
	[tilespmem:v51+s2+$0x0] =	vst.idx.msk $0xffff, v28  }
0x453: {  	[tilespmem:v24+s2+$0x0] =	vst.idx.msk $0xffff, v31;
	v39 =	vor.u32 v18, v11;
	v51 =	vor.u32 v18, v6;
	v18 =	vld.idx.msk [tilespmem:v62+s17+$0x0], $0xffff  }
0x454: {  	[tilespmem:v25+s2+$0x0] =	vst.idx.msk $0xffff, v20;
	v20 =	vld [tilespmem:$0x1FCB0]  }
0x455: {  	v40 =	vld.idx.msk [tilespmem:v23+s17+$0x0], $0xffff;
	v22 =	vor.u32 v58, v9;
	v38 =	vor.u32 v42, v1  }
0x456: {  	v23 =	vld [tilespmem:$0x1FCA0];
	v26 =	vor.u32 v29, v3  }
0x457: {  	v24 =	vor.u32 v29, v2  }
0x458: {  	v19 =	vor.u32 v53, v10;
	v58 =	vor.u32 v56, v13;
	[tilespmem:v36+s2+$0x0] =	vst.idx.msk $0xffff, v35  }
0x459: {  	p0 =	slt.u32 s0, $0x1E;
	v62 =	vor.u32 v53, v8;
	v29 =	vor.u32 v20, v4;
	v31 =	vor.u32 v20, v9;
	v20 =	vld [tilespmem:$0x1FFC0]  }
.Ltmp6:
0x45a: {  	v17 =	vor.u32 v61, v3;
	v33 =	vor.u32 v54, v13;
	v28 =	vld.idx.msk [tilespmem:v22+s17+$0x0], $0xffff;
	[tilespmem:v38+s2+$0x0] =	vst.idx.msk $0xffff, v37;
	(pc) =	sbr.rel @p0 .LBB2_9-.Ltmp6, $4  }
0x45b: {  	v32 =	vor.u32 v23, v5;
	v30 =	vor.u32 v23, v7;
	v23 =	vld.idx.msk [tilespmem:v26+s17+$0x0], $0xffff;
	[tilespmem:v39+s2+$0x0] =	vst.idx.msk $0xffff, v21  }
0x45c: {  	v34 =	vor.u32 v60, v12;
	v27 =	vor.u32 v49, v4;
	v24 =	vld.idx.msk [tilespmem:v24+s17+$0x0], $0xffff;
	[tilespmem:v51+s2+$0x0] =	vst.idx.msk $0xffff, v40  }
0x45d: {  	v42 =	vmovc v50;
	v22 =	vor.u32 v61, v2;
	v39 =	vmov v54;
	v19 =	vld.idx.msk [tilespmem:v19+s17+$0x0], $0xffff;
	[tilespmem:v58+s2+$0x0] =	vst.idx.msk $0xffff, v41;
	v41 =	vlaneseq.u32  }
0x45e: {  	s3 =	sadd.s32 $0x1, s0;
	s0 =	sadd.s32 $0x2, s0;
	v21 =	vld.idx.msk [tilespmem:v62+s17+$0x0], $0xffff;
	v26 =	vor.u32 v20, v0;
	v25 =	vor.u32 v20, v1;
	v20 =	vor.u32 v63, v11  }
0x45f: {  	v35 =	vadd.s32 s3, v41  }
0x460: {  	v50 =	vand.u32 $0x1F, v35  }
0x461: {  	v36 =	vor.u32 v42, v50;
	_ =	sdelay $0x1  }
0x462: {  	v37 =	vshll.u32 v35, $0x9;
	v35 =	vshll.u32 v35, $0x7  }
0x463: {  	v37 =	vand.u32 $0x3000, v37;
	v35 =	vand.u32 $0x380, v35  }
0x464: {  	v40 =	vor.u32 v35, v37  }
0x465: {  	v53 =	vor.u32 v41, v40;
	v51 =	vld.idx.msk [tilespmem:v36+s17+$0x0], $0xffff  }
0x466: {  	v54 =	vor.u32 v48, v50;
	_ =	sdelay $0x3  }
0x467: {  	[tilespmem:v53+s2+$0x0] =	vst.idx.msk $0xffff, v51  }
0x468: {  	v58 =	vor.u32 v56, v40;
	v35 =	vld.idx.msk [tilespmem:v54+s17+$0x0], $0xffff  }
0x469: {  	v61 =	vor.u32 v60, v50;
	_ =	sdelay $0x3  }
0x46a: {  	v34 =	vld.idx.msk [tilespmem:v34+s17+$0x0], $0xffff;
	[tilespmem:v58+s2+$0x0] =	vst.idx.msk $0xffff, v35  }
0x46b: {  	v62 =	vor.u32 v44, v12;
	v63 =	vor.u32 v39, v40;
	v35 =	vld.idx.msk [tilespmem:v61+s17+$0x0], $0xffff  }
0x46c: {  	v38 =	vor.u32 v44, v50;
	_ =	sdelay $0x2  }
0x46d: {  	[tilespmem:v33+s2+$0x0] =	vst.idx.msk $0xffff, v34  }
0x46e: {  	v44 =	vor.u32 v43, v13;
	v33 =	vld.idx.msk [tilespmem:v62+s17+$0x0], $0xffff;
	[tilespmem:v63+s2+$0x0] =	vst.idx.msk $0xffff, v35  }
0x46f: {  	v48 =	vor.u32 v55, v12;
	v51 =	vor.u32 v43, v40;
	v35 =	vld.idx.msk [tilespmem:v38+s17+$0x0], $0xffff  }
0x470: {  	v53 =	vor.u32 v55, v50;
	_ =	sdelay $0x2  }
0x471: {  	[tilespmem:v44+s2+$0x0] =	vst.idx.msk $0xffff, v33  }
0x472: {  	v33 =	vld.idx.msk [tilespmem:v48+s17+$0x0], $0xffff;
	v54 =	vor.u32 v47, v13;
	[tilespmem:v51+s2+$0x0] =	vst.idx.msk $0xffff, v35  }
0x473: {  	v49 =	vmov v55;
	v56 =	vor.u32 v47, v40;
	v55 =	vor.u32 v57, v12;
	v35 =	vld.idx.msk [tilespmem:v53+s17+$0x0], $0xffff  }
0x474: {  	v58 =	vor.u32 v57, v50;
	_ =	sdelay $0x2  }
0x475: {  	[tilespmem:v54+s2+$0x0] =	vst.idx.msk $0xffff, v33  }
0x476: {  	v60 =	vor.u32 v52, v13;
	v33 =	vld.idx.msk [tilespmem:v55+s17+$0x0], $0xffff;
	[tilespmem:v56+s2+$0x0] =	vst.idx.msk $0xffff, v35  }
0x477: {  	v62 =	vor.u32 v52, v40;
	v61 =	vor.u32 v46, v12;
	v35 =	vld.idx.msk [tilespmem:v58+s17+$0x0], $0xffff  }
0x478: {  	v63 =	vor.u32 v46, v50;
	_ =	sdelay $0x2  }
0x479: {  	[tilespmem:v60+s2+$0x0] =	vst.idx.msk $0xffff, v33  }
0x47a: {  	v43 =	vor.u32 v45, v13;
	v33 =	vld.idx.msk [tilespmem:v61+s17+$0x0], $0xffff;
	[tilespmem:v62+s2+$0x0] =	vst.idx.msk $0xffff, v35  }
0x47b: {  	v47 =	vor.u32 v45, v40;
	v35 =	vld.idx.msk [tilespmem:v63+s17+$0x0], $0xffff  }
0x47c: {  	v44 =	vld [tilespmem:$0x1FC70];
	_ =	sdelay $0x2  }
0x47d: {  	[tilespmem:v43+s2+$0x0] =	vst.idx.msk $0xffff, v33  }
0x47e: {  	[tilespmem:v47+s2+$0x0] =	vst.idx.msk $0xffff, v35  }
0x47f: {  	v46 =	vor.u32 v44, v12;
	v37 =	vld [tilespmem:$0x1FC80]  }
0x480: {  	v38 =	vor.u32 v44, v50;
	_ =	sdelay $0x3  }
0x481: {  	v33 =	vld.idx.msk [tilespmem:v46+s17+$0x0], $0xffff;
	v48 =	vor.u32 v37, v13  }
0x482: {  	v35 =	vld.idx.msk [tilespmem:v38+s17+$0x0], $0xffff;
	v37 =	vor.u32 v37, v40  }
0x483: {  	v51 =	vld [tilespmem:$0x1FC90];
	_ =	sdelay $0x2  }
0x484: {  	[tilespmem:v48+s2+$0x0] =	vst.idx.msk $0xffff, v33  }
0x485: {  	[tilespmem:v37+s2+$0x0] =	vst.idx.msk $0xffff, v35  }
0x486: {  	v52 =	vor.u32 v51, v12;
	v37 =	vld [tilespmem:$0x1FCA0]  }
0x487: {  	v54 =	vld [tilespmem:$0x1FCB0];
	[tilespmem:v32+s2+$0x0] =	vst.idx.msk $0xffff, v18  }
0x488: {  	v38 =	vor.u32 v51, v50;
	[tilespmem:v30+s2+$0x0] =	vst.idx.msk $0xffff, v28  }
0x489: {  	v56 =	vld [tilespmem:$0x1FCC0];
	_ =	sdelay $0x1  }
0x48a: {  	v33 =	vld.idx.msk [tilespmem:v52+s17+$0x0], $0xffff;
	v53 =	vor.u32 v37, v13;
	_ =	sdelay $0x1  }
0x48b: {  	v35 =	vld.idx.msk [tilespmem:v38+s17+$0x0], $0xffff;
	v37 =	vor.u32 v37, v40  }
0x48c: {  	v18 =	vld.idx.msk [tilespmem:v29+s17+$0x0], $0xffff;
	v57 =	vor.u32 v56, v5  }
0x48d: {  	v58 =	vld.idx.msk [tilespmem:v31+s17+$0x0], $0xffff;
	v60 =	vor.u32 v56, v7  }
0x48e: {  	[tilespmem:v53+s2+$0x0] =	vst.idx.msk $0xffff, v33  }
0x48f: {  	v61 =	vld [tilespmem:$0x1FCD0]  }
0x490: {  	[tilespmem:v37+s2+$0x0] =	vst.idx.msk $0xffff, v35  }
0x491: {  	v55 =	vor.u32 v54, v12;
	[tilespmem:v57+s2+$0x0] =	vst.idx.msk $0xffff, v18  }
0x492: {  	v38 =	vor.u32 v54, v50;
	[tilespmem:v60+s2+$0x0] =	vst.idx.msk $0xffff, v58  }
0x493: {  	v54 =	vld [tilespmem:$0x1FCE0]  }
0x494: {  	v62 =	vor.u32 v61, v9;
	_ =	sdelay $0x1  }
0x495: {  	v48 =	vor.u32 v56, v13;
	v63 =	vld.idx.msk [tilespmem:v55+s17+$0x0], $0xffff  }
0x496: {  	v52 =	vor.u32 v56, v40;
	v35 =	vld.idx.msk [tilespmem:v38+s17+$0x0], $0xffff  }
0x497: {  	v18 =	vld.idx.msk [tilespmem:v27+s17+$0x0], $0xffff;
	v27 =	vor.u32 v54, v5  }
0x498: {  	v58 =	vor.u32 v54, v7;
	v55 =	vld.idx.msk [tilespmem:v62+s17+$0x0], $0xffff  }
0x499: {  	v56 =	vld [tilespmem:$0x1FF40]  }
0x49a: {  	[tilespmem:v48+s2+$0x0] =	vst.idx.msk $0xffff, v63  }
0x49b: {  	[tilespmem:v52+s2+$0x0] =	vst.idx.msk $0xffff, v35  }
0x49c: {  	v51 =	vor.u32 v61, v12;
	[tilespmem:v27+s2+$0x0] =	vst.idx.msk $0xffff, v18  }
0x49d: {  	v53 =	vor.u32 v61, v50;
	[tilespmem:v58+s2+$0x0] =	vst.idx.msk $0xffff, v55  }
0x49e: {  	v57 =	vor.u32 v56, v4;
	v52 =	vld [tilespmem:$0x1FF30]  }
0x49f: {  	v60 =	vor.u32 v56, v9;
	_ =	sdelay $0x1  }
0x4a0: {  	v61 =	vor.u32 v54, v13;
	v32 =	vld.idx.msk [tilespmem:v51+s17+$0x0], $0xffff  }
0x4a1: {  	v48 =	vor.u32 v54, v40;
	v62 =	vld.idx.msk [tilespmem:v53+s17+$0x0], $0xffff  }
0x4a2: {  	v18 =	vld.idx.msk [tilespmem:v57+s17+$0x0], $0xffff;
	v27 =	vor.u32 v52, v5  }
0x4a3: {  	v28 =	vld.idx.msk [tilespmem:v60+s17+$0x0], $0xffff;
	v55 =	vor.u32 v52, v7  }
0x4a4: {  	v53 =	vld [tilespmem:$0x1FF50]  }
0x4a5: {  	[tilespmem:v61+s2+$0x0] =	vst.idx.msk $0xffff, v32  }
0x4a6: {  	[tilespmem:v48+s2+$0x0] =	vst.idx.msk $0xffff, v62  }
0x4a7: {  	v63 =	vor.u32 v56, v12;
	[tilespmem:v27+s2+$0x0] =	vst.idx.msk $0xffff, v18  }
0x4a8: {  	v51 =	vor.u32 v56, v50;
	[tilespmem:v55+s2+$0x0] =	vst.idx.msk $0xffff, v28  }
0x4a9: {  	v54 =	vor.u32 v53, v4;
	v62 =	vld [tilespmem:$0x1FF60]  }
0x4aa: {  	v56 =	vor.u32 v53, v9;
	_ =	sdelay $0x1  }
0x4ab: {  	v32 =	vld.idx.msk [tilespmem:v63+s17+$0x0], $0xffff;
	v57 =	vor.u32 v52, v13  }
0x4ac: {  	v34 =	vld.idx.msk [tilespmem:v51+s17+$0x0], $0xffff;
	v60 =	vor.u32 v52, v40  }
0x4ad: {  	v18 =	vld.idx.msk [tilespmem:v54+s17+$0x0], $0xffff;
	v27 =	vor.u32 v62, v5  }
0x4ae: {  	v28 =	vld.idx.msk [tilespmem:v56+s17+$0x0], $0xffff;
	v48 =	vor.u32 v62, v7  }
0x4af: {  	v63 =	vld [tilespmem:$0x1FF70]  }
0x4b0: {  	[tilespmem:v57+s2+$0x0] =	vst.idx.msk $0xffff, v32  }
0x4b1: {  	[tilespmem:v60+s2+$0x0] =	vst.idx.msk $0xffff, v34  }
0x4b2: {  	v58 =	vor.u32 v53, v12;
	[tilespmem:v27+s2+$0x0] =	vst.idx.msk $0xffff, v18  }
0x4b3: {  	v61 =	vor.u32 v53, v50;
	[tilespmem:v48+s2+$0x0] =	vst.idx.msk $0xffff, v28  }
0x4b4: {  	v47 =	vor.u32 v63, v4;
	v56 =	vld [tilespmem:$0x1FF80]  }
0x4b5: {  	v51 =	vor.u32 v63, v9;
	_ =	sdelay $0x1  }
0x4b6: {  	v32 =	vld.idx.msk [tilespmem:v58+s17+$0x0], $0xffff;
	v52 =	vor.u32 v62, v13  }
0x4b7: {  	v34 =	vld.idx.msk [tilespmem:v61+s17+$0x0], $0xffff;
	v54 =	vor.u32 v62, v40  }
0x4b8: {  	v18 =	vld.idx.msk [tilespmem:v47+s17+$0x0], $0xffff;
	v27 =	vor.u32 v56, v5  }
0x4b9: {  	v28 =	vld.idx.msk [tilespmem:v51+s17+$0x0], $0xffff;
	v60 =	vor.u32 v56, v7  }
0x4ba: {  	v57 =	vld [tilespmem:$0x1FF90]  }
0x4bb: {  	v53 =	vor.u32 v63, v12;
	[tilespmem:v52+s2+$0x0] =	vst.idx.msk $0xffff, v32  }
0x4bc: {  	v55 =	vor.u32 v63, v50;
	[tilespmem:v54+s2+$0x0] =	vst.idx.msk $0xffff, v34  }
0x4bd: {  	[tilespmem:v27+s2+$0x0] =	vst.idx.msk $0xffff, v18  }
0x4be: {  	[tilespmem:v60+s2+$0x0] =	vst.idx.msk $0xffff, v28  }
0x4bf: {  	v58 =	vor.u32 v57, v4;
	v52 =	vld [tilespmem:$0x1FFA0]  }
0x4c0: {  	v32 =	vld.idx.msk [tilespmem:v53+s17+$0x0], $0xffff;
	v62 =	vor.u32 v56, v13  }
0x4c1: {  	v34 =	vld.idx.msk [tilespmem:v55+s17+$0x0], $0xffff;
	v48 =	vor.u32 v56, v40;
	_ =	sdelay $0x2  }
0x4c2: {  	v61 =	vor.u32 v57, v9;
	v18 =	vld.idx.msk [tilespmem:v58+s17+$0x0], $0xffff;
	v27 =	vor.u32 v52, v5  }
0x4c3: {  	[tilespmem:v62+s2+$0x0] =	vst.idx.msk $0xffff, v32  }
0x4c4: {  	v53 =	vld [tilespmem:$0x1FFB0];
	[tilespmem:v48+s2+$0x0] =	vst.idx.msk $0xffff, v34  }
0x4c5: {  	v63 =	vor.u32 v57, v12;
	[tilespmem:v26+s2+$0x0] =	vst.idx.msk $0xffff, v23  }
0x4c6: {  	v51 =	vor.u32 v57, v50;
	[tilespmem:v25+s2+$0x0] =	vst.idx.msk $0xffff, v24  }
0x4c7: {  	v28 =	vld.idx.msk [tilespmem:v61+s17+$0x0], $0xffff;
	v55 =	vor.u32 v52, v7;
	[tilespmem:v27+s2+$0x0] =	vst.idx.msk $0xffff, v18  }
0x4c8: {  	v62 =	vld [tilespmem:$0x1FDB0];
	_ =	sdelay $0x1  }
0x4c9: {  	v32 =	vld.idx.msk [tilespmem:v63+s17+$0x0], $0xffff;
	v57 =	vor.u32 v52, v13  }
0x4ca: {  	v23 =	vld.idx.msk [tilespmem:v51+s17+$0x0], $0xffff;
	v58 =	vor.u32 v52, v40  }
0x4cb: {  	v54 =	vor.u32 v53, v4;
	[tilespmem:v55+s2+$0x0] =	vst.idx.msk $0xffff, v28  }
0x4cc: {  	v56 =	vor.u32 v53, v9;
	v47 =	vld [tilespmem:$0x1FF00];
	v18 =	vor.u32 v62, v6;
	_ =	sdelay $0x1  }
0x4cd: {  	[tilespmem:v57+s2+$0x0] =	vst.idx.msk $0xffff, v32  }
0x4ce: {  	v52 =	vld [tilespmem:$0x1FF10];
	[tilespmem:v58+s2+$0x0] =	vst.idx.msk $0xffff, v23  }
0x4cf: {  	v26 =	vor.u32 v53, v12;
	v25 =	vld.idx.msk [tilespmem:v54+s17+$0x0], $0xffff;
	[tilespmem:v20+s2+$0x0] =	vst.idx.msk $0xffff, v19  }
0x4d0: {  	v24 =	vor.u32 v53, v50;
	v28 =	vld.idx.msk [tilespmem:v56+s17+$0x0], $0xffff;
	v27 =	vor.u32 v47, v5;
	[tilespmem:v18+s2+$0x0] =	vst.idx.msk $0xffff, v21  }
0x4d1: {  	v44 =	vor.u32 v47, v7;
	v32 =	vld [tilespmem:$0x1FEC0];
	_ =	sdelay $0x1  }
0x4d2: {  	v17 =	vld.idx.msk [tilespmem:v17+s17+$0x0], $0xffff  }
0x4d3: {  	v26 =	vld.idx.msk [tilespmem:v26+s17+$0x0], $0xffff;
	v45 =	vor.u32 v47, v13  }
0x4d4: {  	v19 =	vld.idx.msk [tilespmem:v24+s17+$0x0], $0xffff;
	v24 =	vor.u32 v47, v40;
	[tilespmem:v27+s2+$0x0] =	vst.idx.msk $0xffff, v25  }
0x4d5: {  	v22 =	vld.idx.msk [tilespmem:v22+s17+$0x0], $0xffff;
	v63 =	vor.u32 v52, v4;
	[tilespmem:v44+s2+$0x0] =	vst.idx.msk $0xffff, v28;
	v18 =	vor.u32 v32, v0  }
0x4d6: {  	v23 =	vor.u32 v52, v9;
	v56 =	vld [tilespmem:$0x1FF20];
	v25 =	vor.u32 v32, v1  }
0x4d7: {  	v36 =	vld [tilespmem:$0x1FE60]  }
0x4d8: {  	[tilespmem:v45+s2+$0x0] =	vst.idx.msk $0xffff, v26  }
0x4d9: {  	v51 =	vld [tilespmem:$0x1FFD0];
	[tilespmem:v24+s2+$0x0] =	vst.idx.msk $0xffff, v19  }
0x4da: {  	v20 =	vor.u32 v52, v12;
	v46 =	vld.idx.msk [tilespmem:v63+s17+$0x0], $0xffff;
	[tilespmem:v18+s2+$0x0] =	vst.idx.msk $0xffff, v17  }
0x4db: {  	v21 =	vor.u32 v52, v50;
	v23 =	vld.idx.msk [tilespmem:v23+s17+$0x0], $0xffff;
	v60 =	vor.u32 v56, v5;
	[tilespmem:v25+s2+$0x0] =	vst.idx.msk $0xffff, v22  }
0x4dc: {  	v27 =	vor.u32 v36, v8;
	v61 =	vor.u32 v56, v7;
	v58 =	vld [tilespmem:$0x1FDD0];
	_ =	sdelay $0x1  }
0x4dd: {  	v15 =	vld.idx.msk [tilespmem:v15+s17+$0x0], $0xffff  }
0x4de: {  	v20 =	vld.idx.msk [tilespmem:v20+s17+$0x0], $0xffff;
	v24 =	vor.u32 v56, v13  }
0x4df: {  	v18 =	vld.idx.msk [tilespmem:v21+s17+$0x0], $0xffff;
	v21 =	vor.u32 v56, v40;
	[tilespmem:v60+s2+$0x0] =	vst.idx.msk $0xffff, v46  }
0x4e0: {  	v26 =	vor.u32 v51, v4;
	v27 =	vld.idx.msk [tilespmem:v27+s17+$0x0], $0xffff;
	[tilespmem:v61+s2+$0x0] =	vst.idx.msk $0xffff, v23;
	v22 =	vor.u32 v58, v11  }
0x4e1: {  	v19 =	vor.u32 v51, v9;
	v38 =	vld [tilespmem:$0x1FEE0];
	v63 =	vor.u32 v58, v6  }
0x4e2: {  	v34 =	vld [tilespmem:$0x1FED0]  }
0x4e3: {  	[tilespmem:v24+s2+$0x0] =	vst.idx.msk $0xffff, v20  }
0x4e4: {  	v54 =	vld [tilespmem:$0x1FEF0];
	[tilespmem:v21+s2+$0x0] =	vst.idx.msk $0xffff, v18  }
0x4e5: {  	v17 =	vor.u32 v51, v12;
	v26 =	vld.idx.msk [tilespmem:v26+s17+$0x0], $0xffff;
	[tilespmem:v22+s2+$0x0] =	vst.idx.msk $0xffff, v15  }
0x4e6: {  	v25 =	vor.u32 v51, v50;
	v19 =	vld.idx.msk [tilespmem:v19+s17+$0x0], $0xffff;
	v35 =	vor.u32 v38, v5;
	[tilespmem:v63+s2+$0x0] =	vst.idx.msk $0xffff, v27  }
0x4e7: {  	v23 =	vor.u32 v34, v2;
	v24 =	vor.u32 v38, v7;
	v30 =	vld [tilespmem:$0x1FEA0];
	_ =	sdelay $0x1  }
0x4e8: {  	v16 =	vld.idx.msk [tilespmem:v16+s17+$0x0], $0xffff  }
0x4e9: {  	v17 =	vld.idx.msk [tilespmem:v17+s17+$0x0], $0xffff;
	v21 =	vor.u32 v38, v13  }
0x4ea: {  	v15 =	vld.idx.msk [tilespmem:v25+s17+$0x0], $0xffff;
	v25 =	vor.u32 v38, v40;
	[tilespmem:v35+s2+$0x0] =	vst.idx.msk $0xffff, v26  }
0x4eb: {  	v23 =	vld.idx.msk [tilespmem:v23+s17+$0x0], $0xffff;
	[tilespmem:v24+s2+$0x0] =	vst.idx.msk $0xffff, v19;
	v27 =	vor.u32 v30, v0  }
0x4ec: {  	v20 =	vor.u32 v54, v4;
	v45 =	vld [tilespmem:$0x1FE70];
	v26 =	vor.u32 v30, v1  }
0x4ed: {  	v53 =	vld [tilespmem:$0x1FFC0]  }
0x4ee: {  	[tilespmem:v21+s2+$0x0] =	vst.idx.msk $0xffff, v17  }
0x4ef: {  	v18 =	vor.u32 v54, v9;
	v29 =	vld [tilespmem:$0x1FC50];
	[tilespmem:v25+s2+$0x0] =	vst.idx.msk $0xffff, v15  }
0x4f0: {  	v22 =	vor.u32 v54, v12;
	[tilespmem:v27+s2+$0x0] =	vst.idx.msk $0xffff, v16  }
0x4f1: {  	v37 =	vor.u32 v54, v50;
	v20 =	vld.idx.msk [tilespmem:v20+s17+$0x0], $0xffff;
	[tilespmem:v26+s2+$0x0] =	vst.idx.msk $0xffff, v23  }
0x4f2: {  	v19 =	vor.u32 v45, v8;
	v24 =	vor.u32 v53, v5;
	v46 =	vld [tilespmem:$0x1FDE0]  }
0x4f3: {  	v14 =	vld.idx.msk [tilespmem:v14+s17+$0x0], $0xffff  }
0x4f4: {  	v18 =	vld.idx.msk [tilespmem:v18+s17+$0x0], $0xffff;
	v21 =	vor.u32 v53, v7  }
0x4f5: {  	v22 =	vld.idx.msk [tilespmem:v22+s17+$0x0], $0xffff;
	v25 =	vor.u32 v53, v13  }
0x4f6: {  	v55 =	vor.u32 v53, v40;
	v27 =	vld.idx.msk [tilespmem:v37+s17+$0x0], $0xffff  }
0x4f7: {  	[tilespmem:v24+s2+$0x0] =	vst.idx.msk $0xffff, v20;
	v19 =	vld.idx.msk [tilespmem:v19+s17+$0x0], $0xffff;
	v23 =	vor.u32 v46, v11  }
0x4f8: {  	v17 =	vor.u32 v29, v4;
	v31 =	vld [tilespmem:$0x1FEB0];
	v24 =	vor.u32 v46, v6  }
0x4f9: {  	[tilespmem:v21+s2+$0x0] =	vst.idx.msk $0xffff, v18  }
0x4fa: {  	v15 =	vor.u32 v29, v9;
	[tilespmem:v25+s2+$0x0] =	vst.idx.msk $0xffff, v22  }
0x4fb: {  	v16 =	vor.u32 v29, v12;
	[tilespmem:v55+s2+$0x0] =	vst.idx.msk $0xffff, v27  }
0x4fc: {  	v26 =	vor.u32 v29, v50;
	[tilespmem:v23+s2+$0x0] =	vst.idx.msk $0xffff, v14  }
0x4fd: {  	v17 =	vld.idx.msk [tilespmem:v17+s17+$0x0], $0xffff;
	v20 =	vor.u32 v31, v3;
	[tilespmem:v24+s2+$0x0] =	vst.idx.msk $0xffff, v19  }
0x4fe: {  	v21 =	vor.u32 v32, v5;
	v18 =	vor.u32 v31, v2;
	v33 =	vld [tilespmem:$0x1FE80]  }
0x4ff: {  	v15 =	vld.idx.msk [tilespmem:v15+s17+$0x0], $0xffff  }
0x500: {  	v25 =	vor.u32 v32, v7;
	v16 =	vld.idx.msk [tilespmem:v16+s17+$0x0], $0xffff  }
0x501: {  	v57 =	vor.u32 v32, v13;
	v23 =	vld.idx.msk [tilespmem:v26+s17+$0x0], $0xffff  }
0x502: {  	v26 =	vor.u32 v32, v40;
	v20 =	vld.idx.msk [tilespmem:v20+s17+$0x0], $0xffff  }
0x503: {  	[tilespmem:v21+s2+$0x0] =	vst.idx.msk $0xffff, v17;
	v17 =	vld.idx.msk [tilespmem:v18+s17+$0x0], $0xffff;
	v19 =	vor.u32 v33, v0  }
0x504: {  	v22 =	vor.u32 v34, v4;
	v63 =	vld [tilespmem:$0x1FE00];
	v18 =	vor.u32 v33, v1  }
0x505: {  	[tilespmem:v25+s2+$0x0] =	vst.idx.msk $0xffff, v15  }
0x506: {  	v27 =	vor.u32 v34, v9;
	[tilespmem:v57+s2+$0x0] =	vst.idx.msk $0xffff, v16  }
0x507: {  	v14 =	vor.u32 v34, v12;
	[tilespmem:v26+s2+$0x0] =	vst.idx.msk $0xffff, v23  }
0x508: {  	v24 =	vor.u32 v34, v50;
	[tilespmem:v19+s2+$0x0] =	vst.idx.msk $0xffff, v20  }
0x509: {  	v15 =	vld.idx.msk [tilespmem:v22+s17+$0x0], $0xffff;
	v10 =	vor.u32 v63, v10;
	[tilespmem:v18+s2+$0x0] =	vst.idx.msk $0xffff, v17  }
0x50a: {  	v21 =	vor.u32 v30, v5;
	v8 =	vor.u32 v63, v8;
	v55 =	vld [tilespmem:$0x1FE10]  }
0x50b: {  	v22 =	vld.idx.msk [tilespmem:v27+s17+$0x0], $0xffff  }
0x50c: {  	v16 =	vor.u32 v31, v4;
	v25 =	vor.u32 v30, v7;
	v14 =	vld.idx.msk [tilespmem:v14+s17+$0x0], $0xffff  }
0x50d: {  	v26 =	vor.u32 v30, v13;
	v19 =	vld.idx.msk [tilespmem:v24+s17+$0x0], $0xffff  }
0x50e: {  	v24 =	vor.u32 v30, v40;
	v10 =	vld.idx.msk [tilespmem:v10+s17+$0x0], $0xffff  }
0x50f: {  	[tilespmem:v21+s2+$0x0] =	vst.idx.msk $0xffff, v15;
	v8 =	vld.idx.msk [tilespmem:v8+s17+$0x0], $0xffff;
	v11 =	vor.u32 v55, v11  }
0x510: {  	v27 =	vld [tilespmem:$0x1FDC0];
	v6 =	vor.u32 v55, v6  }
0x511: {  	v21 =	vor.u32 v33, v5;
	[tilespmem:v25+s2+$0x0] =	vst.idx.msk $0xffff, v22;
	v16 =	vld.idx.msk [tilespmem:v16+s17+$0x0], $0xffff  }
0x512: {  	[tilespmem:v26+s2+$0x0] =	vst.idx.msk $0xffff, v14  }
0x513: {  	v23 =	vor.u32 v31, v9;
	[tilespmem:v24+s2+$0x0] =	vst.idx.msk $0xffff, v19  }
0x514: {  	v20 =	vor.u32 v31, v12;
	[tilespmem:v11+s2+$0x0] =	vst.idx.msk $0xffff, v10  }
0x515: {  	v17 =	vor.u32 v31, v50;
	[tilespmem:v6+s2+$0x0] =	vst.idx.msk $0xffff, v8  }
0x516: {  	v15 =	vor.u32 v27, v3;
	v26 =	vld [tilespmem:$0x1FDF0];
	[tilespmem:v21+s2+$0x0] =	vst.idx.msk $0xffff, v16  }
0x517: {  	v18 =	vor.u32 v27, v2;
	v28 =	vld [tilespmem:$0x1FD90]  }
0x518: {  	v22 =	vld.idx.msk [tilespmem:v23+s17+$0x0], $0xffff;
	v23 =	vor.u32 v33, v7;
	v14 =	vor.u32 v27, v4  }
0x519: {  	v20 =	vld.idx.msk [tilespmem:v20+s17+$0x0], $0xffff;
	v24 =	vor.u32 v33, v13;
	v19 =	vor.u32 v27, v9  }
0x51a: {  	v10 =	vld.idx.msk [tilespmem:v17+s17+$0x0], $0xffff;
	v11 =	vor.u32 v27, v12;
	v17 =	vor.u32 v33, v40  }
0x51b: {  	v8 =	vor.u32 v27, v50;
	v15 =	vld.idx.msk [tilespmem:v15+s17+$0x0], $0xffff;
	v6 =	vor.u32 v26, v0  }
0x51c: {  	v18 =	vld.idx.msk [tilespmem:v18+s17+$0x0], $0xffff;
	v21 =	vor.u32 v26, v1;
	v16 =	vor.u32 v28, v3  }
0x51d: {  	[tilespmem:v23+s2+$0x0] =	vst.idx.msk $0xffff, v22;
	v14 =	vld.idx.msk [tilespmem:v14+s17+$0x0], $0xffff;
	v23 =	vor.u32 v26, v5;
	v22 =	vor.u32 v28, v2  }
0x51e: {  	[tilespmem:v24+s2+$0x0] =	vst.idx.msk $0xffff, v20;
	v19 =	vld.idx.msk [tilespmem:v19+s17+$0x0], $0xffff;
	v24 =	vor.u32 v26, v7  }
0x51f: {  	[tilespmem:v17+s2+$0x0] =	vst.idx.msk $0xffff, v10;
	v11 =	vld.idx.msk [tilespmem:v11+s17+$0x0], $0xffff;
	v17 =	vor.u32 v26, v13  }
0x520: {  	[tilespmem:v6+s2+$0x0] =	vst.idx.msk $0xffff, v15;
	v6 =	vld.idx.msk [tilespmem:v8+s17+$0x0], $0xffff;
	v15 =	vor.u32 v26, v40  }
0x521: {  	v20 =	vor.u32 v28, v4;
	[tilespmem:v21+s2+$0x0] =	vst.idx.msk $0xffff, v18;
	v18 =	vor.u32 v59, v0;
	v16 =	vld.idx.msk [tilespmem:v16+s17+$0x0], $0xffff  }
0x522: {  	[tilespmem:v23+s2+$0x0] =	vst.idx.msk $0xffff, v14;
	v23 =	vor.u32 v59, v1;
	v22 =	vld.idx.msk [tilespmem:v22+s17+$0x0], $0xffff  }
0x523: {  	v31 =	vld [tilespmem:$0x1FD30];
	[tilespmem:v24+s2+$0x0] =	vst.idx.msk $0xffff, v19  }
0x524: {  	v10 =	vor.u32 v28, v9;
	[tilespmem:v17+s2+$0x0] =	vst.idx.msk $0xffff, v11  }
0x525: {  	v8 =	vor.u32 v28, v12;
	[tilespmem:v15+s2+$0x0] =	vst.idx.msk $0xffff, v6  }
0x526: {  	v21 =	vor.u32 v28, v50;
	v20 =	vld.idx.msk [tilespmem:v20+s17+$0x0], $0xffff;
	v24 =	vor.u32 v59, v5;
	[tilespmem:v18+s2+$0x0] =	vst.idx.msk $0xffff, v16  }
0x527: {  	[tilespmem:v23+s2+$0x0] =	vst.idx.msk $0xffff, v22  }
0x528: {  	v14 =	vor.u32 v31, v3;
	v53 =	vld [tilespmem:$0x1FD40]  }
0x529: {  	v10 =	vld.idx.msk [tilespmem:v10+s17+$0x0], $0xffff;
	v19 =	vor.u32 v31, v2  }
0x52a: {  	v17 =	vor.u32 v59, v7;
	v8 =	vld.idx.msk [tilespmem:v8+s17+$0x0], $0xffff  }
0x52b: {  	v15 =	vor.u32 v59, v13;
	v16 =	vld.idx.msk [tilespmem:v21+s17+$0x0], $0xffff;
	[tilespmem:v24+s2+$0x0] =	vst.idx.msk $0xffff, v20  }
0x52c: {  	v21 =	vor.u32 v59, v40;
	v33 =	vld [tilespmem:$0x1FD50]  }
0x52d: {  	v14 =	vld.idx.msk [tilespmem:v14+s17+$0x0], $0xffff;
	v22 =	vor.u32 v53, v0  }
0x52e: {  	v11 =	vor.u32 v31, v4;
	v19 =	vld.idx.msk [tilespmem:v19+s17+$0x0], $0xffff;
	v24 =	vor.u32 v53, v1  }
0x52f: {  	[tilespmem:v17+s2+$0x0] =	vst.idx.msk $0xffff, v10  }
0x530: {  	v6 =	vor.u32 v31, v9;
	[tilespmem:v15+s2+$0x0] =	vst.idx.msk $0xffff, v8  }
0x531: {  	v18 =	vor.u32 v31, v12;
	[tilespmem:v21+s2+$0x0] =	vst.idx.msk $0xffff, v16  }
0x532: {  	v23 =	vor.u32 v31, v50;
	[tilespmem:v22+s2+$0x0] =	vst.idx.msk $0xffff, v14  }
0x533: {  	v11 =	vld.idx.msk [tilespmem:v11+s17+$0x0], $0xffff;
	v20 =	vor.u32 v33, v3;
	[tilespmem:v24+s2+$0x0] =	vst.idx.msk $0xffff, v19  }
0x534: {  	v17 =	vor.u32 v53, v5;
	v10 =	vor.u32 v33, v2;
	v61 =	vld [tilespmem:$0x1FD60]  }
0x535: {  	v6 =	vld.idx.msk [tilespmem:v6+s17+$0x0], $0xffff  }
0x536: {  	v18 =	vld.idx.msk [tilespmem:v18+s17+$0x0], $0xffff;
	v15 =	vor.u32 v53, v7  }
0x537: {  	v21 =	vor.u32 v53, v13;
	v14 =	vld.idx.msk [tilespmem:v23+s17+$0x0], $0xffff  }
0x538: {  	v23 =	vor.u32 v53, v40;
	v20 =	vld.idx.msk [tilespmem:v20+s17+$0x0], $0xffff  }
0x539: {  	[tilespmem:v17+s2+$0x0] =	vst.idx.msk $0xffff, v11;
	v10 =	vld.idx.msk [tilespmem:v10+s17+$0x0], $0xffff;
	v19 =	vor.u32 v61, v0  }
0x53a: {  	v8 =	vor.u32 v33, v4;
	v35 =	vld [tilespmem:$0x1FD70];
	v17 =	vor.u32 v61, v1  }
0x53b: {  	[tilespmem:v15+s2+$0x0] =	vst.idx.msk $0xffff, v6  }
0x53c: {  	v16 =	vor.u32 v33, v9;
	[tilespmem:v21+s2+$0x0] =	vst.idx.msk $0xffff, v18  }
0x53d: {  	v22 =	vor.u32 v33, v12;
	[tilespmem:v23+s2+$0x0] =	vst.idx.msk $0xffff, v14  }
0x53e: {  	v24 =	vor.u32 v33, v50;
	[tilespmem:v19+s2+$0x0] =	vst.idx.msk $0xffff, v20  }
0x53f: {  	v8 =	vld.idx.msk [tilespmem:v8+s17+$0x0], $0xffff;
	v11 =	vor.u32 v35, v3;
	[tilespmem:v17+s2+$0x0] =	vst.idx.msk $0xffff, v10  }
0x540: {  	v15 =	vor.u32 v61, v5;
	v6 =	vor.u32 v35, v2;
	v37 =	vld [tilespmem:$0x1FD80]  }
0x541: {  	v16 =	vld.idx.msk [tilespmem:v16+s17+$0x0], $0xffff  }
0x542: {  	v22 =	vld.idx.msk [tilespmem:v22+s17+$0x0], $0xffff;
	v21 =	vor.u32 v61, v7;
	v18 =	vor.u32 v35, v4  }
0x543: {  	v23 =	vor.u32 v61, v13;
	v20 =	vld.idx.msk [tilespmem:v24+s17+$0x0], $0xffff  }
0x544: {  	v24 =	vor.u32 v61, v40;
	v11 =	vld.idx.msk [tilespmem:v11+s17+$0x0], $0xffff  }
0x545: {  	[tilespmem:v15+s2+$0x0] =	vst.idx.msk $0xffff, v8;
	v6 =	vld.idx.msk [tilespmem:v6+s17+$0x0], $0xffff;
	v10 =	vor.u32 v37, v0  }
0x546: {  	v25 =	vld [tilespmem:$0x1FE30];
	v15 =	vor.u32 v37, v1  }
0x547: {  	[tilespmem:v21+s2+$0x0] =	vst.idx.msk $0xffff, v16;
	v18 =	vld.idx.msk [tilespmem:v18+s17+$0x0], $0xffff;
	v21 =	vor.u32 v37, v5  }
0x548: {  	[tilespmem:v23+s2+$0x0] =	vst.idx.msk $0xffff, v22  }
0x549: {  	v14 =	vor.u32 v35, v9;
	[tilespmem:v24+s2+$0x0] =	vst.idx.msk $0xffff, v20  }
0x54a: {  	v43 =	vmov v50;
	v19 =	vor.u32 v35, v12;
	[tilespmem:v10+s2+$0x0] =	vst.idx.msk $0xffff, v11  }
0x54b: {  	v17 =	vor.u32 v35, v43;
	[tilespmem:v15+s2+$0x0] =	vst.idx.msk $0xffff, v6  }
0x54c: {  	v8 =	vor.u32 v25, v3;
	v48 =	vld [tilespmem:$0x1FDA0];
	[tilespmem:v21+s2+$0x0] =	vst.idx.msk $0xffff, v18  }
0x54d: {  	v16 =	vor.u32 v25, v2;
	v50 =	vld [tilespmem:$0x1FE40]  }
0x54e: {  	v14 =	vld.idx.msk [tilespmem:v14+s17+$0x0], $0xffff;
	v23 =	vor.u32 v37, v7;
	v22 =	vor.u32 v25, v4  }
0x54f: {  	v19 =	vld.idx.msk [tilespmem:v19+s17+$0x0], $0xffff;
	v24 =	vor.u32 v37, v13;
	v20 =	vor.u32 v25, v9  }
0x550: {  	v10 =	vor.u32 v25, v12;
	v11 =	vld.idx.msk [tilespmem:v17+s17+$0x0], $0xffff;
	v17 =	vor.u32 v37, v40  }
0x551: {  	v15 =	vor.u32 v25, v43;
	v8 =	vld.idx.msk [tilespmem:v8+s17+$0x0], $0xffff;
	v6 =	vor.u32 v48, v0  }
0x552: {  	v16 =	vld.idx.msk [tilespmem:v16+s17+$0x0], $0xffff;
	v21 =	vor.u32 v48, v1;
	v18 =	vor.u32 v50, v3  }
0x553: {  	[tilespmem:v23+s2+$0x0] =	vst.idx.msk $0xffff, v14;
	v22 =	vld.idx.msk [tilespmem:v22+s17+$0x0], $0xffff;
	v23 =	vor.u32 v48, v5;
	v14 =	vor.u32 v50, v2  }
0x554: {  	[tilespmem:v24+s2+$0x0] =	vst.idx.msk $0xffff, v19;
	v20 =	vld.idx.msk [tilespmem:v20+s17+$0x0], $0xffff;
	v24 =	vor.u32 v48, v7;
	v19 =	vor.u32 v50, v4  }
0x555: {  	[tilespmem:v17+s2+$0x0] =	vst.idx.msk $0xffff, v11;
	v10 =	vld.idx.msk [tilespmem:v10+s17+$0x0], $0xffff;
	v17 =	vor.u32 v48, v13;
	v11 =	vor.u32 v50, v9  }
0x556: {  	[tilespmem:v6+s2+$0x0] =	vst.idx.msk $0xffff, v8;
	v6 =	vor.u32 v50, v12;
	v8 =	vld.idx.msk [tilespmem:v15+s17+$0x0], $0xffff;
	v15 =	vor.u32 v48, v40  }
0x557: {  	[tilespmem:v21+s2+$0x0] =	vst.idx.msk $0xffff, v16;
	v16 =	vor.u32 v62, v0;
	v21 =	vor.u32 v50, v43;
	v18 =	vld.idx.msk [tilespmem:v18+s17+$0x0], $0xffff  }
0x558: {  	[tilespmem:v23+s2+$0x0] =	vst.idx.msk $0xffff, v22;
	v22 =	vor.u32 v36, v3;
	v23 =	vor.u32 v62, v1;
	v14 =	vld.idx.msk [tilespmem:v14+s17+$0x0], $0xffff  }
0x559: {  	[tilespmem:v24+s2+$0x0] =	vst.idx.msk $0xffff, v20;
	v20 =	vor.u32 v36, v2;
	v24 =	vor.u32 v62, v5;
	v19 =	vld.idx.msk [tilespmem:v19+s17+$0x0], $0xffff  }
0x55a: {  	[tilespmem:v17+s2+$0x0] =	vst.idx.msk $0xffff, v10;
	v10 =	vor.u32 v36, v4;
	v17 =	vor.u32 v62, v7;
	v11 =	vld.idx.msk [tilespmem:v11+s17+$0x0], $0xffff  }
0x55b: {  	[tilespmem:v15+s2+$0x0] =	vst.idx.msk $0xffff, v8;
	v8 =	vor.u32 v36, v9;
	v6 =	vld.idx.msk [tilespmem:v6+s17+$0x0], $0xffff;
	v15 =	vor.u32 v62, v13  }
0x55c: {  	[tilespmem:v16+s2+$0x0] =	vst.idx.msk $0xffff, v18;
	v16 =	vor.u32 v36, v12;
	v18 =	vld.idx.msk [tilespmem:v21+s17+$0x0], $0xffff;
	v21 =	vor.u32 v62, v40  }
0x55d: {  	[tilespmem:v23+s2+$0x0] =	vst.idx.msk $0xffff, v14;
	v14 =	vor.u32 v58, v0;
	v23 =	vor.u32 v36, v43;
	v22 =	vld.idx.msk [tilespmem:v22+s17+$0x0], $0xffff  }
0x55e: {  	[tilespmem:v24+s2+$0x0] =	vst.idx.msk $0xffff, v19;
	v19 =	vor.u32 v45, v3;
	v24 =	vor.u32 v58, v1;
	v20 =	vld.idx.msk [tilespmem:v20+s17+$0x0], $0xffff  }
0x55f: {  	[tilespmem:v17+s2+$0x0] =	vst.idx.msk $0xffff, v11;
	v11 =	vor.u32 v45, v2;
	v17 =	vor.u32 v58, v5;
	v10 =	vld.idx.msk [tilespmem:v10+s17+$0x0], $0xffff  }
0x560: {  	[tilespmem:v15+s2+$0x0] =	vst.idx.msk $0xffff, v6;
	v6 =	vor.u32 v45, v4;
	v8 =	vld.idx.msk [tilespmem:v8+s17+$0x0], $0xffff;
	v15 =	vor.u32 v58, v7  }
0x561: {  	[tilespmem:v21+s2+$0x0] =	vst.idx.msk $0xffff, v18;
	v18 =	vor.u32 v45, v9;
	v21 =	vor.u32 v58, v13;
	v16 =	vld.idx.msk [tilespmem:v16+s17+$0x0], $0xffff  }
0x562: {  	[tilespmem:v14+s2+$0x0] =	vst.idx.msk $0xffff, v22;
	v14 =	vor.u32 v45, v12;
	v22 =	vld.idx.msk [tilespmem:v23+s17+$0x0], $0xffff;
	v23 =	vor.u32 v58, v40  }
0x563: {  	[tilespmem:v24+s2+$0x0] =	vst.idx.msk $0xffff, v20;
	v20 =	vor.u32 v46, v0;
	v24 =	vor.u32 v45, v43;
	v19 =	vld.idx.msk [tilespmem:v19+s17+$0x0], $0xffff  }
0x564: {  	v53 =	vor.u32 v63, v3;
	[tilespmem:v17+s2+$0x0] =	vst.idx.msk $0xffff, v10;
	v10 =	vld.idx.msk [tilespmem:v11+s17+$0x0], $0xffff;
	v11 =	vor.u32 v46, v1  }
0x565: {  	v57 =	vor.u32 v63, v2;
	[tilespmem:v15+s2+$0x0] =	vst.idx.msk $0xffff, v8;
	v6 =	vld.idx.msk [tilespmem:v6+s17+$0x0], $0xffff;
	v8 =	vor.u32 v46, v5  }
0x566: {  	v58 =	vor.u32 v63, v4;
	[tilespmem:v21+s2+$0x0] =	vst.idx.msk $0xffff, v16;
	v15 =	vld.idx.msk [tilespmem:v18+s17+$0x0], $0xffff;
	v16 =	vor.u32 v46, v7  }
0x567: {  	v9 =	vor.u32 v63, v9;
	v17 =	vor.u32 v46, v13;
	[tilespmem:v23+s2+$0x0] =	vst.idx.msk $0xffff, v22;
	v14 =	vld.idx.msk [tilespmem:v14+s17+$0x0], $0xffff  }
0x568: {  	v12 =	vor.u32 v63, v12;
	[tilespmem:v20+s2+$0x0] =	vst.idx.msk $0xffff, v19;
	v18 =	vld.idx.msk [tilespmem:v24+s17+$0x0], $0xffff;
	v19 =	vor.u32 v46, v40  }
0x569: {  	v59 =	vor.u32 v55, v0;
	[tilespmem:v11+s2+$0x0] =	vst.idx.msk $0xffff, v10;
	v10 =	vor.u32 v63, v43;
	v3 =	vld.idx.msk [tilespmem:v53+s17+$0x0], $0xffff  }
0x56a: {  	v60 =	vor.u32 v55, v1;
	v2 =	vld.idx.msk [tilespmem:v57+s17+$0x0], $0xffff;
	[tilespmem:v8+s2+$0x0] =	vst.idx.msk $0xffff, v6  }
0x56b: {  	v61 =	vor.u32 v55, v5;
	[tilespmem:v16+s2+$0x0] =	vst.idx.msk $0xffff, v15;
	v4 =	vld.idx.msk [tilespmem:v58+s17+$0x0], $0xffff  }
0x56c: {  	v7 =	vor.u32 v55, v7;
	[tilespmem:v17+s2+$0x0] =	vst.idx.msk $0xffff, v14;
	v6 =	vld.idx.msk [tilespmem:v9+s17+$0x0], $0xffff  }
0x56d: {  	v9 =	vor.u32 v55, v13;
	[tilespmem:v19+s2+$0x0] =	vst.idx.msk $0xffff, v18;
	v8 =	vld.idx.msk [tilespmem:v12+s17+$0x0], $0xffff  }
0x56e: {  	v63 =	vor.u32 v55, v40;
	[tilespmem:v59+s2+$0x0] =	vst.idx.msk $0xffff, v3;
	v62 =	vld.idx.msk [tilespmem:v10+s17+$0x0], $0xffff  }
0x56f: {  	[tilespmem:v60+s2+$0x0] =	vst.idx.msk $0xffff, v2  }
0x570: {  	[tilespmem:v61+s2+$0x0] =	vst.idx.msk $0xffff, v4  }
0x571: {  	[tilespmem:v7+s2+$0x0] =	vst.idx.msk $0xffff, v6  }
0x572: {  	[tilespmem:v9+s2+$0x0] =	vst.idx.msk $0xffff, v8  }
0x573: {  	[tilespmem:v63+s2+$0x0] =	vst.idx.msk $0xffff, v62  }
0x574: {  	v40 =	vld [tilespmem:$0x1FFF0]  }
0x575: {  	v35 =	vld [tilespmem:$0x1FC60]  }
0x576: {  	v19 =	vld [tilespmem:$0x1FC70]  }
0x577: {  	v14 =	vld [tilespmem:$0x1FC80]  }
0x578: {  	v15 =	vld [tilespmem:$0x1FC90]  }
0x579: {  	v12 =	vld [tilespmem:$0x1FCA0]  }
0x57a: {  	v13 =	vld [tilespmem:$0x1FCB0]  }
0x57b: {  	s0 =	sadd.s32 s28, s22;
	v11 =	vld [tilespmem:$0x1FF40]  }
0x57c: {  	[hbm4b:s0+s4] =	stream.linear.scatter [tilespmem:s2], [sflag:$0x6], $0x1000, $0x38;
	v24 =	vld [tilespmem:$0x1FF30]  }
0x57d: {  	s3 =	simm.s32 $0xD400;
	p0 =	seq.s32 s25, $0x63;
	s0 =	sadd.s32 s28, s23;
	v10 =	vld [tilespmem:$0x1FF50]  }
0x57e: {  	v22 =	vld [tilespmem:$0x1FF60];
	[hbm4b:s0+s4] =	stream.linear.scatter [tilespmem:s3], [sflag:$0x6], $0x1000, $0x38  }
.Ltmp7:
0x57f: {  	v16 =	vld [tilespmem:$0x1FF70];
	(pc) =	sbr.rel @p0 .LBB2_12-.Ltmp7, $4  }
0x580: {  	v21 =	vld [tilespmem:$0x1FF80];
	s0 =	sadd.s32 s28, s24;
	s3 =	simm.s32 $0xE400  }
0x581: {  	v9 =	vld [tilespmem:$0x1FF90];
	[hbm4b:s0+s4] =	stream.linear.scatter [tilespmem:s3], [sflag:$0x6], $0x1000, $0x38  }
0x582: {  	v8 =	vld [tilespmem:$0x1FFA0];
	s3 =	sadd.s32 s28, s26;
	s28 =	simm.s32 $0xF400  }
0x583: {  	v33 =	vmov v36;
	v20 =	vmov v30;
	v17 =	vmov v32;
	v23 =	vld [tilespmem:$0x1FFB0];
	[hbm4b:s3+s4] =	stream.linear.scatter [tilespmem:s28], [sflag:$0x6], $0x1000, $0x38  }
0x584: {  	s0 =	sadd.s32 $0x30, s7  }
0x585: {  	s3 =	sand.u32 $0x1F80, s0  }
0x586: {  	s3 =	sor.u32 s8, s3  }
0x587: {  	s0 =	sand.u32 $0x70, s0;
	s3 =	sshll.u32 s3, $0x7  }
0x588: {  	s0 =	sor.u32 s0, s3  }
0x589: {  	s3 =	sadd.s32 s1, s0  }
0x58a: {  	[tilespmem:s31], [sflag:$0x2] =	stream.linear.gather [hbm4b:s3+s4], $0x80, $0x38;
	[tilespmem:$0x10400] =	vst v63  }
0x58b: {  	s28 =	sadd.s32 s0, s9  }
0x58c: {  	v25 =	vld [tilespmem:$0x1FCF0];
	[tilespmem:s12], [sflag:$0x2] =	stream.linear.gather [hbm4b:s28+s4], $0x80, $0x38  }
.Ltmp8:
0x58d: {  	v44 =	vld [tilespmem:$0x1FD20];
	(pc) =	sbr.rel .LBB2_2-.Ltmp8, $4  }
0x58e: {  	v62 =	vld [tilespmem:$0x1FD00];
	s7 =	sadd.s32 s0, s10;
	s28 =	simm.s32 $0x300  }
0x58f: {  	v57 =	vld [tilespmem:$0x1FD10];
	[tilespmem:s28], [sflag:$0x2] =	stream.linear.gather [hbm4b:s7+s4], $0x80, $0x38  }
0x590: {  	s25 =	sadd.s32 $0x1, s25;
	v61 =	vld [tilespmem:$0x1FE50];
	s0 =	sadd.s32 s0, s11;
	s28 =	simm.s32 $0x380  }
0x591: {  	v31 =	vmov v54;
	v60 =	vld [tilespmem:$0x1FE90];
	[tilespmem:s28], [sflag:$0x2] =	stream.linear.gather [hbm4b:s0+s4], $0x80, $0x38  }
.LBB2_13:
0x592: {  	_ =	sfence.sel $0x180000  }
0x593: {  	[bflag:$0x0] =	sbarrier.arrive $0xFFFF  }
0x594: {  	_ =	strace $0x90000047  }
0x595: {  	s0 =	stileid.u32;
	[bflag:$0x2] =	sbarrier.arrive $0xFFFF  }
0x596: {  	p0 =	sne.s32 s0, $0x0;
	s0 =	rddreg [dreg:$0x3]  }
0x597: {  	s0 =	sadd.s32 @!p0 $0x100000, s0  }
0x598: {  	[sflag:s0] =	ssyncadd.tile.s32 @!p0 $0x1;
	_ =	shalt  }
.Lfunc_end2:
_tile_overlayer_lowered:
.L_overlay_start_2:
0x599: {  	(tag) =	ssettag $0x2  }
0x59a: {  	s0 =	rddreg [dreg:$0x0];
	s2 =	stileid.u32  }
0x59b: {  	s1 =	rddreg [dreg:$0x1];
	p0 =	sne.s32 s2, $0x0  }
0x59c: {  	s3 =	rddreg [dreg:$0x2];
	[bflag:$0x3] =	sbarrier.arrive $0xFFFF;
	s2 =	simm.s32 @!p0 $0x1C07  }
0x59d: {  	[timem:s3], [sflag:s2] =	dma.local @!p0 [hbm:s0], s1  }
0x59e: {  	s0 =	simm.s32 @!p0 $0x7  }
0x59f: {  	_ =	swait.ge @!p0 [sflag:s0], s1  }
0x5a0: {  	s1 =	ssub.s32 @!p0 $0x0, s1;
	[sflag:s0] =	ssyncset.done @!p0 $0x0  }
0x5a1: {  	[sflag:s0] =	ssyncadd.s32 @!p0 s1  }
0x5a2: {  	[bflag:$0x3] =	sbarrier.arrive $0xFFFF  }
0x5a3: {  	_ =	shalt  }

</sc_bundles>
